<compile_context>
chip_gen: v7x
topology: tpu7x:2x2x1
jax: 0.10.2.dev20260603
libtpu: 0.0.44.dev20260713+nightly
codegen_flags: <defaults>
</compile_context>

<pallas_src>
import functools

import jax
import jax.numpy as jnp
from jax import lax
from jax.experimental import pallas as pl
from jax.experimental.pallas import tpu as pltpu
from jax.experimental.pallas import tpu_sc as plsc

N_NODES = 10000
N_EDGES = 160000
D_IN = 256
D_HID = 16
D_OUT = 256

NUM_TILES = 32
CH = 125
NCH = 40
NB = 8
SKEW = 4
N_PAD = 10240
RPT16 = N_PAD // 16
RPT32 = N_PAD // 32

_sc_mesh = plsc.VectorSubcoreMesh(core_axis_name="c", subcore_axis_name="s")
_sc_params = pltpu.CompilerParams(use_tc_tiling_on_sc=False,
                                  needs_layout_passes=False)


def _bit_rsqrt(deg):
    i = plsc.bitcast(deg, jnp.int32)
    y = plsc.bitcast(jnp.int32(0x5F3759DF) - (i >> 1), jnp.float32)
    y = y * (1.5 - 0.5 * deg * y * y)
    y = y * (1.5 - 0.5 * deg * y * y)
    y = y * (1.5 - 0.5 * deg * y * y)
    return y


@functools.partial(
    pl.kernel,
    out_type=jax.ShapeDtypeStruct((2, N_PAD, D_HID), jnp.float32),
    mesh=_sc_mesh,
    scratch_types=[
        pltpu.VMEM((NCH, CH), jnp.int32),
        pltpu.VMEM((CH, D_HID), jnp.float32),
        pltpu.VMEM_SHARED((N_PAD, D_HID), jnp.float32),
        pltpu.SemaphoreType.DMA,
    ],
    compiler_params=_sc_params,
)
def _sc_deg(cols_hbm, ones_hbm, zeros_hbm, out_hbm, cidx, ones_v, acc, dsem):
    c = lax.axis_index("c")
    s = lax.axis_index("s")
    wid = c * 16 + s
    base = s * RPT16
    pltpu.sync_copy(zeros_hbm.at[pl.ds(base, RPT16)],
                    acc.at[pl.ds(base, RPT16)])
    pltpu.sync_copy(cols_hbm.at[wid], cidx)
    pltpu.sync_copy(ones_hbm, ones_v)
    plsc.subcore_barrier()

    def body(j, carry):
        pltpu.sync_copy(ones_v, acc.at[cidx.at[j]], add=True)
        return carry

    lax.fori_loop(0, NCH, body, 0)
    plsc.subcore_barrier()
    pltpu.sync_copy(acc.at[pl.ds(base, RPT16)],
                    out_hbm.at[c].at[pl.ds(base, RPT16)])


@functools.partial(
    pl.kernel,
    out_type=jax.ShapeDtypeStruct((2, N_PAD, D_HID), jnp.float32),
    mesh=_sc_mesh,
    scratch_types=(
        [pltpu.VMEM((NCH, CH), jnp.int32)] * 2
        + [pltpu.VMEM((CH, D_HID), jnp.float32)] * NB
        + [pltpu.VMEM_SHARED((N_PAD, D_HID), jnp.float32)]
        + [pltpu.SemaphoreType.DMA] * (2 * NB)
    ),
    compiler_params=_sc_params,
)
def _sc_agg(rows_hbm, cols_hbm, table_hbm, zeros_hbm, out_hbm,
            ridx, cidx, b0, b1, b2, b3, b4, b5, b6, b7,
            acc, g0, g1, g2, g3, g4, g5, g6, g7,
            s0, s1, s2, s3, s4, s5, s6, s7):
    c = lax.axis_index("c")
    s = lax.axis_index("s")
    wid = c * 16 + s
    base = s * RPT16
    gb = [b0, b1, b2, b3, b4, b5, b6, b7]
    gs = [g0, g1, g2, g3, g4, g5, g6, g7]
    ss = [s0, s1, s2, s3, s4, s5, s6, s7]
    pltpu.sync_copy(zeros_hbm.at[pl.ds(base, RPT16)],
                    acc.at[pl.ds(base, RPT16)])
    pltpu.sync_copy(rows_hbm.at[wid], ridx)
    pltpu.sync_copy(cols_hbm.at[wid], cidx)
    plsc.subcore_barrier()

    for b in range(SKEW):
        pltpu.async_copy(table_hbm.at[ridx.at[b]], gb[b], gs[b])

    def outer(it, carry):
        j0 = it * NB
        for b in range(NB):
            j = j0 + b
            bn = (b + SKEW) % NB
            pltpu.make_async_copy(table_hbm.at[ridx.at[j]], gb[b],
                                  gs[b]).wait()
            pltpu.async_copy(gb[b], acc.at[cidx.at[j]], ss[b], add=True)
            pltpu.make_async_copy(gb[b], acc.at[cidx.at[j]], ss[b]).wait()

            @pl.when(j + SKEW < NCH)
            def _():
                pltpu.async_copy(table_hbm.at[ridx.at[j + SKEW]],
                                 gb[bn], gs[bn])
        return carry

    lax.fori_loop(0, NCH // NB, outer, 0)
    plsc.subcore_barrier()
    pltpu.sync_copy(acc.at[pl.ds(base, RPT16)],
                    out_hbm.at[c].at[pl.ds(base, RPT16)])


@functools.partial(
    pl.kernel,
    out_type=[jax.ShapeDtypeStruct((N_PAD, D_HID), jnp.float32),
              jax.ShapeDtypeStruct((N_PAD, D_HID), jnp.float32)],
    mesh=_sc_mesh,
    scratch_types=[pltpu.VMEM((RPT32, D_HID), jnp.float32)] * 5,
    compiler_params=_sc_params,
)
def _sc_prep(degp_hbm, x1_hbm, xs_hbm, dv_hbm, d0b, d1b, x1b, xsb, dvb):
    c = lax.axis_index("c")
    s = lax.axis_index("s")
    base = (c * 16 + s) * RPT32
    pltpu.sync_copy(degp_hbm.at[0].at[pl.ds(base, RPT32)], d0b)
    pltpu.sync_copy(degp_hbm.at[1].at[pl.ds(base, RPT32)], d1b)
    pltpu.sync_copy(x1_hbm.at[pl.ds(base, RPT32)], x1b)

    def body(r, carry):
        y = _bit_rsqrt(d0b[r] + d1b[r] + 1.0)
        dvb[r] = y
        xsb[r] = x1b[r] * y
        return carry

    lax.fori_loop(0, RPT32, body, 0)
    pltpu.sync_copy(xsb, xs_hbm.at[pl.ds(base, RPT32)])
    pltpu.sync_copy(dvb, dv_hbm.at[pl.ds(base, RPT32)])


@functools.partial(
    pl.kernel,
    out_type=jax.ShapeDtypeStruct((N_PAD, D_HID), jnp.float32),
    mesh=_sc_mesh,
    scratch_types=[pltpu.VMEM((RPT32, D_HID), jnp.float32)] * 5
    + [pltpu.VMEM((D_HID,), jnp.float32)],
    compiler_params=_sc_params,
)
def _sc_mid(p_hbm, dv_hbm, xs_hbm, b1_hbm, hs_hbm,
            p0b, p1b, dvb, xsb, hsb, b1v):
    c = lax.axis_index("c")
    s = lax.axis_index("s")
    base = (c * 16 + s) * RPT32
    pltpu.sync_copy(p_hbm.at[0].at[pl.ds(base, RPT32)], p0b)
    pltpu.sync_copy(p_hbm.at[1].at[pl.ds(base, RPT32)], p1b)
    pltpu.sync_copy(dv_hbm.at[pl.ds(base, RPT32)], dvb)
    pltpu.sync_copy(xs_hbm.at[pl.ds(base, RPT32)], xsb)
    pltpu.sync_copy(b1_hbm, b1v)

    def body(r, carry):
        dv = dvb[r]
        h = jnp.maximum(dv * (p0b[r] + p1b[r] + xsb[r]) + b1v[...], 0.0)
        hsb[r] = h * dv
        return carry

    lax.fori_loop(0, RPT32, body, 0)
    pltpu.sync_copy(hsb, hs_hbm.at[pl.ds(base, RPT32)])


@functools.partial(
    pl.kernel,
    out_type=jax.ShapeDtypeStruct((N_PAD, D_HID), jnp.float32),
    mesh=_sc_mesh,
    scratch_types=[pltpu.VMEM((RPT32, D_HID), jnp.float32)] * 5,
    compiler_params=_sc_params,
)
def _sc_fin(p_hbm, dv_hbm, hs_hbm, g_hbm, p0b, p1b, dvb, hsb, gb):
    c = lax.axis_index("c")
    s = lax.axis_index("s")
    base = (c * 16 + s) * RPT32
    pltpu.sync_copy(p_hbm.at[0].at[pl.ds(base, RPT32)], p0b)
    pltpu.sync_copy(p_hbm.at[1].at[pl.ds(base, RPT32)], p1b)
    pltpu.sync_copy(dv_hbm.at[pl.ds(base, RPT32)], dvb)
    pltpu.sync_copy(hs_hbm.at[pl.ds(base, RPT32)], hsb)

    def body(r, carry):
        gb[r] = dvb[r] * (p0b[r] + p1b[r] + hsb[r])
        return carry

    lax.fori_loop(0, RPT32, body, 0)
    pltpu.sync_copy(gb, g_hbm.at[pl.ds(base, RPT32)])


_BM1 = 2048


def _mm1_body(x_ref, w_ref, o_ref):
    o_ref[...] = jnp.dot(x_ref[...], w_ref[...],
                         preferred_element_type=jnp.float32)


def _tc_mm1(x, W1):
    return pl.pallas_call(
        _mm1_body,
        grid=(N_PAD // _BM1,),
        in_specs=[
            pl.BlockSpec((_BM1, D_IN), lambda i: (i, 0)),
            pl.BlockSpec((D_IN, D_HID), lambda i: (0, 0)),
        ],
        out_specs=pl.BlockSpec((_BM1, D_HID), lambda i: (i, 0)),
        out_shape=jax.ShapeDtypeStruct((N_PAD, D_HID), jnp.float32),
    )(x, W1)


_BM2 = 2000


def _out_body(g_ref, w2_ref, b2_ref, o_ref):
    o_ref[...] = jnp.dot(g_ref[...], w2_ref[...],
                         preferred_element_type=jnp.float32) + b2_ref[...]


def _tc_out(g, W2, b2):
    return pl.pallas_call(
        _out_body,
        grid=(N_NODES // _BM2,),
        in_specs=[pl.BlockSpec((_BM2, D_HID), lambda i: (i, 0)),
                  pl.BlockSpec((D_HID, D_OUT), lambda i: (0, 0)),
                  pl.BlockSpec((1, D_OUT), lambda i: (0, 0))],
        out_specs=pl.BlockSpec((_BM2, D_OUT), lambda i: (i, 0)),
        out_shape=jax.ShapeDtypeStruct((N_NODES, D_OUT), jnp.float32),
    )(g, W2, b2)


def kernel(x, edge_index, W1, b1, W2, b2):
    ei = edge_index.astype(jnp.int32)
    rows = ei[0].reshape(NUM_TILES, NCH, CH)
    cols = ei[1].reshape(NUM_TILES, NCH, CH)
    zeros_big = jnp.zeros((N_PAD, D_HID), jnp.float32)
    ones_small = jnp.ones((CH, D_HID), jnp.float32)

    degp = _sc_deg(cols, ones_small, zeros_big)
    X1 = _tc_mm1(x, W1)
    xs, dv = _sc_prep(degp, X1)

    p1 = _sc_agg(rows, cols, xs, zeros_big)
    hs = _sc_mid(p1, dv, xs, b1.astype(jnp.float32))

    p2 = _sc_agg(rows, cols, hs, zeros_big)
    g = _sc_fin(p2, dv, hs)
    return _tc_out(g, W2, b2.reshape(1, D_OUT).astype(jnp.float32))

# --- scband reference (transcript-rebuilt; emitter-appended) ---
"""Pipeline reference for scband-gnn-24541443129435 (READ-ONLY COPY).

The authoritative reference and input builder live on the scoring server;
editing this copy changes nothing except your own understanding.
"""

import jax, jax.numpy as jnp
import numpy as np

N_NODES = 10000
N_EDGES = 160000
D_IN = 256
D_HID = 16
D_OUT = 256


def gcn_conv(x, edge_index, W, b):
    num_nodes = x.shape[0]
    # linear transform first (as in torch_geometric GCNConv)
    x = x @ W
    # add self loops
    loop = jnp.arange(num_nodes, dtype=edge_index.dtype)
    row = jnp.concatenate([edge_index[0], loop])
    col = jnp.concatenate([edge_index[1], loop])
    # symmetric normalization deg^{-1/2} (degree computed on target nodes)
    ones = jnp.ones(row.shape[0], dtype=x.dtype)
    deg = jnp.zeros((num_nodes,), dtype=x.dtype).at[col].add(ones)
    deg_inv_sqrt = jnp.where(deg > 0, jax.lax.rsqrt(jnp.maximum(deg, 1e-12)), 0.0)
    norm = deg_inv_sqrt[row] * deg_inv_sqrt[col]
    # message = norm * x[src]; aggregate by scatter-add into dst
    msgs = x[row] * norm[:, None]
    out = jnp.zeros((num_nodes, x.shape[1]), dtype=x.dtype).at[col].add(msgs)
    return out + b


def setup_inputs(seed: int = 0) -> dict:
    key = jax.random.key(seed)
    k1, k2, k3, k4 = jax.random.split(key, 4)
    x = jax.random.normal(k1, (N_NODES, D_IN), dtype=jnp.float32)
    edge_index = jax.random.randint(k2, (2, N_EDGES), 0, N_NODES)
    W1 = jax.random.normal(k3, (D_IN, D_HID), dtype=jnp.float32) * (1.0 / np.sqrt(D_IN))
    b1 = jnp.zeros((D_HID,), dtype=jnp.float32)
    W2 = jax.random.normal(k4, (D_HID, D_OUT), dtype=jnp.float32) * (1.0 / np.sqrt(D_HID))
    b2 = jnp.zeros((D_OUT,), dtype=jnp.float32)
    return {"x": x, "edge_index": edge_index, "W1": W1, "b1": b1, "W2": W2, "b2": b2}


def reference(x, edge_index, W1, b1, W2, b2):
    h = jax.nn.relu(gcn_conv(x, edge_index, W1, b1))
    return gcn_conv(h, edge_index, W2, b2)

if __name__ == "__main__":
    import jax
    _d = setup_inputs()
    print(jax.jit(kernel)(*tuple(_d.values())))

</pallas_src>

<mosaic_0001>
#map = affine_map<(d0, d1) -> (0, 0, 0)>
#map1 = affine_map<(d0, d1) -> (0, 0)>
module attributes {stable_mosaic.version = 14 : i64} {
  func.func @_sc_agg(%arg0: i32, %arg1: i32, %arg2: memref<32x40x125xi32, #tpu.memory_space<hbm>>, %arg3: memref<32x40x125xi32, #tpu.memory_space<hbm>>, %arg4: memref<10240x16xf32, #tpu.memory_space<hbm>>, %arg5: memref<10240x16xf32, #tpu.memory_space<hbm>>, %arg6: memref<2x10240x16xf32, #tpu.memory_space<hbm>>, %arg7: memref<40x125xi32, #tpu.memory_space<vmem>>, %arg8: memref<40x125xi32, #tpu.memory_space<vmem>>, %arg9: memref<125x16xf32, #tpu.memory_space<vmem>>, %arg10: memref<125x16xf32, #tpu.memory_space<vmem>>, %arg11: memref<125x16xf32, #tpu.memory_space<vmem>>, %arg12: memref<125x16xf32, #tpu.memory_space<vmem>>, %arg13: memref<125x16xf32, #tpu.memory_space<vmem>>, %arg14: memref<125x16xf32, #tpu.memory_space<vmem>>, %arg15: memref<125x16xf32, #tpu.memory_space<vmem>>, %arg16: memref<125x16xf32, #tpu.memory_space<vmem>>, %arg17: memref<10240x16xf32, #tpu.memory_space<vmem_shared>>, %arg18: memref<!tpu.dma_semaphore, #tpu.memory_space<semaphore_mem>>, %arg19: memref<!tpu.dma_semaphore, #tpu.memory_space<semaphore_mem>>, %arg20: memref<!tpu.dma_semaphore, #tpu.memory_space<semaphore_mem>>, %arg21: memref<!tpu.dma_semaphore, #tpu.memory_space<semaphore_mem>>, %arg22: memref<!tpu.dma_semaphore, #tpu.memory_space<semaphore_mem>>, %arg23: memref<!tpu.dma_semaphore, #tpu.memory_space<semaphore_mem>>, %arg24: memref<!tpu.dma_semaphore, #tpu.memory_space<semaphore_mem>>, %arg25: memref<!tpu.dma_semaphore, #tpu.memory_space<semaphore_mem>>, %arg26: memref<!tpu.dma_semaphore, #tpu.memory_space<semaphore_mem>>, %arg27: memref<!tpu.dma_semaphore, #tpu.memory_space<semaphore_mem>>, %arg28: memref<!tpu.dma_semaphore, #tpu.memory_space<semaphore_mem>>, %arg29: memref<!tpu.dma_semaphore, #tpu.memory_space<semaphore_mem>>, %arg30: memref<!tpu.dma_semaphore, #tpu.memory_space<semaphore_mem>>, %arg31: memref<!tpu.dma_semaphore, #tpu.memory_space<semaphore_mem>>, %arg32: memref<!tpu.dma_semaphore, #tpu.memory_space<semaphore_mem>>, %arg33: memref<!tpu.dma_semaphore, #tpu.memory_space<semaphore_mem>>) attributes {dimension_semantics = [#tpu.dimension_semantics<core_parallel>, #tpu.dimension_semantics<subcore_parallel>], iteration_bounds = array<i64: 2, 16>, scalar_prefetch = 0 : i64, scratch_operands = 27 : i64, tpu.core_type = #tpu.core_type<sc_vector_subcore>, window_params = [{transform_indices = #map}, {transform_indices = #map}, {transform_indices = #map1}, {transform_indices = #map1}, {transform_indices = #map}]} {
    %mul3A = arith.constant 16 : i32
    %mul3A_0 = arith.muli %arg0, %mul3A : i32
    %add3A = arith.addi %mul3A_0, %arg1 : i32
    %mul3A_1 = arith.constant 640 : i32
    %mul3A_2 = arith.muli %arg1, %mul3A_1 : i32
    "tpu.region"() ({
      %run_scoped3A = tpu.sem_alloc : memref<!tpu.dma_semaphore, #tpu.memory_space<semaphore_mem>>
      %dma_start3A_36 = arith.constant 0 : i32
      %dma_start3A_37 = tpu.memref_slice %arg17[%mul3A_2, %dma_start3A_36] : memref<10240x16xf32, #tpu.memory_space<vmem_shared>> -> memref<640x16xf32, #tpu.memory_space<vmem_shared>>
      %dma_start3A_38 = arith.constant 0 : i32
      %dma_start3A_39 = tpu.memref_slice %arg5[%mul3A_2, %dma_start3A_38] : memref<10240x16xf32, #tpu.memory_space<hbm>> -> memref<640x16xf32, #tpu.memory_space<hbm>>
      tpu.enqueue_dma source(%dma_start3A_39 : memref<640x16xf32, #tpu.memory_space<hbm>>) target(%dma_start3A_37 : memref<640x16xf32, #tpu.memory_space<vmem_shared>>) target_semaphore(%run_scoped3A : memref<!tpu.dma_semaphore, #tpu.memory_space<semaphore_mem>>)
      %dma_wait3A = arith.constant 0 : i32
      %dma_wait3A_40 = tpu.memref_slice %arg17[%mul3A_2, %dma_wait3A] : memref<10240x16xf32, #tpu.memory_space<vmem_shared>> -> memref<640x16xf32, #tpu.memory_space<vmem_shared>>
      %dma_wait3A_41 = arith.constant 0 : i32
      %dma_wait3A_42 = tpu.memref_slice %arg5[%mul3A_2, %dma_wait3A_41] : memref<10240x16xf32, #tpu.memory_space<hbm>> -> memref<640x16xf32, #tpu.memory_space<hbm>>
      tpu.wait_dma2 semaphore(%run_scoped3A : memref<!tpu.dma_semaphore, #tpu.memory_space<semaphore_mem>>) src(%dma_wait3A_42 : memref<640x16xf32, #tpu.memory_space<hbm>>) dst(%dma_wait3A_40 : memref<640x16xf32, #tpu.memory_space<vmem_shared>>)
      tpu.yield
    }) : () -> ()
    "tpu.region"() ({
      %run_scoped3A = tpu.sem_alloc : memref<!tpu.dma_semaphore, #tpu.memory_space<semaphore_mem>>
      %dma_start3A_36 = arith.constant 0 : i32
      %dma_start3A_37 = arith.constant 0 : i32
      %dma_start3A_38 = tpu.memref_slice %arg2[%add3A, %dma_start3A_36, %dma_start3A_37] : memref<32x40x125xi32, #tpu.memory_space<hbm>> -> memref<1x40x125xi32, #tpu.memory_space<hbm>>
      %dma_start3A_39 = tpu.memref_squeeze %dma_start3A_38 : memref<1x40x125xi32, #tpu.memory_space<hbm>> -> memref<40x125xi32, #tpu.memory_space<hbm>>
      %dma_start3A_40 = arith.constant 0 : i32
      %dma_start3A_41 = arith.constant 0 : i32
      %dma_start3A_42 = tpu.memref_slice %arg2[%add3A, %dma_start3A_40, %dma_start3A_41] : memref<32x40x125xi32, #tpu.memory_space<hbm>> -> memref<1x40x125xi32, #tpu.memory_space<hbm>>
      %dma_start3A_43 = tpu.memref_squeeze %dma_start3A_42 : memref<1x40x125xi32, #tpu.memory_space<hbm>> -> memref<40x125xi32, #tpu.memory_space<hbm>>
      tpu.enqueue_dma source(%dma_start3A_43 : memref<40x125xi32, #tpu.memory_space<hbm>>) target(%arg7 : memref<40x125xi32, #tpu.memory_space<vmem>>) target_semaphore(%run_scoped3A : memref<!tpu.dma_semaphore, #tpu.memory_space<semaphore_mem>>)
      %dma_wait3A = arith.constant 0 : i32
      %dma_wait3A_44 = arith.constant 0 : i32
      %dma_wait3A_45 = tpu.memref_slice %arg2[%add3A, %dma_wait3A, %dma_wait3A_44] : memref<32x40x125xi32, #tpu.memory_space<hbm>> -> memref<1x40x125xi32, #tpu.memory_space<hbm>>
      %dma_wait3A_46 = tpu.memref_squeeze %dma_wait3A_45 : memref<1x40x125xi32, #tpu.memory_space<hbm>> -> memref<40x125xi32, #tpu.memory_space<hbm>>
      %dma_wait3A_47 = arith.constant 0 : i32
      %dma_wait3A_48 = arith.constant 0 : i32
      %dma_wait3A_49 = tpu.memref_slice %arg2[%add3A, %dma_wait3A_47, %dma_wait3A_48] : memref<32x40x125xi32, #tpu.memory_space<hbm>> -> memref<1x40x125xi32, #tpu.memory_space<hbm>>
      %dma_wait3A_50 = tpu.memref_squeeze %dma_wait3A_49 : memref<1x40x125xi32, #tpu.memory_space<hbm>> -> memref<40x125xi32, #tpu.memory_space<hbm>>
      tpu.wait_dma2 semaphore(%run_scoped3A : memref<!tpu.dma_semaphore, #tpu.memory_space<semaphore_mem>>) src(%dma_wait3A_50 : memref<40x125xi32, #tpu.memory_space<hbm>>) dst(%arg7 : memref<40x125xi32, #tpu.memory_space<vmem>>)
      tpu.yield
    }) : () -> ()
    "tpu.region"() ({
      %run_scoped3A = tpu.sem_alloc : memref<!tpu.dma_semaphore, #tpu.memory_space<semaphore_mem>>
      %dma_start3A_36 = arith.constant 0 : i32
      %dma_start3A_37 = arith.constant 0 : i32
      %dma_start3A_38 = tpu.memref_slice %arg3[%add3A, %dma_start3A_36, %dma_start3A_37] : memref<32x40x125xi32, #tpu.memory_space<hbm>> -> memref<1x40x125xi32, #tpu.memory_space<hbm>>
      %dma_start3A_39 = tpu.memref_squeeze %dma_start3A_38 : memref<1x40x125xi32, #tpu.memory_space<hbm>> -> memref<40x125xi32, #tpu.memory_space<hbm>>
      %dma_start3A_40 = arith.constant 0 : i32
      %dma_start3A_41 = arith.constant 0 : i32
      %dma_start3A_42 = tpu.memref_slice %arg3[%add3A, %dma_start3A_40, %dma_start3A_41] : memref<32x40x125xi32, #tpu.memory_space<hbm>> -> memref<1x40x125xi32, #tpu.memory_space<hbm>>
      %dma_start3A_43 = tpu.memref_squeeze %dma_start3A_42 : memref<1x40x125xi32, #tpu.memory_space<hbm>> -> memref<40x125xi32, #tpu.memory_space<hbm>>
      tpu.enqueue_dma source(%dma_start3A_43 : memref<40x125xi32, #tpu.memory_space<hbm>>) target(%arg8 : memref<40x125xi32, #tpu.memory_space<vmem>>) target_semaphore(%run_scoped3A : memref<!tpu.dma_semaphore, #tpu.memory_space<semaphore_mem>>)
      %dma_wait3A = arith.constant 0 : i32
      %dma_wait3A_44 = arith.constant 0 : i32
      %dma_wait3A_45 = tpu.memref_slice %arg3[%add3A, %dma_wait3A, %dma_wait3A_44] : memref<32x40x125xi32, #tpu.memory_space<hbm>> -> memref<1x40x125xi32, #tpu.memory_space<hbm>>
      %dma_wait3A_46 = tpu.memref_squeeze %dma_wait3A_45 : memref<1x40x125xi32, #tpu.memory_space<hbm>> -> memref<40x125xi32, #tpu.memory_space<hbm>>
      %dma_wait3A_47 = arith.constant 0 : i32
      %dma_wait3A_48 = arith.constant 0 : i32
      %dma_wait3A_49 = tpu.memref_slice %arg3[%add3A, %dma_wait3A_47, %dma_wait3A_48] : memref<32x40x125xi32, #tpu.memory_space<hbm>> -> memref<1x40x125xi32, #tpu.memory_space<hbm>>
      %dma_wait3A_50 = tpu.memref_squeeze %dma_wait3A_49 : memref<1x40x125xi32, #tpu.memory_space<hbm>> -> memref<40x125xi32, #tpu.memory_space<hbm>>
      tpu.wait_dma2 semaphore(%run_scoped3A : memref<!tpu.dma_semaphore, #tpu.memory_space<semaphore_mem>>) src(%dma_wait3A_50 : memref<40x125xi32, #tpu.memory_space<hbm>>) dst(%arg8 : memref<40x125xi32, #tpu.memory_space<vmem>>)
      tpu.yield
    }) : () -> ()
    %barrier3A = arith.constant 0 : index
    tpu.barrier barrier_id(%barrier3A)
    %dma_start3A = arith.constant 0 : i32
    %dma_start3A_3 = arith.constant 0 : i32
    %dma_start3A_4 = tpu.memref_slice %arg7[%dma_start3A, %dma_start3A_3] : memref<40x125xi32, #tpu.memory_space<vmem>> -> memref<1x125xi32, #tpu.memory_space<vmem>>
    %dma_start3A_5 = tpu.memref_squeeze %dma_start3A_4 : memref<1x125xi32, #tpu.memory_space<vmem>> -> memref<125xi32, #tpu.memory_space<vmem>>
    %dma_start3A_6 = arith.constant 0 : i32
    %dma_start3A_7 = arith.constant 0 : i32
    %dma_start3A_8 = tpu.memref_slice %arg4[%dma_start3A_6, %dma_start3A_7] : memref<10240x16xf32, #tpu.memory_space<hbm>> -> memref<10240x16xf32, #tpu.memory_space<hbm>>
    tpu.enqueue_indirect_dma source(%dma_start3A_8 : memref<10240x16xf32, #tpu.memory_space<hbm>>) target(%arg9 : memref<125x16xf32, #tpu.memory_space<vmem>>) offsets(%dma_start3A_5 : memref<125xi32, #tpu.memory_space<vmem>>) semaphore(%arg18 : memref<!tpu.dma_semaphore, #tpu.memory_space<semaphore_mem>>)
    %dma_start3A_9 = arith.constant 1 : i32
    %dma_start3A_10 = arith.constant 0 : i32
    %dma_start3A_11 = tpu.memref_slice %arg7[%dma_start3A_9, %dma_start3A_10] : memref<40x125xi32, #tpu.memory_space<vmem>> -> memref<1x125xi32, #tpu.memory_space<vmem>>
    %dma_start3A_12 = tpu.memref_squeeze %dma_start3A_11 : memref<1x125xi32, #tpu.memory_space<vmem>> -> memref<125xi32, #tpu.memory_space<vmem>>
    %dma_start3A_13 = arith.constant 0 : i32
    %dma_start3A_14 = arith.constant 0 : i32
    %dma_start3A_15 = tpu.memref_slice %arg4[%dma_start3A_13, %dma_start3A_14] : memref<10240x16xf32, #tpu.memory_space<hbm>> -> memref<10240x16xf32, #tpu.memory_space<hbm>>
    tpu.enqueue_indirect_dma source(%dma_start3A_15 : memref<10240x16xf32, #tpu.memory_space<hbm>>) target(%arg10 : memref<125x16xf32, #tpu.memory_space<vmem>>) offsets(%dma_start3A_12 : memref<125xi32, #tpu.memory_space<vmem>>) semaphore(%arg19 : memref<!tpu.dma_semaphore, #tpu.memory_space<semaphore_mem>>)
    %dma_start3A_16 = arith.constant 2 : i32
    %dma_start3A_17 = arith.constant 0 : i32
    %dma_start3A_18 = tpu.memref_slice %arg7[%dma_start3A_16, %dma_start3A_17] : memref<40x125xi32, #tpu.memory_space<vmem>> -> memref<1x125xi32, #tpu.memory_space<vmem>>
    %dma_start3A_19 = tpu.memref_squeeze %dma_start3A_18 : memref<1x125xi32, #tpu.memory_space<vmem>> -> memref<125xi32, #tpu.memory_space<vmem>>
    %dma_start3A_20 = arith.constant 0 : i32
    %dma_start3A_21 = arith.constant 0 : i32
    %dma_start3A_22 = tpu.memref_slice %arg4[%dma_start3A_20, %dma_start3A_21] : memref<10240x16xf32, #tpu.memory_space<hbm>> -> memref<10240x16xf32, #tpu.memory_space<hbm>>
    tpu.enqueue_indirect_dma source(%dma_start3A_22 : memref<10240x16xf32, #tpu.memory_space<hbm>>) target(%arg11 : memref<125x16xf32, #tpu.memory_space<vmem>>) offsets(%dma_start3A_19 : memref<125xi32, #tpu.memory_space<vmem>>) semaphore(%arg20 : memref<!tpu.dma_semaphore, #tpu.memory_space<semaphore_mem>>)
    %dma_start3A_23 = arith.constant 3 : i32
    %dma_start3A_24 = arith.constant 0 : i32
    %dma_start3A_25 = tpu.memref_slice %arg7[%dma_start3A_23, %dma_start3A_24] : memref<40x125xi32, #tpu.memory_space<vmem>> -> memref<1x125xi32, #tpu.memory_space<vmem>>
    %dma_start3A_26 = tpu.memref_squeeze %dma_start3A_25 : memref<1x125xi32, #tpu.memory_space<vmem>> -> memref<125xi32, #tpu.memory_space<vmem>>
    %dma_start3A_27 = arith.constant 0 : i32
    %dma_start3A_28 = arith.constant 0 : i32
    %dma_start3A_29 = tpu.memref_slice %arg4[%dma_start3A_27, %dma_start3A_28] : memref<10240x16xf32, #tpu.memory_space<hbm>> -> memref<10240x16xf32, #tpu.memory_space<hbm>>
    tpu.enqueue_indirect_dma source(%dma_start3A_29 : memref<10240x16xf32, #tpu.memory_space<hbm>>) target(%arg12 : memref<125x16xf32, #tpu.memory_space<vmem>>) offsets(%dma_start3A_26 : memref<125xi32, #tpu.memory_space<vmem>>) semaphore(%arg21 : memref<!tpu.dma_semaphore, #tpu.memory_space<semaphore_mem>>)
    %scan3A = arith.constant 0 : i32
    %scan3A_30 = arith.constant 0 : i32
    %scan3A_31 = arith.constant 5 : i32
    %scan3A_32 = arith.addi %scan3A_30, %scan3A_31 : i32
    %scan3A_33 = arith.constant 1 : i32
    scf.for %scan3A_36 = %scan3A_30 to %scan3A_32 step %scan3A_33  : i32 {
      %mul3A_37 = arith.constant 8 : i32
      %mul3A_38 = arith.muli %scan3A_36, %mul3A_37 : i32
      %add3A_39 = arith.constant 0 : i32
      %add3A_40 = arith.addi %mul3A_38, %add3A_39 : i32
      %dma_wait3A = arith.constant 0 : i32
      %dma_wait3A_41 = tpu.memref_slice %arg7[%add3A_40, %dma_wait3A] : memref<40x125xi32, #tpu.memory_space<vmem>> -> memref<1x125xi32, #tpu.memory_space<vmem>>
      %dma_wait3A_42 = tpu.memref_squeeze %dma_wait3A_41 : memref<1x125xi32, #tpu.memory_space<vmem>> -> memref<125xi32, #tpu.memory_space<vmem>>
      %dma_wait3A_43 = arith.constant 0 : i32
      %dma_wait3A_44 = arith.constant 0 : i32
      %dma_wait3A_45 = tpu.memref_slice %arg4[%dma_wait3A_43, %dma_wait3A_44] : memref<10240x16xf32, #tpu.memory_space<hbm>> -> memref<10240x16xf32, #tpu.memory_space<hbm>>
      tpu.wait_indirect_dma semaphore(%arg18 : memref<!tpu.dma_semaphore, #tpu.memory_space<semaphore_mem>>) src(%dma_wait3A_45 : memref<10240x16xf32, #tpu.memory_space<hbm>>) dst(%arg9 : memref<125x16xf32, #tpu.memory_space<vmem>>)
      %dma_start3A_46 = arith.constant 0 : i32
      %dma_start3A_47 = tpu.memref_slice %arg8[%add3A_40, %dma_start3A_46] : memref<40x125xi32, #tpu.memory_space<vmem>> -> memref<1x125xi32, #tpu.memory_space<vmem>>
      %dma_start3A_48 = tpu.memref_squeeze %dma_start3A_47 : memref<1x125xi32, #tpu.memory_space<vmem>> -> memref<125xi32, #tpu.memory_space<vmem>>
      %dma_start3A_49 = arith.constant 0 : i32
      %dma_start3A_50 = arith.constant 0 : i32
      %dma_start3A_51 = tpu.memref_slice %arg17[%dma_start3A_49, %dma_start3A_50] : memref<10240x16xf32, #tpu.memory_space<vmem_shared>> -> memref<10240x16xf32, #tpu.memory_space<vmem_shared>>
      tpu.enqueue_indirect_dma source(%arg9 : memref<125x16xf32, #tpu.memory_space<vmem>>) target(%dma_start3A_51 : memref<10240x16xf32, #tpu.memory_space<vmem_shared>>) offsets(%dma_start3A_48 : memref<125xi32, #tpu.memory_space<vmem>>) semaphore(%arg26 : memref<!tpu.dma_semaphore, #tpu.memory_space<semaphore_mem>>) {add = true}
      %dma_wait3A_52 = arith.constant 0 : i32
      %dma_wait3A_53 = tpu.memref_slice %arg8[%add3A_40, %dma_wait3A_52] : memref<40x125xi32, #tpu.memory_space<vmem>> -> memref<1x125xi32, #tpu.memory_space<vmem>>
      %dma_wait3A_54 = tpu.memref_squeeze %dma_wait3A_53 : memref<1x125xi32, #tpu.memory_space<vmem>> -> memref<125xi32, #tpu.memory_space<vmem>>
      %dma_wait3A_55 = arith.constant 0 : i32
      %dma_wait3A_56 = arith.constant 0 : i32
      %dma_wait3A_57 = tpu.memref_slice %arg17[%dma_wait3A_55, %dma_wait3A_56] : memref<10240x16xf32, #tpu.memory_space<vmem_shared>> -> memref<10240x16xf32, #tpu.memory_space<vmem_shared>>
      tpu.wait_indirect_dma semaphore(%arg26 : memref<!tpu.dma_semaphore, #tpu.memory_space<semaphore_mem>>) src(%arg9 : memref<125x16xf32, #tpu.memory_space<vmem>>) dst(%dma_wait3A_57 : memref<10240x16xf32, #tpu.memory_space<vmem_shared>>)
      %add3A_58 = arith.constant 4 : i32
      %add3A_59 = arith.addi %add3A_40, %add3A_58 : i32
      %lt3A = arith.constant 40 : i32
      %lt3A_60 = arith.cmpi slt, %add3A_59, %lt3A : i32
      %convert_element_type3A = arith.extui %lt3A_60 : i1 to i32
      %cond3A = arith.constant 0 : i32
      %cond3A_61 = arith.cmpi ne, %convert_element_type3A, %cond3A : i32
      scf.if %cond3A_61 {
        %add3A_251 = arith.constant 4 : i32
        %add3A_252 = arith.addi %add3A_40, %add3A_251 : i32
        %dma_start3A_253 = arith.constant 0 : i32
        %dma_start3A_254 = tpu.memref_slice %arg7[%add3A_252, %dma_start3A_253] : memref<40x125xi32, #tpu.memory_space<vmem>> -> memref<1x125xi32, #tpu.memory_space<vmem>>
        %dma_start3A_255 = tpu.memref_squeeze %dma_start3A_254 : memref<1x125xi32, #tpu.memory_space<vmem>> -> memref<125xi32, #tpu.memory_space<vmem>>
        %dma_start3A_256 = arith.constant 0 : i32
        %dma_start3A_257 = arith.constant 0 : i32
        %dma_start3A_258 = tpu.memref_slice %arg4[%dma_start3A_256, %dma_start3A_257] : memref<10240x16xf32, #tpu.memory_space<hbm>> -> memref<10240x16xf32, #tpu.memory_space<hbm>>
        tpu.enqueue_indirect_dma source(%dma_start3A_258 : memref<10240x16xf32, #tpu.memory_space<hbm>>) target(%arg13 : memref<125x16xf32, #tpu.memory_space<vmem>>) offsets(%dma_start3A_255 : memref<125xi32, #tpu.memory_space<vmem>>) semaphore(%arg22 : memref<!tpu.dma_semaphore, #tpu.memory_space<semaphore_mem>>)
      } else {
      }
      %add3A_62 = arith.constant 1 : i32
      %add3A_63 = arith.addi %mul3A_38, %add3A_62 : i32
      %dma_wait3A_64 = arith.constant 0 : i32
      %dma_wait3A_65 = tpu.memref_slice %arg7[%add3A_63, %dma_wait3A_64] : memref<40x125xi32, #tpu.memory_space<vmem>> -> memref<1x125xi32, #tpu.memory_space<vmem>>
      %dma_wait3A_66 = tpu.memref_squeeze %dma_wait3A_65 : memref<1x125xi32, #tpu.memory_space<vmem>> -> memref<125xi32, #tpu.memory_space<vmem>>
      %dma_wait3A_67 = arith.constant 0 : i32
      %dma_wait3A_68 = arith.constant 0 : i32
      %dma_wait3A_69 = tpu.memref_slice %arg4[%dma_wait3A_67, %dma_wait3A_68] : memref<10240x16xf32, #tpu.memory_space<hbm>> -> memref<10240x16xf32, #tpu.memory_space<hbm>>
      tpu.wait_indirect_dma semaphore(%arg19 : memref<!tpu.dma_semaphore, #tpu.memory_space<semaphore_mem>>) src(%dma_wait3A_69 : memref<10240x16xf32, #tpu.memory_space<hbm>>) dst(%arg10 : memref<125x16xf32, #tpu.memory_space<vmem>>)
      %dma_start3A_70 = arith.constant 0 : i32
      %dma_start3A_71 = tpu.memref_slice %arg8[%add3A_63, %dma_start3A_70] : memref<40x125xi32, #tpu.memory_space<vmem>> -> memref<1x125xi32, #tpu.memory_space<vmem>>
      %dma_start3A_72 = tpu.memref_squeeze %dma_start3A_71 : memref<1x125xi32, #tpu.memory_space<vmem>> -> memref<125xi32, #tpu.memory_space<vmem>>
      %dma_start3A_73 = arith.constant 0 : i32
      %dma_start3A_74 = arith.constant 0 : i32
      %dma_start3A_75 = tpu.memref_slice %arg17[%dma_start3A_73, %dma_start3A_74] : memref<10240x16xf32, #tpu.memory_space<vmem_shared>> -> memref<10240x16xf32, #tpu.memory_space<vmem_shared>>
      tpu.enqueue_indirect_dma source(%arg10 : memref<125x16xf32, #tpu.memory_space<vmem>>) target(%dma_start3A_75 : memref<10240x16xf32, #tpu.memory_space<vmem_shared>>) offsets(%dma_start3A_72 : memref<125xi32, #tpu.memory_space<vmem>>) semaphore(%arg27 : memref<!tpu.dma_semaphore, #tpu.memory_space<semaphore_mem>>) {add = true}
      %dma_wait3A_76 = arith.constant 0 : i32
      %dma_wait3A_77 = tpu.memref_slice %arg8[%add3A_63, %dma_wait3A_76] : memref<40x125xi32, #tpu.memory_space<vmem>> -> memref<1x125xi32, #tpu.memory_space<vmem>>
      %dma_wait3A_78 = tpu.memref_squeeze %dma_wait3A_77 : memref<1x125xi32, #tpu.memory_space<vmem>> -> memref<125xi32, #tpu.memory_space<vmem>>
      %dma_wait3A_79 = arith.constant 0 : i32
      %dma_wait3A_80 = arith.constant 0 : i32
      %dma_wait3A_81 = tpu.memref_slice %arg17[%dma_wait3A_79, %dma_wait3A_80] : memref<10240x16xf32, #tpu.memory_space<vmem_shared>> -> memref<10240x16xf32, #tpu.memory_space<vmem_shared>>
      tpu.wait_indirect_dma semaphore(%arg27 : memref<!tpu.dma_semaphore, #tpu.memory_space<semaphore_mem>>) src(%arg10 : memref<125x16xf32, #tpu.memory_space<vmem>>) dst(%dma_wait3A_81 : memref<10240x16xf32, #tpu.memory_space<vmem_shared>>)
      %add3A_82 = arith.constant 4 : i32
      %add3A_83 = arith.addi %add3A_63, %add3A_82 : i32
      %lt3A_84 = arith.constant 40 : i32
      %lt3A_85 = arith.cmpi slt, %add3A_83, %lt3A_84 : i32
      %convert_element_type3A_86 = arith.extui %lt3A_85 : i1 to i32
      %cond3A_87 = arith.constant 0 : i32
      %cond3A_88 = arith.cmpi ne, %convert_element_type3A_86, %cond3A_87 : i32
      scf.if %cond3A_88 {
        %add3A_251 = arith.constant 4 : i32
        %add3A_252 = arith.addi %add3A_63, %add3A_251 : i32
        %dma_start3A_253 = arith.constant 0 : i32
        %dma_start3A_254 = tpu.memref_slice %arg7[%add3A_252, %dma_start3A_253] : memref<40x125xi32, #tpu.memory_space<vmem>> -> memref<1x125xi32, #tpu.memory_space<vmem>>
        %dma_start3A_255 = tpu.memref_squeeze %dma_start3A_254 : memref<1x125xi32, #tpu.memory_space<vmem>> -> memref<125xi32, #tpu.memory_space<vmem>>
        %dma_start3A_256 = arith.constant 0 : i32
        %dma_start3A_257 = arith.constant 0 : i32
        %dma_start3A_258 = tpu.memref_slice %arg4[%dma_start3A_256, %dma_start3A_257] : memref<10240x16xf32, #tpu.memory_space<hbm>> -> memref<10240x16xf32, #tpu.memory_space<hbm>>
        tpu.enqueue_indirect_dma source(%dma_start3A_258 : memref<10240x16xf32, #tpu.memory_space<hbm>>) target(%arg14 : memref<125x16xf32, #tpu.memory_space<vmem>>) offsets(%dma_start3A_255 : memref<125xi32, #tpu.memory_space<vmem>>) semaphore(%arg23 : memref<!tpu.dma_semaphore, #tpu.memory_space<semaphore_mem>>)
      } else {
      }
      %add3A_89 = arith.constant 2 : i32
      %add3A_90 = arith.addi %mul3A_38, %add3A_89 : i32
      %dma_wait3A_91 = arith.constant 0 : i32
      %dma_wait3A_92 = tpu.memref_slice %arg7[%add3A_90, %dma_wait3A_91] : memref<40x125xi32, #tpu.memory_space<vmem>> -> memref<1x125xi32, #tpu.memory_space<vmem>>
      %dma_wait3A_93 = tpu.memref_squeeze %dma_wait3A_92 : memref<1x125xi32, #tpu.memory_space<vmem>> -> memref<125xi32, #tpu.memory_space<vmem>>
      %dma_wait3A_94 = arith.constant 0 : i32
      %dma_wait3A_95 = arith.constant 0 : i32
      %dma_wait3A_96 = tpu.memref_slice %arg4[%dma_wait3A_94, %dma_wait3A_95] : memref<10240x16xf32, #tpu.memory_space<hbm>> -> memref<10240x16xf32, #tpu.memory_space<hbm>>
      tpu.wait_indirect_dma semaphore(%arg20 : memref<!tpu.dma_semaphore, #tpu.memory_space<semaphore_mem>>) src(%dma_wait3A_96 : memref<10240x16xf32, #tpu.memory_space<hbm>>) dst(%arg11 : memref<125x16xf32, #tpu.memory_space<vmem>>)
      %dma_start3A_97 = arith.constant 0 : i32
      %dma_start3A_98 = tpu.memref_slice %arg8[%add3A_90, %dma_start3A_97] : memref<40x125xi32, #tpu.memory_space<vmem>> -> memref<1x125xi32, #tpu.memory_space<vmem>>
      %dma_start3A_99 = tpu.memref_squeeze %dma_start3A_98 : memref<1x125xi32, #tpu.memory_space<vmem>> -> memref<125xi32, #tpu.memory_space<vmem>>
      %dma_start3A_100 = arith.constant 0 : i32
      %dma_start3A_101 = arith.constant 0 : i32
      %dma_start3A_102 = tpu.memref_slice %arg17[%dma_start3A_100, %dma_start3A_101] : memref<10240x16xf32, #tpu.memory_space<vmem_shared>> -> memref<10240x16xf32, #tpu.memory_space<vmem_shared>>
      tpu.enqueue_indirect_dma source(%arg11 : memref<125x16xf32, #tpu.memory_space<vmem>>) target(%dma_start3A_102 : memref<10240x16xf32, #tpu.memory_space<vmem_shared>>) offsets(%dma_start3A_99 : memref<125xi32, #tpu.memory_space<vmem>>) semaphore(%arg28 : memref<!tpu.dma_semaphore, #tpu.memory_space<semaphore_mem>>) {add = true}
      %dma_wait3A_103 = arith.constant 0 : i32
      %dma_wait3A_104 = tpu.memref_slice %arg8[%add3A_90, %dma_wait3A_103] : memref<40x125xi32, #tpu.memory_space<vmem>> -> memref<1x125xi32, #tpu.memory_space<vmem>>
      %dma_wait3A_105 = tpu.memref_squeeze %dma_wait3A_104 : memref<1x125xi32, #tpu.memory_space<vmem>> -> memref<125xi32, #tpu.memory_space<vmem>>
      %dma_wait3A_106 = arith.constant 0 : i32
      %dma_wait3A_107 = arith.constant 0 : i32
      %dma_wait3A_108 = tpu.memref_slice %arg17[%dma_wait3A_106, %dma_wait3A_107] : memref<10240x16xf32, #tpu.memory_space<vmem_shared>> -> memref<10240x16xf32, #tpu.memory_space<vmem_shared>>
      tpu.wait_indirect_dma semaphore(%arg28 : memref<!tpu.dma_semaphore, #tpu.memory_space<semaphore_mem>>) src(%arg11 : memref<125x16xf32, #tpu.memory_space<vmem>>) dst(%dma_wait3A_108 : memref<10240x16xf32, #tpu.memory_space<vmem_shared>>)
      %add3A_109 = arith.constant 4 : i32
      %add3A_110 = arith.addi %add3A_90, %add3A_109 : i32
      %lt3A_111 = arith.constant 40 : i32
      %lt3A_112 = arith.cmpi slt, %add3A_110, %lt3A_111 : i32
      %convert_element_type3A_113 = arith.extui %lt3A_112 : i1 to i32
      %cond3A_114 = arith.constant 0 : i32
      %cond3A_115 = arith.cmpi ne, %convert_element_type3A_113, %cond3A_114 : i32
      scf.if %cond3A_115 {
        %add3A_251 = arith.constant 4 : i32
        %add3A_252 = arith.addi %add3A_90, %add3A_251 : i32
        %dma_start3A_253 = arith.constant 0 : i32
        %dma_start3A_254 = tpu.memref_slice %arg7[%add3A_252, %dma_start3A_253] : memref<40x125xi32, #tpu.memory_space<vmem>> -> memref<1x125xi32, #tpu.memory_space<vmem>>
        %dma_start3A_255 = tpu.memref_squeeze %dma_start3A_254 : memref<1x125xi32, #tpu.memory_space<vmem>> -> memref<125xi32, #tpu.memory_space<vmem>>
        %dma_start3A_256 = arith.constant 0 : i32
        %dma_start3A_257 = arith.constant 0 : i32
        %dma_start3A_258 = tpu.memref_slice %arg4[%dma_start3A_256, %dma_start3A_257] : memref<10240x16xf32, #tpu.memory_space<hbm>> -> memref<10240x16xf32, #tpu.memory_space<hbm>>
        tpu.enqueue_indirect_dma source(%dma_start3A_258 : memref<10240x16xf32, #tpu.memory_space<hbm>>) target(%arg15 : memref<125x16xf32, #tpu.memory_space<vmem>>) offsets(%dma_start3A_255 : memref<125xi32, #tpu.memory_space<vmem>>) semaphore(%arg24 : memref<!tpu.dma_semaphore, #tpu.memory_space<semaphore_mem>>)
      } else {
      }
      %add3A_116 = arith.constant 3 : i32
      %add3A_117 = arith.addi %mul3A_38, %add3A_116 : i32
      %dma_wait3A_118 = arith.constant 0 : i32
      %dma_wait3A_119 = tpu.memref_slice %arg7[%add3A_117, %dma_wait3A_118] : memref<40x125xi32, #tpu.memory_space<vmem>> -> memref<1x125xi32, #tpu.memory_space<vmem>>
      %dma_wait3A_120 = tpu.memref_squeeze %dma_wait3A_119 : memref<1x125xi32, #tpu.memory_space<vmem>> -> memref<125xi32, #tpu.memory_space<vmem>>
      %dma_wait3A_121 = arith.constant 0 : i32
      %dma_wait3A_122 = arith.constant 0 : i32
      %dma_wait3A_123 = tpu.memref_slice %arg4[%dma_wait3A_121, %dma_wait3A_122] : memref<10240x16xf32, #tpu.memory_space<hbm>> -> memref<10240x16xf32, #tpu.memory_space<hbm>>
      tpu.wait_indirect_dma semaphore(%arg21 : memref<!tpu.dma_semaphore, #tpu.memory_space<semaphore_mem>>) src(%dma_wait3A_123 : memref<10240x16xf32, #tpu.memory_space<hbm>>) dst(%arg12 : memref<125x16xf32, #tpu.memory_space<vmem>>)
      %dma_start3A_124 = arith.constant 0 : i32
      %dma_start3A_125 = tpu.memref_slice %arg8[%add3A_117, %dma_start3A_124] : memref<40x125xi32, #tpu.memory_space<vmem>> -> memref<1x125xi32, #tpu.memory_space<vmem>>
      %dma_start3A_126 = tpu.memref_squeeze %dma_start3A_125 : memref<1x125xi32, #tpu.memory_space<vmem>> -> memref<125xi32, #tpu.memory_space<vmem>>
      %dma_start3A_127 = arith.constant 0 : i32
      %dma_start3A_128 = arith.constant 0 : i32
      %dma_start3A_129 = tpu.memref_slice %arg17[%dma_start3A_127, %dma_start3A_128] : memref<10240x16xf32, #tpu.memory_space<vmem_shared>> -> memref<10240x16xf32, #tpu.memory_space<vmem_shared>>
      tpu.enqueue_indirect_dma source(%arg12 : memref<125x16xf32, #tpu.memory_space<vmem>>) target(%dma_start3A_129 : memref<10240x16xf32, #tpu.memory_space<vmem_shared>>) offsets(%dma_start3A_126 : memref<125xi32, #tpu.memory_space<vmem>>) semaphore(%arg29 : memref<!tpu.dma_semaphore, #tpu.memory_space<semaphore_mem>>) {add = true}
      %dma_wait3A_130 = arith.constant 0 : i32
      %dma_wait3A_131 = tpu.memref_slice %arg8[%add3A_117, %dma_wait3A_130] : memref<40x125xi32, #tpu.memory_space<vmem>> -> memref<1x125xi32, #tpu.memory_space<vmem>>
      %dma_wait3A_132 = tpu.memref_squeeze %dma_wait3A_131 : memref<1x125xi32, #tpu.memory_space<vmem>> -> memref<125xi32, #tpu.memory_space<vmem>>
      %dma_wait3A_133 = arith.constant 0 : i32
      %dma_wait3A_134 = arith.constant 0 : i32
      %dma_wait3A_135 = tpu.memref_slice %arg17[%dma_wait3A_133, %dma_wait3A_134] : memref<10240x16xf32, #tpu.memory_space<vmem_shared>> -> memref<10240x16xf32, #tpu.memory_space<vmem_shared>>
      tpu.wait_indirect_dma semaphore(%arg29 : memref<!tpu.dma_semaphore, #tpu.memory_space<semaphore_mem>>) src(%arg12 : memref<125x16xf32, #tpu.memory_space<vmem>>) dst(%dma_wait3A_135 : memref<10240x16xf32, #tpu.memory_space<vmem_shared>>)
      %add3A_136 = arith.constant 4 : i32
      %add3A_137 = arith.addi %add3A_117, %add3A_136 : i32
      %lt3A_138 = arith.constant 40 : i32
      %lt3A_139 = arith.cmpi slt, %add3A_137, %lt3A_138 : i32
      %convert_element_type3A_140 = arith.extui %lt3A_139 : i1 to i32
      %cond3A_141 = arith.constant 0 : i32
      %cond3A_142 = arith.cmpi ne, %convert_element_type3A_140, %cond3A_141 : i32
      scf.if %cond3A_142 {
        %add3A_251 = arith.constant 4 : i32
        %add3A_252 = arith.addi %add3A_117, %add3A_251 : i32
        %dma_start3A_253 = arith.constant 0 : i32
        %dma_start3A_254 = tpu.memref_slice %arg7[%add3A_252, %dma_start3A_253] : memref<40x125xi32, #tpu.memory_space<vmem>> -> memref<1x125xi32, #tpu.memory_space<vmem>>
        %dma_start3A_255 = tpu.memref_squeeze %dma_start3A_254 : memref<1x125xi32, #tpu.memory_space<vmem>> -> memref<125xi32, #tpu.memory_space<vmem>>
        %dma_start3A_256 = arith.constant 0 : i32
        %dma_start3A_257 = arith.constant 0 : i32
        %dma_start3A_258 = tpu.memref_slice %arg4[%dma_start3A_256, %dma_start3A_257] : memref<10240x16xf32, #tpu.memory_space<hbm>> -> memref<10240x16xf32, #tpu.memory_space<hbm>>
        tpu.enqueue_indirect_dma source(%dma_start3A_258 : memref<10240x16xf32, #tpu.memory_space<hbm>>) target(%arg16 : memref<125x16xf32, #tpu.memory_space<vmem>>) offsets(%dma_start3A_255 : memref<125xi32, #tpu.memory_space<vmem>>) semaphore(%arg25 : memref<!tpu.dma_semaphore, #tpu.memory_space<semaphore_mem>>)
      } else {
      }
      %add3A_143 = arith.constant 4 : i32
      %add3A_144 = arith.addi %mul3A_38, %add3A_143 : i32
      %dma_wait3A_145 = arith.constant 0 : i32
      %dma_wait3A_146 = tpu.memref_slice %arg7[%add3A_144, %dma_wait3A_145] : memref<40x125xi32, #tpu.memory_space<vmem>> -> memref<1x125xi32, #tpu.memory_space<vmem>>
      %dma_wait3A_147 = tpu.memref_squeeze %dma_wait3A_146 : memref<1x125xi32, #tpu.memory_space<vmem>> -> memref<125xi32, #tpu.memory_space<vmem>>
      %dma_wait3A_148 = arith.constant 0 : i32
      %dma_wait3A_149 = arith.constant 0 : i32
      %dma_wait3A_150 = tpu.memref_slice %arg4[%dma_wait3A_148, %dma_wait3A_149] : memref<10240x16xf32, #tpu.memory_space<hbm>> -> memref<10240x16xf32, #tpu.memory_space<hbm>>
      tpu.wait_indirect_dma semaphore(%arg22 : memref<!tpu.dma_semaphore, #tpu.memory_space<semaphore_mem>>) src(%dma_wait3A_150 : memref<10240x16xf32, #tpu.memory_space<hbm>>) dst(%arg13 : memref<125x16xf32, #tpu.memory_space<vmem>>)
      %dma_start3A_151 = arith.constant 0 : i32
      %dma_start3A_152 = tpu.memref_slice %arg8[%add3A_144, %dma_start3A_151] : memref<40x125xi32, #tpu.memory_space<vmem>> -> memref<1x125xi32, #tpu.memory_space<vmem>>
      %dma_start3A_153 = tpu.memref_squeeze %dma_start3A_152 : memref<1x125xi32, #tpu.memory_space<vmem>> -> memref<125xi32, #tpu.memory_space<vmem>>
      %dma_start3A_154 = arith.constant 0 : i32
      %dma_start3A_155 = arith.constant 0 : i32
      %dma_start3A_156 = tpu.memref_slice %arg17[%dma_start3A_154, %dma_start3A_155] : memref<10240x16xf32, #tpu.memory_space<vmem_shared>> -> memref<10240x16xf32, #tpu.memory_space<vmem_shared>>
      tpu.enqueue_indirect_dma source(%arg13 : memref<125x16xf32, #tpu.memory_space<vmem>>) target(%dma_start3A_156 : memref<10240x16xf32, #tpu.memory_space<vmem_shared>>) offsets(%dma_start3A_153 : memref<125xi32, #tpu.memory_space<vmem>>) semaphore(%arg30 : memref<!tpu.dma_semaphore, #tpu.memory_space<semaphore_mem>>) {add = true}
      %dma_wait3A_157 = arith.constant 0 : i32
      %dma_wait3A_158 = tpu.memref_slice %arg8[%add3A_144, %dma_wait3A_157] : memref<40x125xi32, #tpu.memory_space<vmem>> -> memref<1x125xi32, #tpu.memory_space<vmem>>
      %dma_wait3A_159 = tpu.memref_squeeze %dma_wait3A_158 : memref<1x125xi32, #tpu.memory_space<vmem>> -> memref<125xi32, #tpu.memory_space<vmem>>
      %dma_wait3A_160 = arith.constant 0 : i32
      %dma_wait3A_161 = arith.constant 0 : i32
      %dma_wait3A_162 = tpu.memref_slice %arg17[%dma_wait3A_160, %dma_wait3A_161] : memref<10240x16xf32, #tpu.memory_space<vmem_shared>> -> memref<10240x16xf32, #tpu.memory_space<vmem_shared>>
      tpu.wait_indirect_dma semaphore(%arg30 : memref<!tpu.dma_semaphore, #tpu.memory_space<semaphore_mem>>) src(%arg13 : memref<125x16xf32, #tpu.memory_space<vmem>>) dst(%dma_wait3A_162 : memref<10240x16xf32, #tpu.memory_space<vmem_shared>>)
      %add3A_163 = arith.constant 4 : i32
      %add3A_164 = arith.addi %add3A_144, %add3A_163 : i32
      %lt3A_165 = arith.constant 40 : i32
      %lt3A_166 = arith.cmpi slt, %add3A_164, %lt3A_165 : i32
      %convert_element_type3A_167 = arith.extui %lt3A_166 : i1 to i32
      %cond3A_168 = arith.constant 0 : i32
      %cond3A_169 = arith.cmpi ne, %convert_element_type3A_167, %cond3A_168 : i32
      scf.if %cond3A_169 {
        %add3A_251 = arith.constant 4 : i32
        %add3A_252 = arith.addi %add3A_144, %add3A_251 : i32
        %dma_start3A_253 = arith.constant 0 : i32
        %dma_start3A_254 = tpu.memref_slice %arg7[%add3A_252, %dma_start3A_253] : memref<40x125xi32, #tpu.memory_space<vmem>> -> memref<1x125xi32, #tpu.memory_space<vmem>>
        %dma_start3A_255 = tpu.memref_squeeze %dma_start3A_254 : memref<1x125xi32, #tpu.memory_space<vmem>> -> memref<125xi32, #tpu.memory_space<vmem>>
        %dma_start3A_256 = arith.constant 0 : i32
        %dma_start3A_257 = arith.constant 0 : i32
        %dma_start3A_258 = tpu.memref_slice %arg4[%dma_start3A_256, %dma_start3A_257] : memref<10240x16xf32, #tpu.memory_space<hbm>> -> memref<10240x16xf32, #tpu.memory_space<hbm>>
        tpu.enqueue_indirect_dma source(%dma_start3A_258 : memref<10240x16xf32, #tpu.memory_space<hbm>>) target(%arg9 : memref<125x16xf32, #tpu.memory_space<vmem>>) offsets(%dma_start3A_255 : memref<125xi32, #tpu.memory_space<vmem>>) semaphore(%arg18 : memref<!tpu.dma_semaphore, #tpu.memory_space<semaphore_mem>>)
      } else {
      }
      %add3A_170 = arith.constant 5 : i32
      %add3A_171 = arith.addi %mul3A_38, %add3A_170 : i32
      %dma_wait3A_172 = arith.constant 0 : i32
      %dma_wait3A_173 = tpu.memref_slice %arg7[%add3A_171, %dma_wait3A_172] : memref<40x125xi32, #tpu.memory_space<vmem>> -> memref<1x125xi32, #tpu.memory_space<vmem>>
      %dma_wait3A_174 = tpu.memref_squeeze %dma_wait3A_173 : memref<1x125xi32, #tpu.memory_space<vmem>> -> memref<125xi32, #tpu.memory_space<vmem>>
      %dma_wait3A_175 = arith.constant 0 : i32
      %dma_wait3A_176 = arith.constant 0 : i32
      %dma_wait3A_177 = tpu.memref_slice %arg4[%dma_wait3A_175, %dma_wait3A_176] : memref<10240x16xf32, #tpu.memory_space<hbm>> -> memref<10240x16xf32, #tpu.memory_space<hbm>>
      tpu.wait_indirect_dma semaphore(%arg23 : memref<!tpu.dma_semaphore, #tpu.memory_space<semaphore_mem>>) src(%dma_wait3A_177 : memref<10240x16xf32, #tpu.memory_space<hbm>>) dst(%arg14 : memref<125x16xf32, #tpu.memory_space<vmem>>)
      %dma_start3A_178 = arith.constant 0 : i32
      %dma_start3A_179 = tpu.memref_slice %arg8[%add3A_171, %dma_start3A_178] : memref<40x125xi32, #tpu.memory_space<vmem>> -> memref<1x125xi32, #tpu.memory_space<vmem>>
      %dma_start3A_180 = tpu.memref_squeeze %dma_start3A_179 : memref<1x125xi32, #tpu.memory_space<vmem>> -> memref<125xi32, #tpu.memory_space<vmem>>
      %dma_start3A_181 = arith.constant 0 : i32
      %dma_start3A_182 = arith.constant 0 : i32
      %dma_start3A_183 = tpu.memref_slice %arg17[%dma_start3A_181, %dma_start3A_182] : memref<10240x16xf32, #tpu.memory_space<vmem_shared>> -> memref<10240x16xf32, #tpu.memory_space<vmem_shared>>
      tpu.enqueue_indirect_dma source(%arg14 : memref<125x16xf32, #tpu.memory_space<vmem>>) target(%dma_start3A_183 : memref<10240x16xf32, #tpu.memory_space<vmem_shared>>) offsets(%dma_start3A_180 : memref<125xi32, #tpu.memory_space<vmem>>) semaphore(%arg31 : memref<!tpu.dma_semaphore, #tpu.memory_space<semaphore_mem>>) {add = true}
      %dma_wait3A_184 = arith.constant 0 : i32
      %dma_wait3A_185 = tpu.memref_slice %arg8[%add3A_171, %dma_wait3A_184] : memref<40x125xi32, #tpu.memory_space<vmem>> -> memref<1x125xi32, #tpu.memory_space<vmem>>
      %dma_wait3A_186 = tpu.memref_squeeze %dma_wait3A_185 : memref<1x125xi32, #tpu.memory_space<vmem>> -> memref<125xi32, #tpu.memory_space<vmem>>
      %dma_wait3A_187 = arith.constant 0 : i32
      %dma_wait3A_188 = arith.constant 0 : i32
      %dma_wait3A_189 = tpu.memref_slice %arg17[%dma_wait3A_187, %dma_wait3A_188] : memref<10240x16xf32, #tpu.memory_space<vmem_shared>> -> memref<10240x16xf32, #tpu.memory_space<vmem_shared>>
      tpu.wait_indirect_dma semaphore(%arg31 : memref<!tpu.dma_semaphore, #tpu.memory_space<semaphore_mem>>) src(%arg14 : memref<125x16xf32, #tpu.memory_space<vmem>>) dst(%dma_wait3A_189 : memref<10240x16xf32, #tpu.memory_space<vmem_shared>>)
      %add3A_190 = arith.constant 4 : i32
      %add3A_191 = arith.addi %add3A_171, %add3A_190 : i32
      %lt3A_192 = arith.constant 40 : i32
      %lt3A_193 = arith.cmpi slt, %add3A_191, %lt3A_192 : i32
      %convert_element_type3A_194 = arith.extui %lt3A_193 : i1 to i32
      %cond3A_195 = arith.constant 0 : i32
      %cond3A_196 = arith.cmpi ne, %convert_element_type3A_194, %cond3A_195 : i32
      scf.if %cond3A_196 {
        %add3A_251 = arith.constant 4 : i32
        %add3A_252 = arith.addi %add3A_171, %add3A_251 : i32
        %dma_start3A_253 = arith.constant 0 : i32
        %dma_start3A_254 = tpu.memref_slice %arg7[%add3A_252, %dma_start3A_253] : memref<40x125xi32, #tpu.memory_space<vmem>> -> memref<1x125xi32, #tpu.memory_space<vmem>>
        %dma_start3A_255 = tpu.memref_squeeze %dma_start3A_254 : memref<1x125xi32, #tpu.memory_space<vmem>> -> memref<125xi32, #tpu.memory_space<vmem>>
        %dma_start3A_256 = arith.constant 0 : i32
        %dma_start3A_257 = arith.constant 0 : i32
        %dma_start3A_258 = tpu.memref_slice %arg4[%dma_start3A_256, %dma_start3A_257] : memref<10240x16xf32, #tpu.memory_space<hbm>> -> memref<10240x16xf32, #tpu.memory_space<hbm>>
        tpu.enqueue_indirect_dma source(%dma_start3A_258 : memref<10240x16xf32, #tpu.memory_space<hbm>>) target(%arg10 : memref<125x16xf32, #tpu.memory_space<vmem>>) offsets(%dma_start3A_255 : memref<125xi32, #tpu.memory_space<vmem>>) semaphore(%arg19 : memref<!tpu.dma_semaphore, #tpu.memory_space<semaphore_mem>>)
      } else {
      }
      %add3A_197 = arith.constant 6 : i32
      %add3A_198 = arith.addi %mul3A_38, %add3A_197 : i32
      %dma_wait3A_199 = arith.constant 0 : i32
      %dma_wait3A_200 = tpu.memref_slice %arg7[%add3A_198, %dma_wait3A_199] : memref<40x125xi32, #tpu.memory_space<vmem>> -> memref<1x125xi32, #tpu.memory_space<vmem>>
      %dma_wait3A_201 = tpu.memref_squeeze %dma_wait3A_200 : memref<1x125xi32, #tpu.memory_space<vmem>> -> memref<125xi32, #tpu.memory_space<vmem>>
      %dma_wait3A_202 = arith.constant 0 : i32
      %dma_wait3A_203 = arith.constant 0 : i32
      %dma_wait3A_204 = tpu.memref_slice %arg4[%dma_wait3A_202, %dma_wait3A_203] : memref<10240x16xf32, #tpu.memory_space<hbm>> -> memref<10240x16xf32, #tpu.memory_space<hbm>>
      tpu.wait_indirect_dma semaphore(%arg24 : memref<!tpu.dma_semaphore, #tpu.memory_space<semaphore_mem>>) src(%dma_wait3A_204 : memref<10240x16xf32, #tpu.memory_space<hbm>>) dst(%arg15 : memref<125x16xf32, #tpu.memory_space<vmem>>)
      %dma_start3A_205 = arith.constant 0 : i32
      %dma_start3A_206 = tpu.memref_slice %arg8[%add3A_198, %dma_start3A_205] : memref<40x125xi32, #tpu.memory_space<vmem>> -> memref<1x125xi32, #tpu.memory_space<vmem>>
      %dma_start3A_207 = tpu.memref_squeeze %dma_start3A_206 : memref<1x125xi32, #tpu.memory_space<vmem>> -> memref<125xi32, #tpu.memory_space<vmem>>
      %dma_start3A_208 = arith.constant 0 : i32
      %dma_start3A_209 = arith.constant 0 : i32
      %dma_start3A_210 = tpu.memref_slice %arg17[%dma_start3A_208, %dma_start3A_209] : memref<10240x16xf32, #tpu.memory_space<vmem_shared>> -> memref<10240x16xf32, #tpu.memory_space<vmem_shared>>
      tpu.enqueue_indirect_dma source(%arg15 : memref<125x16xf32, #tpu.memory_space<vmem>>) target(%dma_start3A_210 : memref<10240x16xf32, #tpu.memory_space<vmem_shared>>) offsets(%dma_start3A_207 : memref<125xi32, #tpu.memory_space<vmem>>) semaphore(%arg32 : memref<!tpu.dma_semaphore, #tpu.memory_space<semaphore_mem>>) {add = true}
      %dma_wait3A_211 = arith.constant 0 : i32
      %dma_wait3A_212 = tpu.memref_slice %arg8[%add3A_198, %dma_wait3A_211] : memref<40x125xi32, #tpu.memory_space<vmem>> -> memref<1x125xi32, #tpu.memory_space<vmem>>
      %dma_wait3A_213 = tpu.memref_squeeze %dma_wait3A_212 : memref<1x125xi32, #tpu.memory_space<vmem>> -> memref<125xi32, #tpu.memory_space<vmem>>
      %dma_wait3A_214 = arith.constant 0 : i32
      %dma_wait3A_215 = arith.constant 0 : i32
      %dma_wait3A_216 = tpu.memref_slice %arg17[%dma_wait3A_214, %dma_wait3A_215] : memref<10240x16xf32, #tpu.memory_space<vmem_shared>> -> memref<10240x16xf32, #tpu.memory_space<vmem_shared>>
      tpu.wait_indirect_dma semaphore(%arg32 : memref<!tpu.dma_semaphore, #tpu.memory_space<semaphore_mem>>) src(%arg15 : memref<125x16xf32, #tpu.memory_space<vmem>>) dst(%dma_wait3A_216 : memref<10240x16xf32, #tpu.memory_space<vmem_shared>>)
      %add3A_217 = arith.constant 4 : i32
      %add3A_218 = arith.addi %add3A_198, %add3A_217 : i32
      %lt3A_219 = arith.constant 40 : i32
      %lt3A_220 = arith.cmpi slt, %add3A_218, %lt3A_219 : i32
      %convert_element_type3A_221 = arith.extui %lt3A_220 : i1 to i32
      %cond3A_222 = arith.constant 0 : i32
      %cond3A_223 = arith.cmpi ne, %convert_element_type3A_221, %cond3A_222 : i32
      scf.if %cond3A_223 {
        %add3A_251 = arith.constant 4 : i32
        %add3A_252 = arith.addi %add3A_198, %add3A_251 : i32
        %dma_start3A_253 = arith.constant 0 : i32
        %dma_start3A_254 = tpu.memref_slice %arg7[%add3A_252, %dma_start3A_253] : memref<40x125xi32, #tpu.memory_space<vmem>> -> memref<1x125xi32, #tpu.memory_space<vmem>>
        %dma_start3A_255 = tpu.memref_squeeze %dma_start3A_254 : memref<1x125xi32, #tpu.memory_space<vmem>> -> memref<125xi32, #tpu.memory_space<vmem>>
        %dma_start3A_256 = arith.constant 0 : i32
        %dma_start3A_257 = arith.constant 0 : i32
        %dma_start3A_258 = tpu.memref_slice %arg4[%dma_start3A_256, %dma_start3A_257] : memref<10240x16xf32, #tpu.memory_space<hbm>> -> memref<10240x16xf32, #tpu.memory_space<hbm>>
        tpu.enqueue_indirect_dma source(%dma_start3A_258 : memref<10240x16xf32, #tpu.memory_space<hbm>>) target(%arg11 : memref<125x16xf32, #tpu.memory_space<vmem>>) offsets(%dma_start3A_255 : memref<125xi32, #tpu.memory_space<vmem>>) semaphore(%arg20 : memref<!tpu.dma_semaphore, #tpu.memory_space<semaphore_mem>>)
      } else {
      }
      %add3A_224 = arith.constant 7 : i32
      %add3A_225 = arith.addi %mul3A_38, %add3A_224 : i32
      %dma_wait3A_226 = arith.constant 0 : i32
      %dma_wait3A_227 = tpu.memref_slice %arg7[%add3A_225, %dma_wait3A_226] : memref<40x125xi32, #tpu.memory_space<vmem>> -> memref<1x125xi32, #tpu.memory_space<vmem>>
      %dma_wait3A_228 = tpu.memref_squeeze %dma_wait3A_227 : memref<1x125xi32, #tpu.memory_space<vmem>> -> memref<125xi32, #tpu.memory_space<vmem>>
      %dma_wait3A_229 = arith.constant 0 : i32
      %dma_wait3A_230 = arith.constant 0 : i32
      %dma_wait3A_231 = tpu.memref_slice %arg4[%dma_wait3A_229, %dma_wait3A_230] : memref<10240x16xf32, #tpu.memory_space<hbm>> -> memref<10240x16xf32, #tpu.memory_space<hbm>>
      tpu.wait_indirect_dma semaphore(%arg25 : memref<!tpu.dma_semaphore, #tpu.memory_space<semaphore_mem>>) src(%dma_wait3A_231 : memref<10240x16xf32, #tpu.memory_space<hbm>>) dst(%arg16 : memref<125x16xf32, #tpu.memory_space<vmem>>)
      %dma_start3A_232 = arith.constant 0 : i32
      %dma_start3A_233 = tpu.memref_slice %arg8[%add3A_225, %dma_start3A_232] : memref<40x125xi32, #tpu.memory_space<vmem>> -> memref<1x125xi32, #tpu.memory_space<vmem>>
      %dma_start3A_234 = tpu.memref_squeeze %dma_start3A_233 : memref<1x125xi32, #tpu.memory_space<vmem>> -> memref<125xi32, #tpu.memory_space<vmem>>
      %dma_start3A_235 = arith.constant 0 : i32
      %dma_start3A_236 = arith.constant 0 : i32
      %dma_start3A_237 = tpu.memref_slice %arg17[%dma_start3A_235, %dma_start3A_236] : memref<10240x16xf32, #tpu.memory_space<vmem_shared>> -> memref<10240x16xf32, #tpu.memory_space<vmem_shared>>
      tpu.enqueue_indirect_dma source(%arg16 : memref<125x16xf32, #tpu.memory_space<vmem>>) target(%dma_start3A_237 : memref<10240x16xf32, #tpu.memory_space<vmem_shared>>) offsets(%dma_start3A_234 : memref<125xi32, #tpu.memory_space<vmem>>) semaphore(%arg33 : memref<!tpu.dma_semaphore, #tpu.memory_space<semaphore_mem>>) {add = true}
      %dma_wait3A_238 = arith.constant 0 : i32
      %dma_wait3A_239 = tpu.memref_slice %arg8[%add3A_225, %dma_wait3A_238] : memref<40x125xi32, #tpu.memory_space<vmem>> -> memref<1x125xi32, #tpu.memory_space<vmem>>
      %dma_wait3A_240 = tpu.memref_squeeze %dma_wait3A_239 : memref<1x125xi32, #tpu.memory_space<vmem>> -> memref<125xi32, #tpu.memory_space<vmem>>
      %dma_wait3A_241 = arith.constant 0 : i32
      %dma_wait3A_242 = arith.constant 0 : i32
      %dma_wait3A_243 = tpu.memref_slice %arg17[%dma_wait3A_241, %dma_wait3A_242] : memref<10240x16xf32, #tpu.memory_space<vmem_shared>> -> memref<10240x16xf32, #tpu.memory_space<vmem_shared>>
      tpu.wait_indirect_dma semaphore(%arg33 : memref<!tpu.dma_semaphore, #tpu.memory_space<semaphore_mem>>) src(%arg16 : memref<125x16xf32, #tpu.memory_space<vmem>>) dst(%dma_wait3A_243 : memref<10240x16xf32, #tpu.memory_space<vmem_shared>>)
      %add3A_244 = arith.constant 4 : i32
      %add3A_245 = arith.addi %add3A_225, %add3A_244 : i32
      %lt3A_246 = arith.constant 40 : i32
      %lt3A_247 = arith.cmpi slt, %add3A_245, %lt3A_246 : i32
      %convert_element_type3A_248 = arith.extui %lt3A_247 : i1 to i32
      %cond3A_249 = arith.constant 0 : i32
      %cond3A_250 = arith.cmpi ne, %convert_element_type3A_248, %cond3A_249 : i32
      scf.if %cond3A_250 {
        %add3A_251 = arith.constant 4 : i32
        %add3A_252 = arith.addi %add3A_225, %add3A_251 : i32
        %dma_start3A_253 = arith.constant 0 : i32
        %dma_start3A_254 = tpu.memref_slice %arg7[%add3A_252, %dma_start3A_253] : memref<40x125xi32, #tpu.memory_space<vmem>> -> memref<1x125xi32, #tpu.memory_space<vmem>>
        %dma_start3A_255 = tpu.memref_squeeze %dma_start3A_254 : memref<1x125xi32, #tpu.memory_space<vmem>> -> memref<125xi32, #tpu.memory_space<vmem>>
        %dma_start3A_256 = arith.constant 0 : i32
        %dma_start3A_257 = arith.constant 0 : i32
        %dma_start3A_258 = tpu.memref_slice %arg4[%dma_start3A_256, %dma_start3A_257] : memref<10240x16xf32, #tpu.memory_space<hbm>> -> memref<10240x16xf32, #tpu.memory_space<hbm>>
        tpu.enqueue_indirect_dma source(%dma_start3A_258 : memref<10240x16xf32, #tpu.memory_space<hbm>>) target(%arg12 : memref<125x16xf32, #tpu.memory_space<vmem>>) offsets(%dma_start3A_255 : memref<125xi32, #tpu.memory_space<vmem>>) semaphore(%arg21 : memref<!tpu.dma_semaphore, #tpu.memory_space<semaphore_mem>>)
      } else {
      }
    }
    %scan3A_34 = arith.constant 5 : i32
    %barrier3A_35 = arith.constant 0 : index
    tpu.barrier barrier_id(%barrier3A_35)
    "tpu.region"() ({
      %run_scoped3A = tpu.sem_alloc : memref<!tpu.dma_semaphore, #tpu.memory_space<semaphore_mem>>
      %dma_start3A_36 = arith.constant 0 : i32
      %dma_start3A_37 = arith.constant 0 : i32
      %dma_start3A_38 = tpu.memref_slice %arg6[%arg0, %dma_start3A_36, %dma_start3A_37] : memref<2x10240x16xf32, #tpu.memory_space<hbm>> -> memref<1x10240x16xf32, #tpu.memory_space<hbm>>
      %dma_start3A_39 = tpu.memref_squeeze %dma_start3A_38 : memref<1x10240x16xf32, #tpu.memory_space<hbm>> -> memref<10240x16xf32, #tpu.memory_space<hbm>>
      %dma_start3A_40 = arith.constant 0 : i32
      %dma_start3A_41 = tpu.memref_slice %dma_start3A_39[%mul3A_2, %dma_start3A_40] : memref<10240x16xf32, #tpu.memory_space<hbm>> -> memref<640x16xf32, #tpu.memory_space<hbm>>
      %dma_start3A_42 = arith.constant 0 : i32
      %dma_start3A_43 = tpu.memref_slice %arg17[%mul3A_2, %dma_start3A_42] : memref<10240x16xf32, #tpu.memory_space<vmem_shared>> -> memref<640x16xf32, #tpu.memory_space<vmem_shared>>
      tpu.enqueue_dma source(%dma_start3A_43 : memref<640x16xf32, #tpu.memory_space<vmem_shared>>) target(%dma_start3A_41 : memref<640x16xf32, #tpu.memory_space<hbm>>) target_semaphore(%run_scoped3A : memref<!tpu.dma_semaphore, #tpu.memory_space<semaphore_mem>>)
      %dma_wait3A = arith.constant 0 : i32
      %dma_wait3A_44 = arith.constant 0 : i32
      %dma_wait3A_45 = tpu.memref_slice %arg6[%arg0, %dma_wait3A, %dma_wait3A_44] : memref<2x10240x16xf32, #tpu.memory_space<hbm>> -> memref<1x10240x16xf32, #tpu.memory_space<hbm>>
      %dma_wait3A_46 = tpu.memref_squeeze %dma_wait3A_45 : memref<1x10240x16xf32, #tpu.memory_space<hbm>> -> memref<10240x16xf32, #tpu.memory_space<hbm>>
      %dma_wait3A_47 = arith.constant 0 : i32
      %dma_wait3A_48 = tpu.memref_slice %dma_wait3A_46[%mul3A_2, %dma_wait3A_47] : memref<10240x16xf32, #tpu.memory_space<hbm>> -> memref<640x16xf32, #tpu.memory_space<hbm>>
      %dma_wait3A_49 = arith.constant 0 : i32
      %dma_wait3A_50 = tpu.memref_slice %arg17[%mul3A_2, %dma_wait3A_49] : memref<10240x16xf32, #tpu.memory_space<vmem_shared>> -> memref<640x16xf32, #tpu.memory_space<vmem_shared>>
      tpu.wait_dma2 semaphore(%run_scoped3A : memref<!tpu.dma_semaphore, #tpu.memory_space<semaphore_mem>>) src(%dma_wait3A_50 : memref<640x16xf32, #tpu.memory_space<vmem_shared>>) dst(%dma_wait3A_48 : memref<640x16xf32, #tpu.memory_space<hbm>>)
      tpu.yield
    }) : () -> ()
    return
  }
}

#map = affine_map<(d0, d1) -> (0, 0, 0)>
#map1 = affine_map<(d0, d1) -> (0, 0)>
module attributes {stable_mosaic.version = 14 : i64} {
  func.func @_sc_deg(%arg0: i32, %arg1: i32, %arg2: memref<32x40x125xi32, #tpu.memory_space<hbm>>, %arg3: memref<125x16xf32, #tpu.memory_space<hbm>>, %arg4: memref<10240x16xf32, #tpu.memory_space<hbm>>, %arg5: memref<2x10240x16xf32, #tpu.memory_space<hbm>>, %arg6: memref<40x125xi32, #tpu.memory_space<vmem>>, %arg7: memref<125x16xf32, #tpu.memory_space<vmem>>, %arg8: memref<10240x16xf32, #tpu.memory_space<vmem_shared>>, %arg9: memref<!tpu.dma_semaphore, #tpu.memory_space<semaphore_mem>>) attributes {dimension_semantics = [#tpu.dimension_semantics<core_parallel>, #tpu.dimension_semantics<subcore_parallel>], iteration_bounds = array<i64: 2, 16>, scalar_prefetch = 0 : i64, scratch_operands = 4 : i64, tpu.core_type = #tpu.core_type<sc_vector_subcore>, window_params = [{transform_indices = #map}, {transform_indices = #map1}, {transform_indices = #map1}, {transform_indices = #map}]} {
    %mul3A = arith.constant 16 : i32
    %mul3A_0 = arith.muli %arg0, %mul3A : i32
    %add3A = arith.addi %mul3A_0, %arg1 : i32
    %mul3A_1 = arith.constant 640 : i32
    %mul3A_2 = arith.muli %arg1, %mul3A_1 : i32
    "tpu.region"() ({
      %run_scoped3A = tpu.sem_alloc : memref<!tpu.dma_semaphore, #tpu.memory_space<semaphore_mem>>
      %dma_start3A = arith.constant 0 : i32
      %dma_start3A_9 = tpu.memref_slice %arg8[%mul3A_2, %dma_start3A] : memref<10240x16xf32, #tpu.memory_space<vmem_shared>> -> memref<640x16xf32, #tpu.memory_space<vmem_shared>>
      %dma_start3A_10 = arith.constant 0 : i32
      %dma_start3A_11 = tpu.memref_slice %arg4[%mul3A_2, %dma_start3A_10] : memref<10240x16xf32, #tpu.memory_space<hbm>> -> memref<640x16xf32, #tpu.memory_space<hbm>>
      tpu.enqueue_dma source(%dma_start3A_11 : memref<640x16xf32, #tpu.memory_space<hbm>>) target(%dma_start3A_9 : memref<640x16xf32, #tpu.memory_space<vmem_shared>>) target_semaphore(%run_scoped3A : memref<!tpu.dma_semaphore, #tpu.memory_space<semaphore_mem>>)
      %dma_wait3A = arith.constant 0 : i32
      %dma_wait3A_12 = tpu.memref_slice %arg8[%mul3A_2, %dma_wait3A] : memref<10240x16xf32, #tpu.memory_space<vmem_shared>> -> memref<640x16xf32, #tpu.memory_space<vmem_shared>>
      %dma_wait3A_13 = arith.constant 0 : i32
      %dma_wait3A_14 = tpu.memref_slice %arg4[%mul3A_2, %dma_wait3A_13] : memref<10240x16xf32, #tpu.memory_space<hbm>> -> memref<640x16xf32, #tpu.memory_space<hbm>>
      tpu.wait_dma2 semaphore(%run_scoped3A : memref<!tpu.dma_semaphore, #tpu.memory_space<semaphore_mem>>) src(%dma_wait3A_14 : memref<640x16xf32, #tpu.memory_space<hbm>>) dst(%dma_wait3A_12 : memref<640x16xf32, #tpu.memory_space<vmem_shared>>)
      tpu.yield
    }) : () -> ()
    "tpu.region"() ({
      %run_scoped3A = tpu.sem_alloc : memref<!tpu.dma_semaphore, #tpu.memory_space<semaphore_mem>>
      %dma_start3A = arith.constant 0 : i32
      %dma_start3A_9 = arith.constant 0 : i32
      %dma_start3A_10 = tpu.memref_slice %arg2[%add3A, %dma_start3A, %dma_start3A_9] : memref<32x40x125xi32, #tpu.memory_space<hbm>> -> memref<1x40x125xi32, #tpu.memory_space<hbm>>
      %dma_start3A_11 = tpu.memref_squeeze %dma_start3A_10 : memref<1x40x125xi32, #tpu.memory_space<hbm>> -> memref<40x125xi32, #tpu.memory_space<hbm>>
      %dma_start3A_12 = arith.constant 0 : i32
      %dma_start3A_13 = arith.constant 0 : i32
      %dma_start3A_14 = tpu.memref_slice %arg2[%add3A, %dma_start3A_12, %dma_start3A_13] : memref<32x40x125xi32, #tpu.memory_space<hbm>> -> memref<1x40x125xi32, #tpu.memory_space<hbm>>
      %dma_start3A_15 = tpu.memref_squeeze %dma_start3A_14 : memref<1x40x125xi32, #tpu.memory_space<hbm>> -> memref<40x125xi32, #tpu.memory_space<hbm>>
      tpu.enqueue_dma source(%dma_start3A_15 : memref<40x125xi32, #tpu.memory_space<hbm>>) target(%arg6 : memref<40x125xi32, #tpu.memory_space<vmem>>) target_semaphore(%run_scoped3A : memref<!tpu.dma_semaphore, #tpu.memory_space<semaphore_mem>>)
      %dma_wait3A = arith.constant 0 : i32
      %dma_wait3A_16 = arith.constant 0 : i32
      %dma_wait3A_17 = tpu.memref_slice %arg2[%add3A, %dma_wait3A, %dma_wait3A_16] : memref<32x40x125xi32, #tpu.memory_space<hbm>> -> memref<1x40x125xi32, #tpu.memory_space<hbm>>
      %dma_wait3A_18 = tpu.memref_squeeze %dma_wait3A_17 : memref<1x40x125xi32, #tpu.memory_space<hbm>> -> memref<40x125xi32, #tpu.memory_space<hbm>>
      %dma_wait3A_19 = arith.constant 0 : i32
      %dma_wait3A_20 = arith.constant 0 : i32
      %dma_wait3A_21 = tpu.memref_slice %arg2[%add3A, %dma_wait3A_19, %dma_wait3A_20] : memref<32x40x125xi32, #tpu.memory_space<hbm>> -> memref<1x40x125xi32, #tpu.memory_space<hbm>>
      %dma_wait3A_22 = tpu.memref_squeeze %dma_wait3A_21 : memref<1x40x125xi32, #tpu.memory_space<hbm>> -> memref<40x125xi32, #tpu.memory_space<hbm>>
      tpu.wait_dma2 semaphore(%run_scoped3A : memref<!tpu.dma_semaphore, #tpu.memory_space<semaphore_mem>>) src(%dma_wait3A_22 : memref<40x125xi32, #tpu.memory_space<hbm>>) dst(%arg6 : memref<40x125xi32, #tpu.memory_space<vmem>>)
      tpu.yield
    }) : () -> ()
    "tpu.region"() ({
      %run_scoped3A = tpu.sem_alloc : memref<!tpu.dma_semaphore, #tpu.memory_space<semaphore_mem>>
      tpu.enqueue_dma source(%arg3 : memref<125x16xf32, #tpu.memory_space<hbm>>) target(%arg7 : memref<125x16xf32, #tpu.memory_space<vmem>>) target_semaphore(%run_scoped3A : memref<!tpu.dma_semaphore, #tpu.memory_space<semaphore_mem>>)
      tpu.wait_dma2 semaphore(%run_scoped3A : memref<!tpu.dma_semaphore, #tpu.memory_space<semaphore_mem>>) src(%arg3 : memref<125x16xf32, #tpu.memory_space<hbm>>) dst(%arg7 : memref<125x16xf32, #tpu.memory_space<vmem>>)
      tpu.yield
    }) : () -> ()
    %barrier3A = arith.constant 0 : index
    tpu.barrier barrier_id(%barrier3A)
    %scan3A = arith.constant 0 : i32
    %scan3A_3 = arith.constant 0 : i32
    %scan3A_4 = arith.constant 40 : i32
    %scan3A_5 = arith.addi %scan3A_3, %scan3A_4 : i32
    %scan3A_6 = arith.constant 1 : i32
    scf.for %scan3A_9 = %scan3A_3 to %scan3A_5 step %scan3A_6  : i32 {
      "tpu.region"() ({
        %run_scoped3A = tpu.sem_alloc : memref<!tpu.dma_semaphore, #tpu.memory_space<semaphore_mem>>
        %dma_start3A = arith.constant 0 : i32
        %dma_start3A_10 = tpu.memref_slice %arg6[%scan3A_9, %dma_start3A] : memref<40x125xi32, #tpu.memory_space<vmem>> -> memref<1x125xi32, #tpu.memory_space<vmem>>
        %dma_start3A_11 = tpu.memref_squeeze %dma_start3A_10 : memref<1x125xi32, #tpu.memory_space<vmem>> -> memref<125xi32, #tpu.memory_space<vmem>>
        %dma_start3A_12 = arith.constant 0 : i32
        %dma_start3A_13 = arith.constant 0 : i32
        %dma_start3A_14 = tpu.memref_slice %arg8[%dma_start3A_12, %dma_start3A_13] : memref<10240x16xf32, #tpu.memory_space<vmem_shared>> -> memref<10240x16xf32, #tpu.memory_space<vmem_shared>>
        tpu.enqueue_indirect_dma source(%arg7 : memref<125x16xf32, #tpu.memory_space<vmem>>) target(%dma_start3A_14 : memref<10240x16xf32, #tpu.memory_space<vmem_shared>>) offsets(%dma_start3A_11 : memref<125xi32, #tpu.memory_space<vmem>>) semaphore(%run_scoped3A : memref<!tpu.dma_semaphore, #tpu.memory_space<semaphore_mem>>) {add = true}
        %dma_wait3A = arith.constant 0 : i32
        %dma_wait3A_15 = tpu.memref_slice %arg6[%scan3A_9, %dma_wait3A] : memref<40x125xi32, #tpu.memory_space<vmem>> -> memref<1x125xi32, #tpu.memory_space<vmem>>
        %dma_wait3A_16 = tpu.memref_squeeze %dma_wait3A_15 : memref<1x125xi32, #tpu.memory_space<vmem>> -> memref<125xi32, #tpu.memory_space<vmem>>
        %dma_wait3A_17 = arith.constant 0 : i32
        %dma_wait3A_18 = arith.constant 0 : i32
        %dma_wait3A_19 = tpu.memref_slice %arg8[%dma_wait3A_17, %dma_wait3A_18] : memref<10240x16xf32, #tpu.memory_space<vmem_shared>> -> memref<10240x16xf32, #tpu.memory_space<vmem_shared>>
        tpu.wait_indirect_dma semaphore(%run_scoped3A : memref<!tpu.dma_semaphore, #tpu.memory_space<semaphore_mem>>) src(%arg7 : memref<125x16xf32, #tpu.memory_space<vmem>>) dst(%dma_wait3A_19 : memref<10240x16xf32, #tpu.memory_space<vmem_shared>>)
        tpu.yield
      }) : () -> ()
    }
    %scan3A_7 = arith.constant 40 : i32
    %barrier3A_8 = arith.constant 0 : index
    tpu.barrier barrier_id(%barrier3A_8)
    "tpu.region"() ({
      %run_scoped3A = tpu.sem_alloc : memref<!tpu.dma_semaphore, #tpu.memory_space<semaphore_mem>>
      %dma_start3A = arith.constant 0 : i32
      %dma_start3A_9 = arith.constant 0 : i32
      %dma_start3A_10 = tpu.memref_slice %arg5[%arg0, %dma_start3A, %dma_start3A_9] : memref<2x10240x16xf32, #tpu.memory_space<hbm>> -> memref<1x10240x16xf32, #tpu.memory_space<hbm>>
      %dma_start3A_11 = tpu.memref_squeeze %dma_start3A_10 : memref<1x10240x16xf32, #tpu.memory_space<hbm>> -> memref<10240x16xf32, #tpu.memory_space<hbm>>
      %dma_start3A_12 = arith.constant 0 : i32
      %dma_start3A_13 = tpu.memref_slice %dma_start3A_11[%mul3A_2, %dma_start3A_12] : memref<10240x16xf32, #tpu.memory_space<hbm>> -> memref<640x16xf32, #tpu.memory_space<hbm>>
      %dma_start3A_14 = arith.constant 0 : i32
      %dma_start3A_15 = tpu.memref_slice %arg8[%mul3A_2, %dma_start3A_14] : memref<10240x16xf32, #tpu.memory_space<vmem_shared>> -> memref<640x16xf32, #tpu.memory_space<vmem_shared>>
      tpu.enqueue_dma source(%dma_start3A_15 : memref<640x16xf32, #tpu.memory_space<vmem_shared>>) target(%dma_start3A_13 : memref<640x16xf32, #tpu.memory_space<hbm>>) target_semaphore(%run_scoped3A : memref<!tpu.dma_semaphore, #tpu.memory_space<semaphore_mem>>)
      %dma_wait3A = arith.constant 0 : i32
      %dma_wait3A_16 = arith.constant 0 : i32
      %dma_wait3A_17 = tpu.memref_slice %arg5[%arg0, %dma_wait3A, %dma_wait3A_16] : memref<2x10240x16xf32, #tpu.memory_space<hbm>> -> memref<1x10240x16xf32, #tpu.memory_space<hbm>>
      %dma_wait3A_18 = tpu.memref_squeeze %dma_wait3A_17 : memref<1x10240x16xf32, #tpu.memory_space<hbm>> -> memref<10240x16xf32, #tpu.memory_space<hbm>>
      %dma_wait3A_19 = arith.constant 0 : i32
      %dma_wait3A_20 = tpu.memref_slice %dma_wait3A_18[%mul3A_2, %dma_wait3A_19] : memref<10240x16xf32, #tpu.memory_space<hbm>> -> memref<640x16xf32, #tpu.memory_space<hbm>>
      %dma_wait3A_21 = arith.constant 0 : i32
      %dma_wait3A_22 = tpu.memref_slice %arg8[%mul3A_2, %dma_wait3A_21] : memref<10240x16xf32, #tpu.memory_space<vmem_shared>> -> memref<640x16xf32, #tpu.memory_space<vmem_shared>>
      tpu.wait_dma2 semaphore(%run_scoped3A : memref<!tpu.dma_semaphore, #tpu.memory_space<semaphore_mem>>) src(%dma_wait3A_22 : memref<640x16xf32, #tpu.memory_space<vmem_shared>>) dst(%dma_wait3A_20 : memref<640x16xf32, #tpu.memory_space<hbm>>)
      tpu.yield
    }) : () -> ()
    return
  }
}

#map = affine_map<(d0, d1) -> (0, 0, 0)>
#map1 = affine_map<(d0, d1) -> (0, 0)>
#map2 = affine_map<(d0, d1) -> (0)>
module attributes {stable_mosaic.version = 14 : i64} {
  func.func @_sc_mid(%arg0: i32, %arg1: i32, %arg2: memref<2x10240x16xf32, #tpu.memory_space<hbm>>, %arg3: memref<10240x16xf32, #tpu.memory_space<hbm>>, %arg4: memref<10240x16xf32, #tpu.memory_space<hbm>>, %arg5: memref<16xf32, #tpu.memory_space<hbm>>, %arg6: memref<10240x16xf32, #tpu.memory_space<hbm>>, %arg7: memref<320x16xf32, #tpu.memory_space<vmem>>, %arg8: memref<320x16xf32, #tpu.memory_space<vmem>>, %arg9: memref<320x16xf32, #tpu.memory_space<vmem>>, %arg10: memref<320x16xf32, #tpu.memory_space<vmem>>, %arg11: memref<320x16xf32, #tpu.memory_space<vmem>>, %arg12: memref<16xf32, #tpu.memory_space<vmem>>) attributes {dimension_semantics = [#tpu.dimension_semantics<core_parallel>, #tpu.dimension_semantics<subcore_parallel>], iteration_bounds = array<i64: 2, 16>, scalar_prefetch = 0 : i64, scratch_operands = 6 : i64, tpu.core_type = #tpu.core_type<sc_vector_subcore>, window_params = [{transform_indices = #map}, {transform_indices = #map1}, {transform_indices = #map1}, {transform_indices = #map2}, {transform_indices = #map1}]} {
    %mul3A = arith.constant 16 : i32
    %mul3A_0 = arith.muli %arg0, %mul3A : i32
    %add3A = arith.addi %mul3A_0, %arg1 : i32
    %mul3A_1 = arith.constant 320 : i32
    %mul3A_2 = arith.muli %add3A, %mul3A_1 : i32
    %run_scoped3A = arith.constant 0 : i32
    "tpu.region"() ({
      %run_scoped3A_9 = tpu.sem_alloc : memref<!tpu.dma_semaphore, #tpu.memory_space<semaphore_mem>>
      %dma_start3A = arith.constant 0 : i32
      %dma_start3A_10 = arith.constant 0 : i32
      %dma_start3A_11 = tpu.memref_slice %arg2[%run_scoped3A, %dma_start3A, %dma_start3A_10] : memref<2x10240x16xf32, #tpu.memory_space<hbm>> -> memref<1x10240x16xf32, #tpu.memory_space<hbm>>
      %dma_start3A_12 = tpu.memref_squeeze %dma_start3A_11 : memref<1x10240x16xf32, #tpu.memory_space<hbm>> -> memref<10240x16xf32, #tpu.memory_space<hbm>>
      %dma_start3A_13 = arith.constant 0 : i32
      %dma_start3A_14 = tpu.memref_slice %dma_start3A_12[%mul3A_2, %dma_start3A_13] : memref<10240x16xf32, #tpu.memory_space<hbm>> -> memref<320x16xf32, #tpu.memory_space<hbm>>
      %dma_start3A_15 = arith.constant 0 : i32
      %dma_start3A_16 = arith.constant 0 : i32
      %dma_start3A_17 = tpu.memref_slice %arg2[%run_scoped3A, %dma_start3A_15, %dma_start3A_16] : memref<2x10240x16xf32, #tpu.memory_space<hbm>> -> memref<1x10240x16xf32, #tpu.memory_space<hbm>>
      %dma_start3A_18 = tpu.memref_squeeze %dma_start3A_17 : memref<1x10240x16xf32, #tpu.memory_space<hbm>> -> memref<10240x16xf32, #tpu.memory_space<hbm>>
      %dma_start3A_19 = arith.constant 0 : i32
      %dma_start3A_20 = tpu.memref_slice %dma_start3A_18[%mul3A_2, %dma_start3A_19] : memref<10240x16xf32, #tpu.memory_space<hbm>> -> memref<320x16xf32, #tpu.memory_space<hbm>>
      tpu.enqueue_dma source(%dma_start3A_20 : memref<320x16xf32, #tpu.memory_space<hbm>>) target(%arg7 : memref<320x16xf32, #tpu.memory_space<vmem>>) target_semaphore(%run_scoped3A_9 : memref<!tpu.dma_semaphore, #tpu.memory_space<semaphore_mem>>)
      %dma_wait3A = arith.constant 0 : i32
      %dma_wait3A_21 = arith.constant 0 : i32
      %dma_wait3A_22 = tpu.memref_slice %arg2[%run_scoped3A, %dma_wait3A, %dma_wait3A_21] : memref<2x10240x16xf32, #tpu.memory_space<hbm>> -> memref<1x10240x16xf32, #tpu.memory_space<hbm>>
      %dma_wait3A_23 = tpu.memref_squeeze %dma_wait3A_22 : memref<1x10240x16xf32, #tpu.memory_space<hbm>> -> memref<10240x16xf32, #tpu.memory_space<hbm>>
      %dma_wait3A_24 = arith.constant 0 : i32
      %dma_wait3A_25 = tpu.memref_slice %dma_wait3A_23[%mul3A_2, %dma_wait3A_24] : memref<10240x16xf32, #tpu.memory_space<hbm>> -> memref<320x16xf32, #tpu.memory_space<hbm>>
      %dma_wait3A_26 = arith.constant 0 : i32
      %dma_wait3A_27 = arith.constant 0 : i32
      %dma_wait3A_28 = tpu.memref_slice %arg2[%run_scoped3A, %dma_wait3A_26, %dma_wait3A_27] : memref<2x10240x16xf32, #tpu.memory_space<hbm>> -> memref<1x10240x16xf32, #tpu.memory_space<hbm>>
      %dma_wait3A_29 = tpu.memref_squeeze %dma_wait3A_28 : memref<1x10240x16xf32, #tpu.memory_space<hbm>> -> memref<10240x16xf32, #tpu.memory_space<hbm>>
      %dma_wait3A_30 = arith.constant 0 : i32
      %dma_wait3A_31 = tpu.memref_slice %dma_wait3A_29[%mul3A_2, %dma_wait3A_30] : memref<10240x16xf32, #tpu.memory_space<hbm>> -> memref<320x16xf32, #tpu.memory_space<hbm>>
      tpu.wait_dma2 semaphore(%run_scoped3A_9 : memref<!tpu.dma_semaphore, #tpu.memory_space<semaphore_mem>>) src(%dma_wait3A_31 : memref<320x16xf32, #tpu.memory_space<hbm>>) dst(%arg7 : memref<320x16xf32, #tpu.memory_space<vmem>>)
      tpu.yield
    }) : () -> ()
    %run_scoped3A_3 = arith.constant 1 : i32
    "tpu.region"() ({
      %run_scoped3A_9 = tpu.sem_alloc : memref<!tpu.dma_semaphore, #tpu.memory_space<semaphore_mem>>
      %dma_start3A = arith.constant 0 : i32
      %dma_start3A_10 = arith.constant 0 : i32
      %dma_start3A_11 = tpu.memref_slice %arg2[%run_scoped3A_3, %dma_start3A, %dma_start3A_10] : memref<2x10240x16xf32, #tpu.memory_space<hbm>> -> memref<1x10240x16xf32, #tpu.memory_space<hbm>>
      %dma_start3A_12 = tpu.memref_squeeze %dma_start3A_11 : memref<1x10240x16xf32, #tpu.memory_space<hbm>> -> memref<10240x16xf32, #tpu.memory_space<hbm>>
      %dma_start3A_13 = arith.constant 0 : i32
      %dma_start3A_14 = tpu.memref_slice %dma_start3A_12[%mul3A_2, %dma_start3A_13] : memref<10240x16xf32, #tpu.memory_space<hbm>> -> memref<320x16xf32, #tpu.memory_space<hbm>>
      %dma_start3A_15 = arith.constant 0 : i32
      %dma_start3A_16 = arith.constant 0 : i32
      %dma_start3A_17 = tpu.memref_slice %arg2[%run_scoped3A_3, %dma_start3A_15, %dma_start3A_16] : memref<2x10240x16xf32, #tpu.memory_space<hbm>> -> memref<1x10240x16xf32, #tpu.memory_space<hbm>>
      %dma_start3A_18 = tpu.memref_squeeze %dma_start3A_17 : memref<1x10240x16xf32, #tpu.memory_space<hbm>> -> memref<10240x16xf32, #tpu.memory_space<hbm>>
      %dma_start3A_19 = arith.constant 0 : i32
      %dma_start3A_20 = tpu.memref_slice %dma_start3A_18[%mul3A_2, %dma_start3A_19] : memref<10240x16xf32, #tpu.memory_space<hbm>> -> memref<320x16xf32, #tpu.memory_space<hbm>>
      tpu.enqueue_dma source(%dma_start3A_20 : memref<320x16xf32, #tpu.memory_space<hbm>>) target(%arg8 : memref<320x16xf32, #tpu.memory_space<vmem>>) target_semaphore(%run_scoped3A_9 : memref<!tpu.dma_semaphore, #tpu.memory_space<semaphore_mem>>)
      %dma_wait3A = arith.constant 0 : i32
      %dma_wait3A_21 = arith.constant 0 : i32
      %dma_wait3A_22 = tpu.memref_slice %arg2[%run_scoped3A_3, %dma_wait3A, %dma_wait3A_21] : memref<2x10240x16xf32, #tpu.memory_space<hbm>> -> memref<1x10240x16xf32, #tpu.memory_space<hbm>>
      %dma_wait3A_23 = tpu.memref_squeeze %dma_wait3A_22 : memref<1x10240x16xf32, #tpu.memory_space<hbm>> -> memref<10240x16xf32, #tpu.memory_space<hbm>>
      %dma_wait3A_24 = arith.constant 0 : i32
      %dma_wait3A_25 = tpu.memref_slice %dma_wait3A_23[%mul3A_2, %dma_wait3A_24] : memref<10240x16xf32, #tpu.memory_space<hbm>> -> memref<320x16xf32, #tpu.memory_space<hbm>>
      %dma_wait3A_26 = arith.constant 0 : i32
      %dma_wait3A_27 = arith.constant 0 : i32
      %dma_wait3A_28 = tpu.memref_slice %arg2[%run_scoped3A_3, %dma_wait3A_26, %dma_wait3A_27] : memref<2x10240x16xf32, #tpu.memory_space<hbm>> -> memref<1x10240x16xf32, #tpu.memory_space<hbm>>
      %dma_wait3A_29 = tpu.memref_squeeze %dma_wait3A_28 : memref<1x10240x16xf32, #tpu.memory_space<hbm>> -> memref<10240x16xf32, #tpu.memory_space<hbm>>
      %dma_wait3A_30 = arith.constant 0 : i32
      %dma_wait3A_31 = tpu.memref_slice %dma_wait3A_29[%mul3A_2, %dma_wait3A_30] : memref<10240x16xf32, #tpu.memory_space<hbm>> -> memref<320x16xf32, #tpu.memory_space<hbm>>
      tpu.wait_dma2 semaphore(%run_scoped3A_9 : memref<!tpu.dma_semaphore, #tpu.memory_space<semaphore_mem>>) src(%dma_wait3A_31 : memref<320x16xf32, #tpu.memory_space<hbm>>) dst(%arg8 : memref<320x16xf32, #tpu.memory_space<vmem>>)
      tpu.yield
    }) : () -> ()
    "tpu.region"() ({
      %run_scoped3A_9 = tpu.sem_alloc : memref<!tpu.dma_semaphore, #tpu.memory_space<semaphore_mem>>
      %dma_start3A = arith.constant 0 : i32
      %dma_start3A_10 = tpu.memref_slice %arg3[%mul3A_2, %dma_start3A] : memref<10240x16xf32, #tpu.memory_space<hbm>> -> memref<320x16xf32, #tpu.memory_space<hbm>>
      %dma_start3A_11 = arith.constant 0 : i32
      %dma_start3A_12 = tpu.memref_slice %arg3[%mul3A_2, %dma_start3A_11] : memref<10240x16xf32, #tpu.memory_space<hbm>> -> memref<320x16xf32, #tpu.memory_space<hbm>>
      tpu.enqueue_dma source(%dma_start3A_12 : memref<320x16xf32, #tpu.memory_space<hbm>>) target(%arg9 : memref<320x16xf32, #tpu.memory_space<vmem>>) target_semaphore(%run_scoped3A_9 : memref<!tpu.dma_semaphore, #tpu.memory_space<semaphore_mem>>)
      %dma_wait3A = arith.constant 0 : i32
      %dma_wait3A_13 = tpu.memref_slice %arg3[%mul3A_2, %dma_wait3A] : memref<10240x16xf32, #tpu.memory_space<hbm>> -> memref<320x16xf32, #tpu.memory_space<hbm>>
      %dma_wait3A_14 = arith.constant 0 : i32
      %dma_wait3A_15 = tpu.memref_slice %arg3[%mul3A_2, %dma_wait3A_14] : memref<10240x16xf32, #tpu.memory_space<hbm>> -> memref<320x16xf32, #tpu.memory_space<hbm>>
      tpu.wait_dma2 semaphore(%run_scoped3A_9 : memref<!tpu.dma_semaphore, #tpu.memory_space<semaphore_mem>>) src(%dma_wait3A_15 : memref<320x16xf32, #tpu.memory_space<hbm>>) dst(%arg9 : memref<320x16xf32, #tpu.memory_space<vmem>>)
      tpu.yield
    }) : () -> ()
    "tpu.region"() ({
      %run_scoped3A_9 = tpu.sem_alloc : memref<!tpu.dma_semaphore, #tpu.memory_space<semaphore_mem>>
      %dma_start3A = arith.constant 0 : i32
      %dma_start3A_10 = tpu.memref_slice %arg4[%mul3A_2, %dma_start3A] : memref<10240x16xf32, #tpu.memory_space<hbm>> -> memref<320x16xf32, #tpu.memory_space<hbm>>
      %dma_start3A_11 = arith.constant 0 : i32
      %dma_start3A_12 = tpu.memref_slice %arg4[%mul3A_2, %dma_start3A_11] : memref<10240x16xf32, #tpu.memory_space<hbm>> -> memref<320x16xf32, #tpu.memory_space<hbm>>
      tpu.enqueue_dma source(%dma_start3A_12 : memref<320x16xf32, #tpu.memory_space<hbm>>) target(%arg10 : memref<320x16xf32, #tpu.memory_space<vmem>>) target_semaphore(%run_scoped3A_9 : memref<!tpu.dma_semaphore, #tpu.memory_space<semaphore_mem>>)
      %dma_wait3A = arith.constant 0 : i32
      %dma_wait3A_13 = tpu.memref_slice %arg4[%mul3A_2, %dma_wait3A] : memref<10240x16xf32, #tpu.memory_space<hbm>> -> memref<320x16xf32, #tpu.memory_space<hbm>>
      %dma_wait3A_14 = arith.constant 0 : i32
      %dma_wait3A_15 = tpu.memref_slice %arg4[%mul3A_2, %dma_wait3A_14] : memref<10240x16xf32, #tpu.memory_space<hbm>> -> memref<320x16xf32, #tpu.memory_space<hbm>>
      tpu.wait_dma2 semaphore(%run_scoped3A_9 : memref<!tpu.dma_semaphore, #tpu.memory_space<semaphore_mem>>) src(%dma_wait3A_15 : memref<320x16xf32, #tpu.memory_space<hbm>>) dst(%arg10 : memref<320x16xf32, #tpu.memory_space<vmem>>)
      tpu.yield
    }) : () -> ()
    "tpu.region"() ({
      %run_scoped3A_9 = tpu.sem_alloc : memref<!tpu.dma_semaphore, #tpu.memory_space<semaphore_mem>>
      tpu.enqueue_dma source(%arg5 : memref<16xf32, #tpu.memory_space<hbm>>) target(%arg12 : memref<16xf32, #tpu.memory_space<vmem>>) target_semaphore(%run_scoped3A_9 : memref<!tpu.dma_semaphore, #tpu.memory_space<semaphore_mem>>)
      tpu.wait_dma2 semaphore(%run_scoped3A_9 : memref<!tpu.dma_semaphore, #tpu.memory_space<semaphore_mem>>) src(%arg5 : memref<16xf32, #tpu.memory_space<hbm>>) dst(%arg12 : memref<16xf32, #tpu.memory_space<vmem>>)
      tpu.yield
    }) : () -> ()
    %scan3A = arith.constant 0 : i32
    %scan3A_4 = arith.constant 0 : i32
    %scan3A_5 = arith.constant 320 : i32
    %scan3A_6 = arith.addi %scan3A_4, %scan3A_5 : i32
    %scan3A_7 = arith.constant 1 : i32
    scf.for %scan3A_9 = %scan3A_4 to %scan3A_6 step %scan3A_7  : i32 {
      %get3A = arith.index_cast %scan3A_9 : i32 to index
      %get3A_10 = arith.constant 0 : index
      %get3A_11 = tpu.vector_load %arg9[%get3A, %get3A_10] {strides = array<i32>} : memref<320x16xf32, #tpu.memory_space<vmem>>, vector<16xf32>,
      %get3A_12 = arith.index_cast %scan3A_9 : i32 to index
      %get3A_13 = arith.constant 0 : index
      %get3A_14 = tpu.vector_load %arg7[%get3A_12, %get3A_13] {strides = array<i32>} : memref<320x16xf32, #tpu.memory_space<vmem>>, vector<16xf32>,
      %get3A_15 = arith.index_cast %scan3A_9 : i32 to index
      %get3A_16 = arith.constant 0 : index
      %get3A_17 = tpu.vector_load %arg8[%get3A_15, %get3A_16] {strides = array<i32>} : memref<320x16xf32, #tpu.memory_space<vmem>>, vector<16xf32>,
      %add3A_18 = arith.addf %get3A_14, %get3A_17 : vector<16xf32>
      %get3A_19 = arith.index_cast %scan3A_9 : i32 to index
      %get3A_20 = arith.constant 0 : index
      %get3A_21 = tpu.vector_load %arg10[%get3A_19, %get3A_20] {strides = array<i32>} : memref<320x16xf32, #tpu.memory_space<vmem>>, vector<16xf32>,
      %add3A_22 = arith.addf %add3A_18, %get3A_21 : vector<16xf32>
      %mul3A_23 = arith.mulf %get3A_11, %add3A_22 : vector<16xf32>
      %get3A_24 = arith.constant 0 : index
      %get3A_25 = tpu.vector_load %arg12[%get3A_24] {strides = array<i32>} : memref<16xf32, #tpu.memory_space<vmem>>, vector<16xf32>,
      %add3A_26 = arith.addf %mul3A_23, %get3A_25 : vector<16xf32>
      %max3A = arith.constant 0.000000e+00 : f32
      %max3A_27 = vector.broadcast %max3A : f32 to vector<16xf32>
      %max3A_28 = arith.maximumf %add3A_26, %max3A_27 : vector<16xf32>
      %mul3A_29 = arith.mulf %max3A_28, %get3A_11 : vector<16xf32>
      %swap3A = arith.index_cast %scan3A_9 : i32 to index
      %swap3A_30 = arith.constant 0 : index
      %swap3A_31 = tpu.vector_load %arg11[%swap3A, %swap3A_30] {strides = array<i32>} : memref<320x16xf32, #tpu.memory_space<vmem>>, vector<16xf32>,
      tpu.vector_store %arg11[%swap3A, %swap3A_30], %mul3A_29 {strides = array<i32>} : memref<320x16xf32, #tpu.memory_space<vmem>>, vector<16xf32>,
    }
    %scan3A_8 = arith.constant 320 : i32
    "tpu.region"() ({
      %run_scoped3A_9 = tpu.sem_alloc : memref<!tpu.dma_semaphore, #tpu.memory_space<semaphore_mem>>
      %dma_start3A = arith.constant 0 : i32
      %dma_start3A_10 = tpu.memref_slice %arg6[%mul3A_2, %dma_start3A] : memref<10240x16xf32, #tpu.memory_space<hbm>> -> memref<320x16xf32, #tpu.memory_space<hbm>>
      %dma_start3A_11 = arith.constant 0 : i32
      %dma_start3A_12 = tpu.memref_slice %arg6[%mul3A_2, %dma_start3A_11] : memref<10240x16xf32, #tpu.memory_space<hbm>> -> memref<320x16xf32, #tpu.memory_space<hbm>>
      tpu.enqueue_dma source(%arg11 : memref<320x16xf32, #tpu.memory_space<vmem>>) target(%dma_start3A_12 : memref<320x16xf32, #tpu.memory_space<hbm>>) target_semaphore(%run_scoped3A_9 : memref<!tpu.dma_semaphore, #tpu.memory_space<semaphore_mem>>)
      %dma_wait3A = arith.constant 0 : i32
      %dma_wait3A_13 = tpu.memref_slice %arg6[%mul3A_2, %dma_wait3A] : memref<10240x16xf32, #tpu.memory_space<hbm>> -> memref<320x16xf32, #tpu.memory_space<hbm>>
      %dma_wait3A_14 = arith.constant 0 : i32
      %dma_wait3A_15 = tpu.memref_slice %arg6[%mul3A_2, %dma_wait3A_14] : memref<10240x16xf32, #tpu.memory_space<hbm>> -> memref<320x16xf32, #tpu.memory_space<hbm>>
      tpu.wait_dma2 semaphore(%run_scoped3A_9 : memref<!tpu.dma_semaphore, #tpu.memory_space<semaphore_mem>>) src(%arg11 : memref<320x16xf32, #tpu.memory_space<vmem>>) dst(%dma_wait3A_15 : memref<320x16xf32, #tpu.memory_space<hbm>>)
      tpu.yield
    }) : () -> ()
    return
  }
}

#map = affine_map<(d0, d1) -> (0, 0, 0)>
#map1 = affine_map<(d0, d1) -> (0, 0)>
module attributes {stable_mosaic.version = 14 : i64} {
  func.func @_sc_prep(%arg0: i32, %arg1: i32, %arg2: memref<2x10240x16xf32, #tpu.memory_space<hbm>>, %arg3: memref<10240x16xf32, #tpu.memory_space<hbm>>, %arg4: memref<10240x16xf32, #tpu.memory_space<hbm>>, %arg5: memref<10240x16xf32, #tpu.memory_space<hbm>>, %arg6: memref<320x16xf32, #tpu.memory_space<vmem>>, %arg7: memref<320x16xf32, #tpu.memory_space<vmem>>, %arg8: memref<320x16xf32, #tpu.memory_space<vmem>>, %arg9: memref<320x16xf32, #tpu.memory_space<vmem>>, %arg10: memref<320x16xf32, #tpu.memory_space<vmem>>) attributes {dimension_semantics = [#tpu.dimension_semantics<core_parallel>, #tpu.dimension_semantics<subcore_parallel>], iteration_bounds = array<i64: 2, 16>, scalar_prefetch = 0 : i64, scratch_operands = 5 : i64, tpu.core_type = #tpu.core_type<sc_vector_subcore>, window_params = [{transform_indices = #map}, {transform_indices = #map1}, {transform_indices = #map1}, {transform_indices = #map1}]} {
    %mul3A = arith.constant 16 : i32
    %mul3A_0 = arith.muli %arg0, %mul3A : i32
    %add3A = arith.addi %mul3A_0, %arg1 : i32
    %mul3A_1 = arith.constant 320 : i32
    %mul3A_2 = arith.muli %add3A, %mul3A_1 : i32
    %run_scoped3A = arith.constant 0 : i32
    "tpu.region"() ({
      %run_scoped3A_9 = tpu.sem_alloc : memref<!tpu.dma_semaphore, #tpu.memory_space<semaphore_mem>>
      %dma_start3A = arith.constant 0 : i32
      %dma_start3A_10 = arith.constant 0 : i32
      %dma_start3A_11 = tpu.memref_slice %arg2[%run_scoped3A, %dma_start3A, %dma_start3A_10] : memref<2x10240x16xf32, #tpu.memory_space<hbm>> -> memref<1x10240x16xf32, #tpu.memory_space<hbm>>
      %dma_start3A_12 = tpu.memref_squeeze %dma_start3A_11 : memref<1x10240x16xf32, #tpu.memory_space<hbm>> -> memref<10240x16xf32, #tpu.memory_space<hbm>>
      %dma_start3A_13 = arith.constant 0 : i32
      %dma_start3A_14 = tpu.memref_slice %dma_start3A_12[%mul3A_2, %dma_start3A_13] : memref<10240x16xf32, #tpu.memory_space<hbm>> -> memref<320x16xf32, #tpu.memory_space<hbm>>
      %dma_start3A_15 = arith.constant 0 : i32
      %dma_start3A_16 = arith.constant 0 : i32
      %dma_start3A_17 = tpu.memref_slice %arg2[%run_scoped3A, %dma_start3A_15, %dma_start3A_16] : memref<2x10240x16xf32, #tpu.memory_space<hbm>> -> memref<1x10240x16xf32, #tpu.memory_space<hbm>>
      %dma_start3A_18 = tpu.memref_squeeze %dma_start3A_17 : memref<1x10240x16xf32, #tpu.memory_space<hbm>> -> memref<10240x16xf32, #tpu.memory_space<hbm>>
      %dma_start3A_19 = arith.constant 0 : i32
      %dma_start3A_20 = tpu.memref_slice %dma_start3A_18[%mul3A_2, %dma_start3A_19] : memref<10240x16xf32, #tpu.memory_space<hbm>> -> memref<320x16xf32, #tpu.memory_space<hbm>>
      tpu.enqueue_dma source(%dma_start3A_20 : memref<320x16xf32, #tpu.memory_space<hbm>>) target(%arg6 : memref<320x16xf32, #tpu.memory_space<vmem>>) target_semaphore(%run_scoped3A_9 : memref<!tpu.dma_semaphore, #tpu.memory_space<semaphore_mem>>)
      %dma_wait3A = arith.constant 0 : i32
      %dma_wait3A_21 = arith.constant 0 : i32
      %dma_wait3A_22 = tpu.memref_slice %arg2[%run_scoped3A, %dma_wait3A, %dma_wait3A_21] : memref<2x10240x16xf32, #tpu.memory_space<hbm>> -> memref<1x10240x16xf32, #tpu.memory_space<hbm>>
      %dma_wait3A_23 = tpu.memref_squeeze %dma_wait3A_22 : memref<1x10240x16xf32, #tpu.memory_space<hbm>> -> memref<10240x16xf32, #tpu.memory_space<hbm>>
      %dma_wait3A_24 = arith.constant 0 : i32
      %dma_wait3A_25 = tpu.memref_slice %dma_wait3A_23[%mul3A_2, %dma_wait3A_24] : memref<10240x16xf32, #tpu.memory_space<hbm>> -> memref<320x16xf32, #tpu.memory_space<hbm>>
      %dma_wait3A_26 = arith.constant 0 : i32
      %dma_wait3A_27 = arith.constant 0 : i32
      %dma_wait3A_28 = tpu.memref_slice %arg2[%run_scoped3A, %dma_wait3A_26, %dma_wait3A_27] : memref<2x10240x16xf32, #tpu.memory_space<hbm>> -> memref<1x10240x16xf32, #tpu.memory_space<hbm>>
      %dma_wait3A_29 = tpu.memref_squeeze %dma_wait3A_28 : memref<1x10240x16xf32, #tpu.memory_space<hbm>> -> memref<10240x16xf32, #tpu.memory_space<hbm>>
      %dma_wait3A_30 = arith.constant 0 : i32
      %dma_wait3A_31 = tpu.memref_slice %dma_wait3A_29[%mul3A_2, %dma_wait3A_30] : memref<10240x16xf32, #tpu.memory_space<hbm>> -> memref<320x16xf32, #tpu.memory_space<hbm>>
      tpu.wait_dma2 semaphore(%run_scoped3A_9 : memref<!tpu.dma_semaphore, #tpu.memory_space<semaphore_mem>>) src(%dma_wait3A_31 : memref<320x16xf32, #tpu.memory_space<hbm>>) dst(%arg6 : memref<320x16xf32, #tpu.memory_space<vmem>>)
      tpu.yield
    }) : () -> ()
    %run_scoped3A_3 = arith.constant 1 : i32
    "tpu.region"() ({
      %run_scoped3A_9 = tpu.sem_alloc : memref<!tpu.dma_semaphore, #tpu.memory_space<semaphore_mem>>
      %dma_start3A = arith.constant 0 : i32
      %dma_start3A_10 = arith.constant 0 : i32
      %dma_start3A_11 = tpu.memref_slice %arg2[%run_scoped3A_3, %dma_start3A, %dma_start3A_10] : memref<2x10240x16xf32, #tpu.memory_space<hbm>> -> memref<1x10240x16xf32, #tpu.memory_space<hbm>>
      %dma_start3A_12 = tpu.memref_squeeze %dma_start3A_11 : memref<1x10240x16xf32, #tpu.memory_space<hbm>> -> memref<10240x16xf32, #tpu.memory_space<hbm>>
      %dma_start3A_13 = arith.constant 0 : i32
      %dma_start3A_14 = tpu.memref_slice %dma_start3A_12[%mul3A_2, %dma_start3A_13] : memref<10240x16xf32, #tpu.memory_space<hbm>> -> memref<320x16xf32, #tpu.memory_space<hbm>>
      %dma_start3A_15 = arith.constant 0 : i32
      %dma_start3A_16 = arith.constant 0 : i32
      %dma_start3A_17 = tpu.memref_slice %arg2[%run_scoped3A_3, %dma_start3A_15, %dma_start3A_16] : memref<2x10240x16xf32, #tpu.memory_space<hbm>> -> memref<1x10240x16xf32, #tpu.memory_space<hbm>>
      %dma_start3A_18 = tpu.memref_squeeze %dma_start3A_17 : memref<1x10240x16xf32, #tpu.memory_space<hbm>> -> memref<10240x16xf32, #tpu.memory_space<hbm>>
      %dma_start3A_19 = arith.constant 0 : i32
      %dma_start3A_20 = tpu.memref_slice %dma_start3A_18[%mul3A_2, %dma_start3A_19] : memref<10240x16xf32, #tpu.memory_space<hbm>> -> memref<320x16xf32, #tpu.memory_space<hbm>>
      tpu.enqueue_dma source(%dma_start3A_20 : memref<320x16xf32, #tpu.memory_space<hbm>>) target(%arg7 : memref<320x16xf32, #tpu.memory_space<vmem>>) target_semaphore(%run_scoped3A_9 : memref<!tpu.dma_semaphore, #tpu.memory_space<semaphore_mem>>)
      %dma_wait3A = arith.constant 0 : i32
      %dma_wait3A_21 = arith.constant 0 : i32
      %dma_wait3A_22 = tpu.memref_slice %arg2[%run_scoped3A_3, %dma_wait3A, %dma_wait3A_21] : memref<2x10240x16xf32, #tpu.memory_space<hbm>> -> memref<1x10240x16xf32, #tpu.memory_space<hbm>>
      %dma_wait3A_23 = tpu.memref_squeeze %dma_wait3A_22 : memref<1x10240x16xf32, #tpu.memory_space<hbm>> -> memref<10240x16xf32, #tpu.memory_space<hbm>>
      %dma_wait3A_24 = arith.constant 0 : i32
      %dma_wait3A_25 = tpu.memref_slice %dma_wait3A_23[%mul3A_2, %dma_wait3A_24] : memref<10240x16xf32, #tpu.memory_space<hbm>> -> memref<320x16xf32, #tpu.memory_space<hbm>>
      %dma_wait3A_26 = arith.constant 0 : i32
      %dma_wait3A_27 = arith.constant 0 : i32
      %dma_wait3A_28 = tpu.memref_slice %arg2[%run_scoped3A_3, %dma_wait3A_26, %dma_wait3A_27] : memref<2x10240x16xf32, #tpu.memory_space<hbm>> -> memref<1x10240x16xf32, #tpu.memory_space<hbm>>
      %dma_wait3A_29 = tpu.memref_squeeze %dma_wait3A_28 : memref<1x10240x16xf32, #tpu.memory_space<hbm>> -> memref<10240x16xf32, #tpu.memory_space<hbm>>
      %dma_wait3A_30 = arith.constant 0 : i32
      %dma_wait3A_31 = tpu.memref_slice %dma_wait3A_29[%mul3A_2, %dma_wait3A_30] : memref<10240x16xf32, #tpu.memory_space<hbm>> -> memref<320x16xf32, #tpu.memory_space<hbm>>
      tpu.wait_dma2 semaphore(%run_scoped3A_9 : memref<!tpu.dma_semaphore, #tpu.memory_space<semaphore_mem>>) src(%dma_wait3A_31 : memref<320x16xf32, #tpu.memory_space<hbm>>) dst(%arg7 : memref<320x16xf32, #tpu.memory_space<vmem>>)
      tpu.yield
    }) : () -> ()
    "tpu.region"() ({
      %run_scoped3A_9 = tpu.sem_alloc : memref<!tpu.dma_semaphore, #tpu.memory_space<semaphore_mem>>
      %dma_start3A = arith.constant 0 : i32
      %dma_start3A_10 = tpu.memref_slice %arg3[%mul3A_2, %dma_start3A] : memref<10240x16xf32, #tpu.memory_space<hbm>> -> memref<320x16xf32, #tpu.memory_space<hbm>>
      %dma_start3A_11 = arith.constant 0 : i32
      %dma_start3A_12 = tpu.memref_slice %arg3[%mul3A_2, %dma_start3A_11] : memref<10240x16xf32, #tpu.memory_space<hbm>> -> memref<320x16xf32, #tpu.memory_space<hbm>>
      tpu.enqueue_dma source(%dma_start3A_12 : memref<320x16xf32, #tpu.memory_space<hbm>>) target(%arg8 : memref<320x16xf32, #tpu.memory_space<vmem>>) target_semaphore(%run_scoped3A_9 : memref<!tpu.dma_semaphore, #tpu.memory_space<semaphore_mem>>)
      %dma_wait3A = arith.constant 0 : i32
      %dma_wait3A_13 = tpu.memref_slice %arg3[%mul3A_2, %dma_wait3A] : memref<10240x16xf32, #tpu.memory_space<hbm>> -> memref<320x16xf32, #tpu.memory_space<hbm>>
      %dma_wait3A_14 = arith.constant 0 : i32
      %dma_wait3A_15 = tpu.memref_slice %arg3[%mul3A_2, %dma_wait3A_14] : memref<10240x16xf32, #tpu.memory_space<hbm>> -> memref<320x16xf32, #tpu.memory_space<hbm>>
      tpu.wait_dma2 semaphore(%run_scoped3A_9 : memref<!tpu.dma_semaphore, #tpu.memory_space<semaphore_mem>>) src(%dma_wait3A_15 : memref<320x16xf32, #tpu.memory_space<hbm>>) dst(%arg8 : memref<320x16xf32, #tpu.memory_space<vmem>>)
      tpu.yield
    }) : () -> ()
    %scan3A = arith.constant 0 : i32
    %scan3A_4 = arith.constant 0 : i32
    %scan3A_5 = arith.constant 320 : i32
    %scan3A_6 = arith.addi %scan3A_4, %scan3A_5 : i32
    %scan3A_7 = arith.constant 1 : i32
    scf.for %scan3A_9 = %scan3A_4 to %scan3A_6 step %scan3A_7  : i32 {
      %get3A = arith.index_cast %scan3A_9 : i32 to index
      %get3A_10 = arith.constant 0 : index
      %get3A_11 = tpu.vector_load %arg6[%get3A, %get3A_10] {strides = array<i32>} : memref<320x16xf32, #tpu.memory_space<vmem>>, vector<16xf32>,
      %get3A_12 = arith.index_cast %scan3A_9 : i32 to index
      %get3A_13 = arith.constant 0 : index
      %get3A_14 = tpu.vector_load %arg7[%get3A_12, %get3A_13] {strides = array<i32>} : memref<320x16xf32, #tpu.memory_space<vmem>>, vector<16xf32>,
      %add3A_15 = arith.addf %get3A_11, %get3A_14 : vector<16xf32>
      %add3A_16 = arith.constant 1.000000e+00 : f32
      %add3A_17 = vector.broadcast %add3A_16 : f32 to vector<16xf32>
      %add3A_18 = arith.addf %add3A_15, %add3A_17 : vector<16xf32>
      %bitcast3A = vector.bitcast %add3A_18 : vector<16xf32> to vector<16xi32>
      %shift_right_arithmetic3A = arith.constant 1 : i32
      %shift_right_arithmetic3A_19 = vector.broadcast %shift_right_arithmetic3A : i32 to vector<16xi32>
      %shift_right_arithmetic3A_20 = arith.shrsi %bitcast3A, %shift_right_arithmetic3A_19 : vector<16xi32>
      %sub3A = arith.constant 1597463007 : i32
      %sub3A_21 = vector.broadcast %sub3A : i32 to vector<16xi32>
      %sub3A_22 = arith.subi %sub3A_21, %shift_right_arithmetic3A_20 : vector<16xi32>
      %bitcast3A_23 = vector.bitcast %sub3A_22 : vector<16xi32> to vector<16xf32>
      %mul3A_24 = arith.constant 5.000000e-01 : f32
      %mul3A_25 = vector.broadcast %mul3A_24 : f32 to vector<16xf32>
      %mul3A_26 = arith.mulf %mul3A_25, %add3A_18 : vector<16xf32>
      %mul3A_27 = arith.mulf %mul3A_26, %bitcast3A_23 : vector<16xf32>
      %mul3A_28 = arith.mulf %mul3A_27, %bitcast3A_23 : vector<16xf32>
      %sub3A_29 = arith.constant 1.500000e+00 : f32
      %sub3A_30 = vector.broadcast %sub3A_29 : f32 to vector<16xf32>
      %sub3A_31 = arith.subf %sub3A_30, %mul3A_28 : vector<16xf32>
      %mul3A_32 = arith.mulf %bitcast3A_23, %sub3A_31 : vector<16xf32>
      %mul3A_33 = arith.constant 5.000000e-01 : f32
      %mul3A_34 = vector.broadcast %mul3A_33 : f32 to vector<16xf32>
      %mul3A_35 = arith.mulf %mul3A_34, %add3A_18 : vector<16xf32>
      %mul3A_36 = arith.mulf %mul3A_35, %mul3A_32 : vector<16xf32>
      %mul3A_37 = arith.mulf %mul3A_36, %mul3A_32 : vector<16xf32>
      %sub3A_38 = arith.constant 1.500000e+00 : f32
      %sub3A_39 = vector.broadcast %sub3A_38 : f32 to vector<16xf32>
      %sub3A_40 = arith.subf %sub3A_39, %mul3A_37 : vector<16xf32>
      %mul3A_41 = arith.mulf %mul3A_32, %sub3A_40 : vector<16xf32>
      %mul3A_42 = arith.constant 5.000000e-01 : f32
      %mul3A_43 = vector.broadcast %mul3A_42 : f32 to vector<16xf32>
      %mul3A_44 = arith.mulf %mul3A_43, %add3A_18 : vector<16xf32>
      %mul3A_45 = arith.mulf %mul3A_44, %mul3A_41 : vector<16xf32>
      %mul3A_46 = arith.mulf %mul3A_45, %mul3A_41 : vector<16xf32>
      %sub3A_47 = arith.constant 1.500000e+00 : f32
      %sub3A_48 = vector.broadcast %sub3A_47 : f32 to vector<16xf32>
      %sub3A_49 = arith.subf %sub3A_48, %mul3A_46 : vector<16xf32>
      %mul3A_50 = arith.mulf %mul3A_41, %sub3A_49 : vector<16xf32>
      %swap3A = arith.index_cast %scan3A_9 : i32 to index
      %swap3A_51 = arith.constant 0 : index
      %swap3A_52 = tpu.vector_load %arg10[%swap3A, %swap3A_51] {strides = array<i32>} : memref<320x16xf32, #tpu.memory_space<vmem>>, vector<16xf32>,
      tpu.vector_store %arg10[%swap3A, %swap3A_51], %mul3A_50 {strides = array<i32>} : memref<320x16xf32, #tpu.memory_space<vmem>>, vector<16xf32>,
      %get3A_53 = arith.index_cast %scan3A_9 : i32 to index
      %get3A_54 = arith.constant 0 : index
      %get3A_55 = tpu.vector_load %arg8[%get3A_53, %get3A_54] {strides = array<i32>} : memref<320x16xf32, #tpu.memory_space<vmem>>, vector<16xf32>,
      %mul3A_56 = arith.mulf %get3A_55, %mul3A_50 : vector<16xf32>
      %swap3A_57 = arith.index_cast %scan3A_9 : i32 to index
      %swap3A_58 = arith.constant 0 : index
      %swap3A_59 = tpu.vector_load %arg9[%swap3A_57, %swap3A_58] {strides = array<i32>} : memref<320x16xf32, #tpu.memory_space<vmem>>, vector<16xf32>,
      tpu.vector_store %arg9[%swap3A_57, %swap3A_58], %mul3A_56 {strides = array<i32>} : memref<320x16xf32, #tpu.memory_space<vmem>>, vector<16xf32>,
    }
    %scan3A_8 = arith.constant 320 : i32
    "tpu.region"() ({
      %run_scoped3A_9 = tpu.sem_alloc : memref<!tpu.dma_semaphore, #tpu.memory_space<semaphore_mem>>
      %dma_start3A = arith.constant 0 : i32
      %dma_start3A_10 = tpu.memref_slice %arg4[%mul3A_2, %dma_start3A] : memref<10240x16xf32, #tpu.memory_space<hbm>> -> memref<320x16xf32, #tpu.memory_space<hbm>>
      %dma_start3A_11 = arith.constant 0 : i32
      %dma_start3A_12 = tpu.memref_slice %arg4[%mul3A_2, %dma_start3A_11] : memref<10240x16xf32, #tpu.memory_space<hbm>> -> memref<320x16xf32, #tpu.memory_space<hbm>>
      tpu.enqueue_dma source(%arg9 : memref<320x16xf32, #tpu.memory_space<vmem>>) target(%dma_start3A_12 : memref<320x16xf32, #tpu.memory_space<hbm>>) target_semaphore(%run_scoped3A_9 : memref<!tpu.dma_semaphore, #tpu.memory_space<semaphore_mem>>)
      %dma_wait3A = arith.constant 0 : i32
      %dma_wait3A_13 = tpu.memref_slice %arg4[%mul3A_2, %dma_wait3A] : memref<10240x16xf32, #tpu.memory_space<hbm>> -> memref<320x16xf32, #tpu.memory_space<hbm>>
      %dma_wait3A_14 = arith.constant 0 : i32
      %dma_wait3A_15 = tpu.memref_slice %arg4[%mul3A_2, %dma_wait3A_14] : memref<10240x16xf32, #tpu.memory_space<hbm>> -> memref<320x16xf32, #tpu.memory_space<hbm>>
      tpu.wait_dma2 semaphore(%run_scoped3A_9 : memref<!tpu.dma_semaphore, #tpu.memory_space<semaphore_mem>>) src(%arg9 : memref<320x16xf32, #tpu.memory_space<vmem>>) dst(%dma_wait3A_15 : memref<320x16xf32, #tpu.memory_space<hbm>>)
      tpu.yield
    }) : () -> ()
    "tpu.region"() ({
      %run_scoped3A_9 = tpu.sem_alloc : memref<!tpu.dma_semaphore, #tpu.memory_space<semaphore_mem>>
      %dma_start3A = arith.constant 0 : i32
      %dma_start3A_10 = tpu.memref_slice %arg5[%mul3A_2, %dma_start3A] : memref<10240x16xf32, #tpu.memory_space<hbm>> -> memref<320x16xf32, #tpu.memory_space<hbm>>
      %dma_start3A_11 = arith.constant 0 : i32
      %dma_start3A_12 = tpu.memref_slice %arg5[%mul3A_2, %dma_start3A_11] : memref<10240x16xf32, #tpu.memory_space<hbm>> -> memref<320x16xf32, #tpu.memory_space<hbm>>
      tpu.enqueue_dma source(%arg10 : memref<320x16xf32, #tpu.memory_space<vmem>>) target(%dma_start3A_12 : memref<320x16xf32, #tpu.memory_space<hbm>>) target_semaphore(%run_scoped3A_9 : memref<!tpu.dma_semaphore, #tpu.memory_space<semaphore_mem>>)
      %dma_wait3A = arith.constant 0 : i32
      %dma_wait3A_13 = tpu.memref_slice %arg5[%mul3A_2, %dma_wait3A] : memref<10240x16xf32, #tpu.memory_space<hbm>> -> memref<320x16xf32, #tpu.memory_space<hbm>>
      %dma_wait3A_14 = arith.constant 0 : i32
      %dma_wait3A_15 = tpu.memref_slice %arg5[%mul3A_2, %dma_wait3A_14] : memref<10240x16xf32, #tpu.memory_space<hbm>> -> memref<320x16xf32, #tpu.memory_space<hbm>>
      tpu.wait_dma2 semaphore(%run_scoped3A_9 : memref<!tpu.dma_semaphore, #tpu.memory_space<semaphore_mem>>) src(%arg10 : memref<320x16xf32, #tpu.memory_space<vmem>>) dst(%dma_wait3A_15 : memref<320x16xf32, #tpu.memory_space<hbm>>)
      tpu.yield
    }) : () -> ()
    return
  }
}

#map = affine_map<(d0, d1) -> (0, 0, 0)>
#map1 = affine_map<(d0, d1) -> (0, 0)>
module attributes {stable_mosaic.version = 14 : i64} {
  func.func @_sc_agg(%arg0: i32, %arg1: i32, %arg2: memref<32x40x125xi32, #tpu.memory_space<hbm>>, %arg3: memref<32x40x125xi32, #tpu.memory_space<hbm>>, %arg4: memref<10240x16xf32, #tpu.memory_space<hbm>>, %arg5: memref<10240x16xf32, #tpu.memory_space<hbm>>, %arg6: memref<2x10240x16xf32, #tpu.memory_space<hbm>>, %arg7: memref<40x125xi32, #tpu.memory_space<vmem>>, %arg8: memref<40x125xi32, #tpu.memory_space<vmem>>, %arg9: memref<125x16xf32, #tpu.memory_space<vmem>>, %arg10: memref<125x16xf32, #tpu.memory_space<vmem>>, %arg11: memref<125x16xf32, #tpu.memory_space<vmem>>, %arg12: memref<125x16xf32, #tpu.memory_space<vmem>>, %arg13: memref<125x16xf32, #tpu.memory_space<vmem>>, %arg14: memref<125x16xf32, #tpu.memory_space<vmem>>, %arg15: memref<125x16xf32, #tpu.memory_space<vmem>>, %arg16: memref<125x16xf32, #tpu.memory_space<vmem>>, %arg17: memref<10240x16xf32, #tpu.memory_space<vmem_shared>>, %arg18: memref<!tpu.dma_semaphore, #tpu.memory_space<semaphore_mem>>, %arg19: memref<!tpu.dma_semaphore, #tpu.memory_space<semaphore_mem>>, %arg20: memref<!tpu.dma_semaphore, #tpu.memory_space<semaphore_mem>>, %arg21: memref<!tpu.dma_semaphore, #tpu.memory_space<semaphore_mem>>, %arg22: memref<!tpu.dma_semaphore, #tpu.memory_space<semaphore_mem>>, %arg23: memref<!tpu.dma_semaphore, #tpu.memory_space<semaphore_mem>>, %arg24: memref<!tpu.dma_semaphore, #tpu.memory_space<semaphore_mem>>, %arg25: memref<!tpu.dma_semaphore, #tpu.memory_space<semaphore_mem>>, %arg26: memref<!tpu.dma_semaphore, #tpu.memory_space<semaphore_mem>>, %arg27: memref<!tpu.dma_semaphore, #tpu.memory_space<semaphore_mem>>, %arg28: memref<!tpu.dma_semaphore, #tpu.memory_space<semaphore_mem>>, %arg29: memref<!tpu.dma_semaphore, #tpu.memory_space<semaphore_mem>>, %arg30: memref<!tpu.dma_semaphore, #tpu.memory_space<semaphore_mem>>, %arg31: memref<!tpu.dma_semaphore, #tpu.memory_space<semaphore_mem>>, %arg32: memref<!tpu.dma_semaphore, #tpu.memory_space<semaphore_mem>>, %arg33: memref<!tpu.dma_semaphore, #tpu.memory_space<semaphore_mem>>) attributes {dimension_semantics = [#tpu.dimension_semantics<core_parallel>, #tpu.dimension_semantics<subcore_parallel>], iteration_bounds = array<i64: 2, 16>, scalar_prefetch = 0 : i64, scratch_operands = 27 : i64, tpu.core_type = #tpu.core_type<sc_vector_subcore>, window_params = [{transform_indices = #map}, {transform_indices = #map}, {transform_indices = #map1}, {transform_indices = #map1}, {transform_indices = #map}]} {
    %mul3A = arith.constant 16 : i32
    %mul3A_0 = arith.muli %arg0, %mul3A : i32
    %add3A = arith.addi %mul3A_0, %arg1 : i32
    %mul3A_1 = arith.constant 640 : i32
    %mul3A_2 = arith.muli %arg1, %mul3A_1 : i32
    "tpu.region"() ({
      %run_scoped3A = tpu.sem_alloc : memref<!tpu.dma_semaphore, #tpu.memory_space<semaphore_mem>>
      %dma_start3A_36 = arith.constant 0 : i32
      %dma_start3A_37 = tpu.memref_slice %arg17[%mul3A_2, %dma_start3A_36] : memref<10240x16xf32, #tpu.memory_space<vmem_shared>> -> memref<640x16xf32, #tpu.memory_space<vmem_shared>>
      %dma_start3A_38 = arith.constant 0 : i32
      %dma_start3A_39 = tpu.memref_slice %arg5[%mul3A_2, %dma_start3A_38] : memref<10240x16xf32, #tpu.memory_space<hbm>> -> memref<640x16xf32, #tpu.memory_space<hbm>>
      tpu.enqueue_dma source(%dma_start3A_39 : memref<640x16xf32, #tpu.memory_space<hbm>>) target(%dma_start3A_37 : memref<640x16xf32, #tpu.memory_space<vmem_shared>>) target_semaphore(%run_scoped3A : memref<!tpu.dma_semaphore, #tpu.memory_space<semaphore_mem>>)
      %dma_wait3A = arith.constant 0 : i32
      %dma_wait3A_40 = tpu.memref_slice %arg17[%mul3A_2, %dma_wait3A] : memref<10240x16xf32, #tpu.memory_space<vmem_shared>> -> memref<640x16xf32, #tpu.memory_space<vmem_shared>>
      %dma_wait3A_41 = arith.constant 0 : i32
      %dma_wait3A_42 = tpu.memref_slice %arg5[%mul3A_2, %dma_wait3A_41] : memref<10240x16xf32, #tpu.memory_space<hbm>> -> memref<640x16xf32, #tpu.memory_space<hbm>>
      tpu.wait_dma2 semaphore(%run_scoped3A : memref<!tpu.dma_semaphore, #tpu.memory_space<semaphore_mem>>) src(%dma_wait3A_42 : memref<640x16xf32, #tpu.memory_space<hbm>>) dst(%dma_wait3A_40 : memref<640x16xf32, #tpu.memory_space<vmem_shared>>)
      tpu.yield
    }) : () -> ()
    "tpu.region"() ({
      %run_scoped3A = tpu.sem_alloc : memref<!tpu.dma_semaphore, #tpu.memory_space<semaphore_mem>>
      %dma_start3A_36 = arith.constant 0 : i32
      %dma_start3A_37 = arith.constant 0 : i32
      %dma_start3A_38 = tpu.memref_slice %arg2[%add3A, %dma_start3A_36, %dma_start3A_37] : memref<32x40x125xi32, #tpu.memory_space<hbm>> -> memref<1x40x125xi32, #tpu.memory_space<hbm>>
      %dma_start3A_39 = tpu.memref_squeeze %dma_start3A_38 : memref<1x40x125xi32, #tpu.memory_space<hbm>> -> memref<40x125xi32, #tpu.memory_space<hbm>>
      %dma_start3A_40 = arith.constant 0 : i32
      %dma_start3A_41 = arith.constant 0 : i32
      %dma_start3A_42 = tpu.memref_slice %arg2[%add3A, %dma_start3A_40, %dma_start3A_41] : memref<32x40x125xi32, #tpu.memory_space<hbm>> -> memref<1x40x125xi32, #tpu.memory_space<hbm>>
      %dma_start3A_43 = tpu.memref_squeeze %dma_start3A_42 : memref<1x40x125xi32, #tpu.memory_space<hbm>> -> memref<40x125xi32, #tpu.memory_space<hbm>>
      tpu.enqueue_dma source(%dma_start3A_43 : memref<40x125xi32, #tpu.memory_space<hbm>>) target(%arg7 : memref<40x125xi32, #tpu.memory_space<vmem>>) target_semaphore(%run_scoped3A : memref<!tpu.dma_semaphore, #tpu.memory_space<semaphore_mem>>)
      %dma_wait3A = arith.constant 0 : i32
      %dma_wait3A_44 = arith.constant 0 : i32
      %dma_wait3A_45 = tpu.memref_slice %arg2[%add3A, %dma_wait3A, %dma_wait3A_44] : memref<32x40x125xi32, #tpu.memory_space<hbm>> -> memref<1x40x125xi32, #tpu.memory_space<hbm>>
      %dma_wait3A_46 = tpu.memref_squeeze %dma_wait3A_45 : memref<1x40x125xi32, #tpu.memory_space<hbm>> -> memref<40x125xi32, #tpu.memory_space<hbm>>
      %dma_wait3A_47 = arith.constant 0 : i32
      %dma_wait3A_48 = arith.constant 0 : i32
      %dma_wait3A_49 = tpu.memref_slice %arg2[%add3A, %dma_wait3A_47, %dma_wait3A_48] : memref<32x40x125xi32, #tpu.memory_space<hbm>> -> memref<1x40x125xi32, #tpu.memory_space<hbm>>
      %dma_wait3A_50 = tpu.memref_squeeze %dma_wait3A_49 : memref<1x40x125xi32, #tpu.memory_space<hbm>> -> memref<40x125xi32, #tpu.memory_space<hbm>>
      tpu.wait_dma2 semaphore(%run_scoped3A : memref<!tpu.dma_semaphore, #tpu.memory_space<semaphore_mem>>) src(%dma_wait3A_50 : memref<40x125xi32, #tpu.memory_space<hbm>>) dst(%arg7 : memref<40x125xi32, #tpu.memory_space<vmem>>)
      tpu.yield
    }) : () -> ()
    "tpu.region"() ({
      %run_scoped3A = tpu.sem_alloc : memref<!tpu.dma_semaphore, #tpu.memory_space<semaphore_mem>>
      %dma_start3A_36 = arith.constant 0 : i32
      %dma_start3A_37 = arith.constant 0 : i32
      %dma_start3A_38 = tpu.memref_slice %arg3[%add3A, %dma_start3A_36, %dma_start3A_37] : memref<32x40x125xi32, #tpu.memory_space<hbm>> -> memref<1x40x125xi32, #tpu.memory_space<hbm>>
      %dma_start3A_39 = tpu.memref_squeeze %dma_start3A_38 : memref<1x40x125xi32, #tpu.memory_space<hbm>> -> memref<40x125xi32, #tpu.memory_space<hbm>>
      %dma_start3A_40 = arith.constant 0 : i32
      %dma_start3A_41 = arith.constant 0 : i32
      %dma_start3A_42 = tpu.memref_slice %arg3[%add3A, %dma_start3A_40, %dma_start3A_41] : memref<32x40x125xi32, #tpu.memory_space<hbm>> -> memref<1x40x125xi32, #tpu.memory_space<hbm>>
      %dma_start3A_43 = tpu.memref_squeeze %dma_start3A_42 : memref<1x40x125xi32, #tpu.memory_space<hbm>> -> memref<40x125xi32, #tpu.memory_space<hbm>>
      tpu.enqueue_dma source(%dma_start3A_43 : memref<40x125xi32, #tpu.memory_space<hbm>>) target(%arg8 : memref<40x125xi32, #tpu.memory_space<vmem>>) target_semaphore(%run_scoped3A : memref<!tpu.dma_semaphore, #tpu.memory_space<semaphore_mem>>)
      %dma_wait3A = arith.constant 0 : i32
      %dma_wait3A_44 = arith.constant 0 : i32
      %dma_wait3A_45 = tpu.memref_slice %arg3[%add3A, %dma_wait3A, %dma_wait3A_44] : memref<32x40x125xi32, #tpu.memory_space<hbm>> -> memref<1x40x125xi32, #tpu.memory_space<hbm>>
      %dma_wait3A_46 = tpu.memref_squeeze %dma_wait3A_45 : memref<1x40x125xi32, #tpu.memory_space<hbm>> -> memref<40x125xi32, #tpu.memory_space<hbm>>
      %dma_wait3A_47 = arith.constant 0 : i32
      %dma_wait3A_48 = arith.constant 0 : i32
      %dma_wait3A_49 = tpu.memref_slice %arg3[%add3A, %dma_wait3A_47, %dma_wait3A_48] : memref<32x40x125xi32, #tpu.memory_space<hbm>> -> memref<1x40x125xi32, #tpu.memory_space<hbm>>
      %dma_wait3A_50 = tpu.memref_squeeze %dma_wait3A_49 : memref<1x40x125xi32, #tpu.memory_space<hbm>> -> memref<40x125xi32, #tpu.memory_space<hbm>>
      tpu.wait_dma2 semaphore(%run_scoped3A : memref<!tpu.dma_semaphore, #tpu.memory_space<semaphore_mem>>) src(%dma_wait3A_50 : memref<40x125xi32, #tpu.memory_space<hbm>>) dst(%arg8 : memref<40x125xi32, #tpu.memory_space<vmem>>)
      tpu.yield
    }) : () -> ()
    %barrier3A = arith.constant 0 : index
    tpu.barrier barrier_id(%barrier3A)
    %dma_start3A = arith.constant 0 : i32
    %dma_start3A_3 = arith.constant 0 : i32
    %dma_start3A_4 = tpu.memref_slice %arg7[%dma_start3A, %dma_start3A_3] : memref<40x125xi32, #tpu.memory_space<vmem>> -> memref<1x125xi32, #tpu.memory_space<vmem>>
    %dma_start3A_5 = tpu.memref_squeeze %dma_start3A_4 : memref<1x125xi32, #tpu.memory_space<vmem>> -> memref<125xi32, #tpu.memory_space<vmem>>
    %dma_start3A_6 = arith.constant 0 : i32
    %dma_start3A_7 = arith.constant 0 : i32
    %dma_start3A_8 = tpu.memref_slice %arg4[%dma_start3A_6, %dma_start3A_7] : memref<10240x16xf32, #tpu.memory_space<hbm>> -> memref<10240x16xf32, #tpu.memory_space<hbm>>
    tpu.enqueue_indirect_dma source(%dma_start3A_8 : memref<10240x16xf32, #tpu.memory_space<hbm>>) target(%arg9 : memref<125x16xf32, #tpu.memory_space<vmem>>) offsets(%dma_start3A_5 : memref<125xi32, #tpu.memory_space<vmem>>) semaphore(%arg18 : memref<!tpu.dma_semaphore, #tpu.memory_space<semaphore_mem>>)
    %dma_start3A_9 = arith.constant 1 : i32
    %dma_start3A_10 = arith.constant 0 : i32
    %dma_start3A_11 = tpu.memref_slice %arg7[%dma_start3A_9, %dma_start3A_10] : memref<40x125xi32, #tpu.memory_space<vmem>> -> memref<1x125xi32, #tpu.memory_space<vmem>>
    %dma_start3A_12 = tpu.memref_squeeze %dma_start3A_11 : memref<1x125xi32, #tpu.memory_space<vmem>> -> memref<125xi32, #tpu.memory_space<vmem>>
    %dma_start3A_13 = arith.constant 0 : i32
    %dma_start3A_14 = arith.constant 0 : i32
    %dma_start3A_15 = tpu.memref_slice %arg4[%dma_start3A_13, %dma_start3A_14] : memref<10240x16xf32, #tpu.memory_space<hbm>> -> memref<10240x16xf32, #tpu.memory_space<hbm>>
    tpu.enqueue_indirect_dma source(%dma_start3A_15 : memref<10240x16xf32, #tpu.memory_space<hbm>>) target(%arg10 : memref<125x16xf32, #tpu.memory_space<vmem>>) offsets(%dma_start3A_12 : memref<125xi32, #tpu.memory_space<vmem>>) semaphore(%arg19 : memref<!tpu.dma_semaphore, #tpu.memory_space<semaphore_mem>>)
    %dma_start3A_16 = arith.constant 2 : i32
    %dma_start3A_17 = arith.constant 0 : i32
    %dma_start3A_18 = tpu.memref_slice %arg7[%dma_start3A_16, %dma_start3A_17] : memref<40x125xi32, #tpu.memory_space<vmem>> -> memref<1x125xi32, #tpu.memory_space<vmem>>
    %dma_start3A_19 = tpu.memref_squeeze %dma_start3A_18 : memref<1x125xi32, #tpu.memory_space<vmem>> -> memref<125xi32, #tpu.memory_space<vmem>>
    %dma_start3A_20 = arith.constant 0 : i32
    %dma_start3A_21 = arith.constant 0 : i32
    %dma_start3A_22 = tpu.memref_slice %arg4[%dma_start3A_20, %dma_start3A_21] : memref<10240x16xf32, #tpu.memory_space<hbm>> -> memref<10240x16xf32, #tpu.memory_space<hbm>>
    tpu.enqueue_indirect_dma source(%dma_start3A_22 : memref<10240x16xf32, #tpu.memory_space<hbm>>) target(%arg11 : memref<125x16xf32, #tpu.memory_space<vmem>>) offsets(%dma_start3A_19 : memref<125xi32, #tpu.memory_space<vmem>>) semaphore(%arg20 : memref<!tpu.dma_semaphore, #tpu.memory_space<semaphore_mem>>)
    %dma_start3A_23 = arith.constant 3 : i32
    %dma_start3A_24 = arith.constant 0 : i32
    %dma_start3A_25 = tpu.memref_slice %arg7[%dma_start3A_23, %dma_start3A_24] : memref<40x125xi32, #tpu.memory_space<vmem>> -> memref<1x125xi32, #tpu.memory_space<vmem>>
    %dma_start3A_26 = tpu.memref_squeeze %dma_start3A_25 : memref<1x125xi32, #tpu.memory_space<vmem>> -> memref<125xi32, #tpu.memory_space<vmem>>
    %dma_start3A_27 = arith.constant 0 : i32
    %dma_start3A_28 = arith.constant 0 : i32
    %dma_start3A_29 = tpu.memref_slice %arg4[%dma_start3A_27, %dma_start3A_28] : memref<10240x16xf32, #tpu.memory_space<hbm>> -> memref<10240x16xf32, #tpu.memory_space<hbm>>
    tpu.enqueue_indirect_dma source(%dma_start3A_29 : memref<10240x16xf32, #tpu.memory_space<hbm>>) target(%arg12 : memref<125x16xf32, #tpu.memory_space<vmem>>) offsets(%dma_start3A_26 : memref<125xi32, #tpu.memory_space<vmem>>) semaphore(%arg21 : memref<!tpu.dma_semaphore, #tpu.memory_space<semaphore_mem>>)
    %scan3A = arith.constant 0 : i32
    %scan3A_30 = arith.constant 0 : i32
    %scan3A_31 = arith.constant 5 : i32
    %scan3A_32 = arith.addi %scan3A_30, %scan3A_31 : i32
    %scan3A_33 = arith.constant 1 : i32
    scf.for %scan3A_36 = %scan3A_30 to %scan3A_32 step %scan3A_33  : i32 {
      %mul3A_37 = arith.constant 8 : i32
      %mul3A_38 = arith.muli %scan3A_36, %mul3A_37 : i32
      %add3A_39 = arith.constant 0 : i32
      %add3A_40 = arith.addi %mul3A_38, %add3A_39 : i32
      %dma_wait3A = arith.constant 0 : i32
      %dma_wait3A_41 = tpu.memref_slice %arg7[%add3A_40, %dma_wait3A] : memref<40x125xi32, #tpu.memory_space<vmem>> -> memref<1x125xi32, #tpu.memory_space<vmem>>
      %dma_wait3A_42 = tpu.memref_squeeze %dma_wait3A_41 : memref<1x125xi32, #tpu.memory_space<vmem>> -> memref<125xi32, #tpu.memory_space<vmem>>
      %dma_wait3A_43 = arith.constant 0 : i32
      %dma_wait3A_44 = arith.constant 0 : i32
      %dma_wait3A_45 = tpu.memref_slice %arg4[%dma_wait3A_43, %dma_wait3A_44] : memref<10240x16xf32, #tpu.memory_space<hbm>> -> memref<10240x16xf32, #tpu.memory_space<hbm>>
      tpu.wait_indirect_dma semaphore(%arg18 : memref<!tpu.dma_semaphore, #tpu.memory_space<semaphore_mem>>) src(%dma_wait3A_45 : memref<10240x16xf32, #tpu.memory_space<hbm>>) dst(%arg9 : memref<125x16xf32, #tpu.memory_space<vmem>>)
      %dma_start3A_46 = arith.constant 0 : i32
      %dma_start3A_47 = tpu.memref_slice %arg8[%add3A_40, %dma_start3A_46] : memref<40x125xi32, #tpu.memory_space<vmem>> -> memref<1x125xi32, #tpu.memory_space<vmem>>
      %dma_start3A_48 = tpu.memref_squeeze %dma_start3A_47 : memref<1x125xi32, #tpu.memory_space<vmem>> -> memref<125xi32, #tpu.memory_space<vmem>>
      %dma_start3A_49 = arith.constant 0 : i32
      %dma_start3A_50 = arith.constant 0 : i32
      %dma_start3A_51 = tpu.memref_slice %arg17[%dma_start3A_49, %dma_start3A_50] : memref<10240x16xf32, #tpu.memory_space<vmem_shared>> -> memref<10240x16xf32, #tpu.memory_space<vmem_shared>>
      tpu.enqueue_indirect_dma source(%arg9 : memref<125x16xf32, #tpu.memory_space<vmem>>) target(%dma_start3A_51 : memref<10240x16xf32, #tpu.memory_space<vmem_shared>>) offsets(%dma_start3A_48 : memref<125xi32, #tpu.memory_space<vmem>>) semaphore(%arg26 : memref<!tpu.dma_semaphore, #tpu.memory_space<semaphore_mem>>) {add = true}
      %dma_wait3A_52 = arith.constant 0 : i32
      %dma_wait3A_53 = tpu.memref_slice %arg8[%add3A_40, %dma_wait3A_52] : memref<40x125xi32, #tpu.memory_space<vmem>> -> memref<1x125xi32, #tpu.memory_space<vmem>>
      %dma_wait3A_54 = tpu.memref_squeeze %dma_wait3A_53 : memref<1x125xi32, #tpu.memory_space<vmem>> -> memref<125xi32, #tpu.memory_space<vmem>>
      %dma_wait3A_55 = arith.constant 0 : i32
      %dma_wait3A_56 = arith.constant 0 : i32
      %dma_wait3A_57 = tpu.memref_slice %arg17[%dma_wait3A_55, %dma_wait3A_56] : memref<10240x16xf32, #tpu.memory_space<vmem_shared>> -> memref<10240x16xf32, #tpu.memory_space<vmem_shared>>
      tpu.wait_indirect_dma semaphore(%arg26 : memref<!tpu.dma_semaphore, #tpu.memory_space<semaphore_mem>>) src(%arg9 : memref<125x16xf32, #tpu.memory_space<vmem>>) dst(%dma_wait3A_57 : memref<10240x16xf32, #tpu.memory_space<vmem_shared>>)
      %add3A_58 = arith.constant 4 : i32
      %add3A_59 = arith.addi %add3A_40, %add3A_58 : i32
      %lt3A = arith.constant 40 : i32
      %lt3A_60 = arith.cmpi slt, %add3A_59, %lt3A : i32
      %convert_element_type3A = arith.extui %lt3A_60 : i1 to i32
      %cond3A = arith.constant 0 : i32
      %cond3A_61 = arith.cmpi ne, %convert_element_type3A, %cond3A : i32
      scf.if %cond3A_61 {
        %add3A_251 = arith.constant 4 : i32
        %add3A_252 = arith.addi %add3A_40, %add3A_251 : i32
        %dma_start3A_253 = arith.constant 0 : i32
        %dma_start3A_254 = tpu.memref_slice %arg7[%add3A_252, %dma_start3A_253] : memref<40x125xi32, #tpu.memory_space<vmem>> -> memref<1x125xi32, #tpu.memory_space<vmem>>
        %dma_start3A_255 = tpu.memref_squeeze %dma_start3A_254 : memref<1x125xi32, #tpu.memory_space<vmem>> -> memref<125xi32, #tpu.memory_space<vmem>>
        %dma_start3A_256 = arith.constant 0 : i32
        %dma_start3A_257 = arith.constant 0 : i32
        %dma_start3A_258 = tpu.memref_slice %arg4[%dma_start3A_256, %dma_start3A_257] : memref<10240x16xf32, #tpu.memory_space<hbm>> -> memref<10240x16xf32, #tpu.memory_space<hbm>>
        tpu.enqueue_indirect_dma source(%dma_start3A_258 : memref<10240x16xf32, #tpu.memory_space<hbm>>) target(%arg13 : memref<125x16xf32, #tpu.memory_space<vmem>>) offsets(%dma_start3A_255 : memref<125xi32, #tpu.memory_space<vmem>>) semaphore(%arg22 : memref<!tpu.dma_semaphore, #tpu.memory_space<semaphore_mem>>)
      } else {
      }
      %add3A_62 = arith.constant 1 : i32
      %add3A_63 = arith.addi %mul3A_38, %add3A_62 : i32
      %dma_wait3A_64 = arith.constant 0 : i32
      %dma_wait3A_65 = tpu.memref_slice %arg7[%add3A_63, %dma_wait3A_64] : memref<40x125xi32, #tpu.memory_space<vmem>> -> memref<1x125xi32, #tpu.memory_space<vmem>>
      %dma_wait3A_66 = tpu.memref_squeeze %dma_wait3A_65 : memref<1x125xi32, #tpu.memory_space<vmem>> -> memref<125xi32, #tpu.memory_space<vmem>>
      %dma_wait3A_67 = arith.constant 0 : i32
      %dma_wait3A_68 = arith.constant 0 : i32
      %dma_wait3A_69 = tpu.memref_slice %arg4[%dma_wait3A_67, %dma_wait3A_68] : memref<10240x16xf32, #tpu.memory_space<hbm>> -> memref<10240x16xf32, #tpu.memory_space<hbm>>
      tpu.wait_indirect_dma semaphore(%arg19 : memref<!tpu.dma_semaphore, #tpu.memory_space<semaphore_mem>>) src(%dma_wait3A_69 : memref<10240x16xf32, #tpu.memory_space<hbm>>) dst(%arg10 : memref<125x16xf32, #tpu.memory_space<vmem>>)
      %dma_start3A_70 = arith.constant 0 : i32
      %dma_start3A_71 = tpu.memref_slice %arg8[%add3A_63, %dma_start3A_70] : memref<40x125xi32, #tpu.memory_space<vmem>> -> memref<1x125xi32, #tpu.memory_space<vmem>>
      %dma_start3A_72 = tpu.memref_squeeze %dma_start3A_71 : memref<1x125xi32, #tpu.memory_space<vmem>> -> memref<125xi32, #tpu.memory_space<vmem>>
      %dma_start3A_73 = arith.constant 0 : i32
      %dma_start3A_74 = arith.constant 0 : i32
      %dma_start3A_75 = tpu.memref_slice %arg17[%dma_start3A_73, %dma_start3A_74] : memref<10240x16xf32, #tpu.memory_space<vmem_shared>> -> memref<10240x16xf32, #tpu.memory_space<vmem_shared>>
      tpu.enqueue_indirect_dma source(%arg10 : memref<125x16xf32, #tpu.memory_space<vmem>>) target(%dma_start3A_75 : memref<10240x16xf32, #tpu.memory_space<vmem_shared>>) offsets(%dma_start3A_72 : memref<125xi32, #tpu.memory_space<vmem>>) semaphore(%arg27 : memref<!tpu.dma_semaphore, #tpu.memory_space<semaphore_mem>>) {add = true}
      %dma_wait3A_76 = arith.constant 0 : i32
      %dma_wait3A_77 = tpu.memref_slice %arg8[%add3A_63, %dma_wait3A_76] : memref<40x125xi32, #tpu.memory_space<vmem>> -> memref<1x125xi32, #tpu.memory_space<vmem>>
      %dma_wait3A_78 = tpu.memref_squeeze %dma_wait3A_77 : memref<1x125xi32, #tpu.memory_space<vmem>> -> memref<125xi32, #tpu.memory_space<vmem>>
      %dma_wait3A_79 = arith.constant 0 : i32
      %dma_wait3A_80 = arith.constant 0 : i32
      %dma_wait3A_81 = tpu.memref_slice %arg17[%dma_wait3A_79, %dma_wait3A_80] : memref<10240x16xf32, #tpu.memory_space<vmem_shared>> -> memref<10240x16xf32, #tpu.memory_space<vmem_shared>>
      tpu.wait_indirect_dma semaphore(%arg27 : memref<!tpu.dma_semaphore, #tpu.memory_space<semaphore_mem>>) src(%arg10 : memref<125x16xf32, #tpu.memory_space<vmem>>) dst(%dma_wait3A_81 : memref<10240x16xf32, #tpu.memory_space<vmem_shared>>)
      %add3A_82 = arith.constant 4 : i32
      %add3A_83 = arith.addi %add3A_63, %add3A_82 : i32
      %lt3A_84 = arith.constant 40 : i32
      %lt3A_85 = arith.cmpi slt, %add3A_83, %lt3A_84 : i32
      %convert_element_type3A_86 = arith.extui %lt3A_85 : i1 to i32
      %cond3A_87 = arith.constant 0 : i32
      %cond3A_88 = arith.cmpi ne, %convert_element_type3A_86, %cond3A_87 : i32
      scf.if %cond3A_88 {
        %add3A_251 = arith.constant 4 : i32
        %add3A_252 = arith.addi %add3A_63, %add3A_251 : i32
        %dma_start3A_253 = arith.constant 0 : i32
        %dma_start3A_254 = tpu.memref_slice %arg7[%add3A_252, %dma_start3A_253] : memref<40x125xi32, #tpu.memory_space<vmem>> -> memref<1x125xi32, #tpu.memory_space<vmem>>
        %dma_start3A_255 = tpu.memref_squeeze %dma_start3A_254 : memref<1x125xi32, #tpu.memory_space<vmem>> -> memref<125xi32, #tpu.memory_space<vmem>>
        %dma_start3A_256 = arith.constant 0 : i32
        %dma_start3A_257 = arith.constant 0 : i32
        %dma_start3A_258 = tpu.memref_slice %arg4[%dma_start3A_256, %dma_start3A_257] : memref<10240x16xf32, #tpu.memory_space<hbm>> -> memref<10240x16xf32, #tpu.memory_space<hbm>>
        tpu.enqueue_indirect_dma source(%dma_start3A_258 : memref<10240x16xf32, #tpu.memory_space<hbm>>) target(%arg14 : memref<125x16xf32, #tpu.memory_space<vmem>>) offsets(%dma_start3A_255 : memref<125xi32, #tpu.memory_space<vmem>>) semaphore(%arg23 : memref<!tpu.dma_semaphore, #tpu.memory_space<semaphore_mem>>)
      } else {
      }
      %add3A_89 = arith.constant 2 : i32
      %add3A_90 = arith.addi %mul3A_38, %add3A_89 : i32
      %dma_wait3A_91 = arith.constant 0 : i32
      %dma_wait3A_92 = tpu.memref_slice %arg7[%add3A_90, %dma_wait3A_91] : memref<40x125xi32, #tpu.memory_space<vmem>> -> memref<1x125xi32, #tpu.memory_space<vmem>>
      %dma_wait3A_93 = tpu.memref_squeeze %dma_wait3A_92 : memref<1x125xi32, #tpu.memory_space<vmem>> -> memref<125xi32, #tpu.memory_space<vmem>>
      %dma_wait3A_94 = arith.constant 0 : i32
      %dma_wait3A_95 = arith.constant 0 : i32
      %dma_wait3A_96 = tpu.memref_slice %arg4[%dma_wait3A_94, %dma_wait3A_95] : memref<10240x16xf32, #tpu.memory_space<hbm>> -> memref<10240x16xf32, #tpu.memory_space<hbm>>
      tpu.wait_indirect_dma semaphore(%arg20 : memref<!tpu.dma_semaphore, #tpu.memory_space<semaphore_mem>>) src(%dma_wait3A_96 : memref<10240x16xf32, #tpu.memory_space<hbm>>) dst(%arg11 : memref<125x16xf32, #tpu.memory_space<vmem>>)
      %dma_start3A_97 = arith.constant 0 : i32
      %dma_start3A_98 = tpu.memref_slice %arg8[%add3A_90, %dma_start3A_97] : memref<40x125xi32, #tpu.memory_space<vmem>> -> memref<1x125xi32, #tpu.memory_space<vmem>>
      %dma_start3A_99 = tpu.memref_squeeze %dma_start3A_98 : memref<1x125xi32, #tpu.memory_space<vmem>> -> memref<125xi32, #tpu.memory_space<vmem>>
      %dma_start3A_100 = arith.constant 0 : i32
      %dma_start3A_101 = arith.constant 0 : i32
      %dma_start3A_102 = tpu.memref_slice %arg17[%dma_start3A_100, %dma_start3A_101] : memref<10240x16xf32, #tpu.memory_space<vmem_shared>> -> memref<10240x16xf32, #tpu.memory_space<vmem_shared>>
      tpu.enqueue_indirect_dma source(%arg11 : memref<125x16xf32, #tpu.memory_space<vmem>>) target(%dma_start3A_102 : memref<10240x16xf32, #tpu.memory_space<vmem_shared>>) offsets(%dma_start3A_99 : memref<125xi32, #tpu.memory_space<vmem>>) semaphore(%arg28 : memref<!tpu.dma_semaphore, #tpu.memory_space<semaphore_mem>>) {add = true}
      %dma_wait3A_103 = arith.constant 0 : i32
      %dma_wait3A_104 = tpu.memref_slice %arg8[%add3A_90, %dma_wait3A_103] : memref<40x125xi32, #tpu.memory_space<vmem>> -> memref<1x125xi32, #tpu.memory_space<vmem>>
      %dma_wait3A_105 = tpu.memref_squeeze %dma_wait3A_104 : memref<1x125xi32, #tpu.memory_space<vmem>> -> memref<125xi32, #tpu.memory_space<vmem>>
      %dma_wait3A_106 = arith.constant 0 : i32
      %dma_wait3A_107 = arith.constant 0 : i32
      %dma_wait3A_108 = tpu.memref_slice %arg17[%dma_wait3A_106, %dma_wait3A_107] : memref<10240x16xf32, #tpu.memory_space<vmem_shared>> -> memref<10240x16xf32, #tpu.memory_space<vmem_shared>>
      tpu.wait_indirect_dma semaphore(%arg28 : memref<!tpu.dma_semaphore, #tpu.memory_space<semaphore_mem>>) src(%arg11 : memref<125x16xf32, #tpu.memory_space<vmem>>) dst(%dma_wait3A_108 : memref<10240x16xf32, #tpu.memory_space<vmem_shared>>)
      %add3A_109 = arith.constant 4 : i32
      %add3A_110 = arith.addi %add3A_90, %add3A_109 : i32
      %lt3A_111 = arith.constant 40 : i32
      %lt3A_112 = arith.cmpi slt, %add3A_110, %lt3A_111 : i32
      %convert_element_type3A_113 = arith.extui %lt3A_112 : i1 to i32
      %cond3A_114 = arith.constant 0 : i32
      %cond3A_115 = arith.cmpi ne, %convert_element_type3A_113, %cond3A_114 : i32
      scf.if %cond3A_115 {
        %add3A_251 = arith.constant 4 : i32
        %add3A_252 = arith.addi %add3A_90, %add3A_251 : i32
        %dma_start3A_253 = arith.constant 0 : i32
        %dma_start3A_254 = tpu.memref_slice %arg7[%add3A_252, %dma_start3A_253] : memref<40x125xi32, #tpu.memory_space<vmem>> -> memref<1x125xi32, #tpu.memory_space<vmem>>
        %dma_start3A_255 = tpu.memref_squeeze %dma_start3A_254 : memref<1x125xi32, #tpu.memory_space<vmem>> -> memref<125xi32, #tpu.memory_space<vmem>>
        %dma_start3A_256 = arith.constant 0 : i32
        %dma_start3A_257 = arith.constant 0 : i32
        %dma_start3A_258 = tpu.memref_slice %arg4[%dma_start3A_256, %dma_start3A_257] : memref<10240x16xf32, #tpu.memory_space<hbm>> -> memref<10240x16xf32, #tpu.memory_space<hbm>>
        tpu.enqueue_indirect_dma source(%dma_start3A_258 : memref<10240x16xf32, #tpu.memory_space<hbm>>) target(%arg15 : memref<125x16xf32, #tpu.memory_space<vmem>>) offsets(%dma_start3A_255 : memref<125xi32, #tpu.memory_space<vmem>>) semaphore(%arg24 : memref<!tpu.dma_semaphore, #tpu.memory_space<semaphore_mem>>)
      } else {
      }
      %add3A_116 = arith.constant 3 : i32
      %add3A_117 = arith.addi %mul3A_38, %add3A_116 : i32
      %dma_wait3A_118 = arith.constant 0 : i32
      %dma_wait3A_119 = tpu.memref_slice %arg7[%add3A_117, %dma_wait3A_118] : memref<40x125xi32, #tpu.memory_space<vmem>> -> memref<1x125xi32, #tpu.memory_space<vmem>>
      %dma_wait3A_120 = tpu.memref_squeeze %dma_wait3A_119 : memref<1x125xi32, #tpu.memory_space<vmem>> -> memref<125xi32, #tpu.memory_space<vmem>>
      %dma_wait3A_121 = arith.constant 0 : i32
      %dma_wait3A_122 = arith.constant 0 : i32
      %dma_wait3A_123 = tpu.memref_slice %arg4[%dma_wait3A_121, %dma_wait3A_122] : memref<10240x16xf32, #tpu.memory_space<hbm>> -> memref<10240x16xf32, #tpu.memory_space<hbm>>
      tpu.wait_indirect_dma semaphore(%arg21 : memref<!tpu.dma_semaphore, #tpu.memory_space<semaphore_mem>>) src(%dma_wait3A_123 : memref<10240x16xf32, #tpu.memory_space<hbm>>) dst(%arg12 : memref<125x16xf32, #tpu.memory_space<vmem>>)
      %dma_start3A_124 = arith.constant 0 : i32
      %dma_start3A_125 = tpu.memref_slice %arg8[%add3A_117, %dma_start3A_124] : memref<40x125xi32, #tpu.memory_space<vmem>> -> memref<1x125xi32, #tpu.memory_space<vmem>>
      %dma_start3A_126 = tpu.memref_squeeze %dma_start3A_125 : memref<1x125xi32, #tpu.memory_space<vmem>> -> memref<125xi32, #tpu.memory_space<vmem>>
      %dma_start3A_127 = arith.constant 0 : i32
      %dma_start3A_128 = arith.constant 0 : i32
      %dma_start3A_129 = tpu.memref_slice %arg17[%dma_start3A_127, %dma_start3A_128] : memref<10240x16xf32, #tpu.memory_space<vmem_shared>> -> memref<10240x16xf32, #tpu.memory_space<vmem_shared>>
      tpu.enqueue_indirect_dma source(%arg12 : memref<125x16xf32, #tpu.memory_space<vmem>>) target(%dma_start3A_129 : memref<10240x16xf32, #tpu.memory_space<vmem_shared>>) offsets(%dma_start3A_126 : memref<125xi32, #tpu.memory_space<vmem>>) semaphore(%arg29 : memref<!tpu.dma_semaphore, #tpu.memory_space<semaphore_mem>>) {add = true}
      %dma_wait3A_130 = arith.constant 0 : i32
      %dma_wait3A_131 = tpu.memref_slice %arg8[%add3A_117, %dma_wait3A_130] : memref<40x125xi32, #tpu.memory_space<vmem>> -> memref<1x125xi32, #tpu.memory_space<vmem>>
      %dma_wait3A_132 = tpu.memref_squeeze %dma_wait3A_131 : memref<1x125xi32, #tpu.memory_space<vmem>> -> memref<125xi32, #tpu.memory_space<vmem>>
      %dma_wait3A_133 = arith.constant 0 : i32
      %dma_wait3A_134 = arith.constant 0 : i32
      %dma_wait3A_135 = tpu.memref_slice %arg17[%dma_wait3A_133, %dma_wait3A_134] : memref<10240x16xf32, #tpu.memory_space<vmem_shared>> -> memref<10240x16xf32, #tpu.memory_space<vmem_shared>>
      tpu.wait_indirect_dma semaphore(%arg29 : memref<!tpu.dma_semaphore, #tpu.memory_space<semaphore_mem>>) src(%arg12 : memref<125x16xf32, #tpu.memory_space<vmem>>) dst(%dma_wait3A_135 : memref<10240x16xf32, #tpu.memory_space<vmem_shared>>)
      %add3A_136 = arith.constant 4 : i32
      %add3A_137 = arith.addi %add3A_117, %add3A_136 : i32
      %lt3A_138 = arith.constant 40 : i32
      %lt3A_139 = arith.cmpi slt, %add3A_137, %lt3A_138 : i32
      %convert_element_type3A_140 = arith.extui %lt3A_139 : i1 to i32
      %cond3A_141 = arith.constant 0 : i32
      %cond3A_142 = arith.cmpi ne, %convert_element_type3A_140, %cond3A_141 : i32
      scf.if %cond3A_142 {
        %add3A_251 = arith.constant 4 : i32
        %add3A_252 = arith.addi %add3A_117, %add3A_251 : i32
        %dma_start3A_253 = arith.constant 0 : i32
        %dma_start3A_254 = tpu.memref_slice %arg7[%add3A_252, %dma_start3A_253] : memref<40x125xi32, #tpu.memory_space<vmem>> -> memref<1x125xi32, #tpu.memory_space<vmem>>
        %dma_start3A_255 = tpu.memref_squeeze %dma_start3A_254 : memref<1x125xi32, #tpu.memory_space<vmem>> -> memref<125xi32, #tpu.memory_space<vmem>>
        %dma_start3A_256 = arith.constant 0 : i32
        %dma_start3A_257 = arith.constant 0 : i32
        %dma_start3A_258 = tpu.memref_slice %arg4[%dma_start3A_256, %dma_start3A_257] : memref<10240x16xf32, #tpu.memory_space<hbm>> -> memref<10240x16xf32, #tpu.memory_space<hbm>>
        tpu.enqueue_indirect_dma source(%dma_start3A_258 : memref<10240x16xf32, #tpu.memory_space<hbm>>) target(%arg16 : memref<125x16xf32, #tpu.memory_space<vmem>>) offsets(%dma_start3A_255 : memref<125xi32, #tpu.memory_space<vmem>>) semaphore(%arg25 : memref<!tpu.dma_semaphore, #tpu.memory_space<semaphore_mem>>)
      } else {
      }
      %add3A_143 = arith.constant 4 : i32
      %add3A_144 = arith.addi %mul3A_38, %add3A_143 : i32
      %dma_wait3A_145 = arith.constant 0 : i32
      %dma_wait3A_146 = tpu.memref_slice %arg7[%add3A_144, %dma_wait3A_145] : memref<40x125xi32, #tpu.memory_space<vmem>> -> memref<1x125xi32, #tpu.memory_space<vmem>>
      %dma_wait3A_147 = tpu.memref_squeeze %dma_wait3A_146 : memref<1x125xi32, #tpu.memory_space<vmem>> -> memref<125xi32, #tpu.memory_space<vmem>>
      %dma_wait3A_148 = arith.constant 0 : i32
      %dma_wait3A_149 = arith.constant 0 : i32
      %dma_wait3A_150 = tpu.memref_slice %arg4[%dma_wait3A_148, %dma_wait3A_149] : memref<10240x16xf32, #tpu.memory_space<hbm>> -> memref<10240x16xf32, #tpu.memory_space<hbm>>
      tpu.wait_indirect_dma semaphore(%arg22 : memref<!tpu.dma_semaphore, #tpu.memory_space<semaphore_mem>>) src(%dma_wait3A_150 : memref<10240x16xf32, #tpu.memory_space<hbm>>) dst(%arg13 : memref<125x16xf32, #tpu.memory_space<vmem>>)
      %dma_start3A_151 = arith.constant 0 : i32
      %dma_start3A_152 = tpu.memref_slice %arg8[%add3A_144, %dma_start3A_151] : memref<40x125xi32, #tpu.memory_space<vmem>> -> memref<1x125xi32, #tpu.memory_space<vmem>>
      %dma_start3A_153 = tpu.memref_squeeze %dma_start3A_152 : memref<1x125xi32, #tpu.memory_space<vmem>> -> memref<125xi32, #tpu.memory_space<vmem>>
      %dma_start3A_154 = arith.constant 0 : i32
      %dma_start3A_155 = arith.constant 0 : i32
      %dma_start3A_156 = tpu.memref_slice %arg17[%dma_start3A_154, %dma_start3A_155] : memref<10240x16xf32, #tpu.memory_space<vmem_shared>> -> memref<10240x16xf32, #tpu.memory_space<vmem_shared>>
      tpu.enqueue_indirect_dma source(%arg13 : memref<125x16xf32, #tpu.memory_space<vmem>>) target(%dma_start3A_156 : memref<10240x16xf32, #tpu.memory_space<vmem_shared>>) offsets(%dma_start3A_153 : memref<125xi32, #tpu.memory_space<vmem>>) semaphore(%arg30 : memref<!tpu.dma_semaphore, #tpu.memory_space<semaphore_mem>>) {add = true}
      %dma_wait3A_157 = arith.constant 0 : i32
      %dma_wait3A_158 = tpu.memref_slice %arg8[%add3A_144, %dma_wait3A_157] : memref<40x125xi32, #tpu.memory_space<vmem>> -> memref<1x125xi32, #tpu.memory_space<vmem>>
      %dma_wait3A_159 = tpu.memref_squeeze %dma_wait3A_158 : memref<1x125xi32, #tpu.memory_space<vmem>> -> memref<125xi32, #tpu.memory_space<vmem>>
      %dma_wait3A_160 = arith.constant 0 : i32
      %dma_wait3A_161 = arith.constant 0 : i32
      %dma_wait3A_162 = tpu.memref_slice %arg17[%dma_wait3A_160, %dma_wait3A_161] : memref<10240x16xf32, #tpu.memory_space<vmem_shared>> -> memref<10240x16xf32, #tpu.memory_space<vmem_shared>>
      tpu.wait_indirect_dma semaphore(%arg30 : memref<!tpu.dma_semaphore, #tpu.memory_space<semaphore_mem>>) src(%arg13 : memref<125x16xf32, #tpu.memory_space<vmem>>) dst(%dma_wait3A_162 : memref<10240x16xf32, #tpu.memory_space<vmem_shared>>)
      %add3A_163 = arith.constant 4 : i32
      %add3A_164 = arith.addi %add3A_144, %add3A_163 : i32
      %lt3A_165 = arith.constant 40 : i32
      %lt3A_166 = arith.cmpi slt, %add3A_164, %lt3A_165 : i32
      %convert_element_type3A_167 = arith.extui %lt3A_166 : i1 to i32
      %cond3A_168 = arith.constant 0 : i32
      %cond3A_169 = arith.cmpi ne, %convert_element_type3A_167, %cond3A_168 : i32
      scf.if %cond3A_169 {
        %add3A_251 = arith.constant 4 : i32
        %add3A_252 = arith.addi %add3A_144, %add3A_251 : i32
        %dma_start3A_253 = arith.constant 0 : i32
        %dma_start3A_254 = tpu.memref_slice %arg7[%add3A_252, %dma_start3A_253] : memref<40x125xi32, #tpu.memory_space<vmem>> -> memref<1x125xi32, #tpu.memory_space<vmem>>
        %dma_start3A_255 = tpu.memref_squeeze %dma_start3A_254 : memref<1x125xi32, #tpu.memory_space<vmem>> -> memref<125xi32, #tpu.memory_space<vmem>>
        %dma_start3A_256 = arith.constant 0 : i32
        %dma_start3A_257 = arith.constant 0 : i32
        %dma_start3A_258 = tpu.memref_slice %arg4[%dma_start3A_256, %dma_start3A_257] : memref<10240x16xf32, #tpu.memory_space<hbm>> -> memref<10240x16xf32, #tpu.memory_space<hbm>>
        tpu.enqueue_indirect_dma source(%dma_start3A_258 : memref<10240x16xf32, #tpu.memory_space<hbm>>) target(%arg9 : memref<125x16xf32, #tpu.memory_space<vmem>>) offsets(%dma_start3A_255 : memref<125xi32, #tpu.memory_space<vmem>>) semaphore(%arg18 : memref<!tpu.dma_semaphore, #tpu.memory_space<semaphore_mem>>)
      } else {
      }
      %add3A_170 = arith.constant 5 : i32
      %add3A_171 = arith.addi %mul3A_38, %add3A_170 : i32
      %dma_wait3A_172 = arith.constant 0 : i32
      %dma_wait3A_173 = tpu.memref_slice %arg7[%add3A_171, %dma_wait3A_172] : memref<40x125xi32, #tpu.memory_space<vmem>> -> memref<1x125xi32, #tpu.memory_space<vmem>>
      %dma_wait3A_174 = tpu.memref_squeeze %dma_wait3A_173 : memref<1x125xi32, #tpu.memory_space<vmem>> -> memref<125xi32, #tpu.memory_space<vmem>>
      %dma_wait3A_175 = arith.constant 0 : i32
      %dma_wait3A_176 = arith.constant 0 : i32
      %dma_wait3A_177 = tpu.memref_slice %arg4[%dma_wait3A_175, %dma_wait3A_176] : memref<10240x16xf32, #tpu.memory_space<hbm>> -> memref<10240x16xf32, #tpu.memory_space<hbm>>
      tpu.wait_indirect_dma semaphore(%arg23 : memref<!tpu.dma_semaphore, #tpu.memory_space<semaphore_mem>>) src(%dma_wait3A_177 : memref<10240x16xf32, #tpu.memory_space<hbm>>) dst(%arg14 : memref<125x16xf32, #tpu.memory_space<vmem>>)
      %dma_start3A_178 = arith.constant 0 : i32
      %dma_start3A_179 = tpu.memref_slice %arg8[%add3A_171, %dma_start3A_178] : memref<40x125xi32, #tpu.memory_space<vmem>> -> memref<1x125xi32, #tpu.memory_space<vmem>>
      %dma_start3A_180 = tpu.memref_squeeze %dma_start3A_179 : memref<1x125xi32, #tpu.memory_space<vmem>> -> memref<125xi32, #tpu.memory_space<vmem>>
      %dma_start3A_181 = arith.constant 0 : i32
      %dma_start3A_182 = arith.constant 0 : i32
      %dma_start3A_183 = tpu.memref_slice %arg17[%dma_start3A_181, %dma_start3A_182] : memref<10240x16xf32, #tpu.memory_space<vmem_shared>> -> memref<10240x16xf32, #tpu.memory_space<vmem_shared>>
      tpu.enqueue_indirect_dma source(%arg14 : memref<125x16xf32, #tpu.memory_space<vmem>>) target(%dma_start3A_183 : memref<10240x16xf32, #tpu.memory_space<vmem_shared>>) offsets(%dma_start3A_180 : memref<125xi32, #tpu.memory_space<vmem>>) semaphore(%arg31 : memref<!tpu.dma_semaphore, #tpu.memory_space<semaphore_mem>>) {add = true}
      %dma_wait3A_184 = arith.constant 0 : i32
      %dma_wait3A_185 = tpu.memref_slice %arg8[%add3A_171, %dma_wait3A_184] : memref<40x125xi32, #tpu.memory_space<vmem>> -> memref<1x125xi32, #tpu.memory_space<vmem>>
      %dma_wait3A_186 = tpu.memref_squeeze %dma_wait3A_185 : memref<1x125xi32, #tpu.memory_space<vmem>> -> memref<125xi32, #tpu.memory_space<vmem>>
      %dma_wait3A_187 = arith.constant 0 : i32
      %dma_wait3A_188 = arith.constant 0 : i32
      %dma_wait3A_189 = tpu.memref_slice %arg17[%dma_wait3A_187, %dma_wait3A_188] : memref<10240x16xf32, #tpu.memory_space<vmem_shared>> -> memref<10240x16xf32, #tpu.memory_space<vmem_shared>>
      tpu.wait_indirect_dma semaphore(%arg31 : memref<!tpu.dma_semaphore, #tpu.memory_space<semaphore_mem>>) src(%arg14 : memref<125x16xf32, #tpu.memory_space<vmem>>) dst(%dma_wait3A_189 : memref<10240x16xf32, #tpu.memory_space<vmem_shared>>)
      %add3A_190 = arith.constant 4 : i32
      %add3A_191 = arith.addi %add3A_171, %add3A_190 : i32
      %lt3A_192 = arith.constant 40 : i32
      %lt3A_193 = arith.cmpi slt, %add3A_191, %lt3A_192 : i32
      %convert_element_type3A_194 = arith.extui %lt3A_193 : i1 to i32
      %cond3A_195 = arith.constant 0 : i32
      %cond3A_196 = arith.cmpi ne, %convert_element_type3A_194, %cond3A_195 : i32
      scf.if %cond3A_196 {
        %add3A_251 = arith.constant 4 : i32
        %add3A_252 = arith.addi %add3A_171, %add3A_251 : i32
        %dma_start3A_253 = arith.constant 0 : i32
        %dma_start3A_254 = tpu.memref_slice %arg7[%add3A_252, %dma_start3A_253] : memref<40x125xi32, #tpu.memory_space<vmem>> -> memref<1x125xi32, #tpu.memory_space<vmem>>
        %dma_start3A_255 = tpu.memref_squeeze %dma_start3A_254 : memref<1x125xi32, #tpu.memory_space<vmem>> -> memref<125xi32, #tpu.memory_space<vmem>>
        %dma_start3A_256 = arith.constant 0 : i32
        %dma_start3A_257 = arith.constant 0 : i32
        %dma_start3A_258 = tpu.memref_slice %arg4[%dma_start3A_256, %dma_start3A_257] : memref<10240x16xf32, #tpu.memory_space<hbm>> -> memref<10240x16xf32, #tpu.memory_space<hbm>>
        tpu.enqueue_indirect_dma source(%dma_start3A_258 : memref<10240x16xf32, #tpu.memory_space<hbm>>) target(%arg10 : memref<125x16xf32, #tpu.memory_space<vmem>>) offsets(%dma_start3A_255 : memref<125xi32, #tpu.memory_space<vmem>>) semaphore(%arg19 : memref<!tpu.dma_semaphore, #tpu.memory_space<semaphore_mem>>)
      } else {
      }
      %add3A_197 = arith.constant 6 : i32
      %add3A_198 = arith.addi %mul3A_38, %add3A_197 : i32
      %dma_wait3A_199 = arith.constant 0 : i32
      %dma_wait3A_200 = tpu.memref_slice %arg7[%add3A_198, %dma_wait3A_199] : memref<40x125xi32, #tpu.memory_space<vmem>> -> memref<1x125xi32, #tpu.memory_space<vmem>>
      %dma_wait3A_201 = tpu.memref_squeeze %dma_wait3A_200 : memref<1x125xi32, #tpu.memory_space<vmem>> -> memref<125xi32, #tpu.memory_space<vmem>>
      %dma_wait3A_202 = arith.constant 0 : i32
      %dma_wait3A_203 = arith.constant 0 : i32
      %dma_wait3A_204 = tpu.memref_slice %arg4[%dma_wait3A_202, %dma_wait3A_203] : memref<10240x16xf32, #tpu.memory_space<hbm>> -> memref<10240x16xf32, #tpu.memory_space<hbm>>
      tpu.wait_indirect_dma semaphore(%arg24 : memref<!tpu.dma_semaphore, #tpu.memory_space<semaphore_mem>>) src(%dma_wait3A_204 : memref<10240x16xf32, #tpu.memory_space<hbm>>) dst(%arg15 : memref<125x16xf32, #tpu.memory_space<vmem>>)
      %dma_start3A_205 = arith.constant 0 : i32
      %dma_start3A_206 = tpu.memref_slice %arg8[%add3A_198, %dma_start3A_205] : memref<40x125xi32, #tpu.memory_space<vmem>> -> memref<1x125xi32, #tpu.memory_space<vmem>>
      %dma_start3A_207 = tpu.memref_squeeze %dma_start3A_206 : memref<1x125xi32, #tpu.memory_space<vmem>> -> memref<125xi32, #tpu.memory_space<vmem>>
      %dma_start3A_208 = arith.constant 0 : i32
      %dma_start3A_209 = arith.constant 0 : i32
      %dma_start3A_210 = tpu.memref_slice %arg17[%dma_start3A_208, %dma_start3A_209] : memref<10240x16xf32, #tpu.memory_space<vmem_shared>> -> memref<10240x16xf32, #tpu.memory_space<vmem_shared>>
      tpu.enqueue_indirect_dma source(%arg15 : memref<125x16xf32, #tpu.memory_space<vmem>>) target(%dma_start3A_210 : memref<10240x16xf32, #tpu.memory_space<vmem_shared>>) offsets(%dma_start3A_207 : memref<125xi32, #tpu.memory_space<vmem>>) semaphore(%arg32 : memref<!tpu.dma_semaphore, #tpu.memory_space<semaphore_mem>>) {add = true}
      %dma_wait3A_211 = arith.constant 0 : i32
      %dma_wait3A_212 = tpu.memref_slice %arg8[%add3A_198, %dma_wait3A_211] : memref<40x125xi32, #tpu.memory_space<vmem>> -> memref<1x125xi32, #tpu.memory_space<vmem>>
      %dma_wait3A_213 = tpu.memref_squeeze %dma_wait3A_212 : memref<1x125xi32, #tpu.memory_space<vmem>> -> memref<125xi32, #tpu.memory_space<vmem>>
      %dma_wait3A_214 = arith.constant 0 : i32
      %dma_wait3A_215 = arith.constant 0 : i32
      %dma_wait3A_216 = tpu.memref_slice %arg17[%dma_wait3A_214, %dma_wait3A_215] : memref<10240x16xf32, #tpu.memory_space<vmem_shared>> -> memref<10240x16xf32, #tpu.memory_space<vmem_shared>>
      tpu.wait_indirect_dma semaphore(%arg32 : memref<!tpu.dma_semaphore, #tpu.memory_space<semaphore_mem>>) src(%arg15 : memref<125x16xf32, #tpu.memory_space<vmem>>) dst(%dma_wait3A_216 : memref<10240x16xf32, #tpu.memory_space<vmem_shared>>)
      %add3A_217 = arith.constant 4 : i32
      %add3A_218 = arith.addi %add3A_198, %add3A_217 : i32
      %lt3A_219 = arith.constant 40 : i32
      %lt3A_220 = arith.cmpi slt, %add3A_218, %lt3A_219 : i32
      %convert_element_type3A_221 = arith.extui %lt3A_220 : i1 to i32
      %cond3A_222 = arith.constant 0 : i32
      %cond3A_223 = arith.cmpi ne, %convert_element_type3A_221, %cond3A_222 : i32
      scf.if %cond3A_223 {
        %add3A_251 = arith.constant 4 : i32
        %add3A_252 = arith.addi %add3A_198, %add3A_251 : i32
        %dma_start3A_253 = arith.constant 0 : i32
        %dma_start3A_254 = tpu.memref_slice %arg7[%add3A_252, %dma_start3A_253] : memref<40x125xi32, #tpu.memory_space<vmem>> -> memref<1x125xi32, #tpu.memory_space<vmem>>
        %dma_start3A_255 = tpu.memref_squeeze %dma_start3A_254 : memref<1x125xi32, #tpu.memory_space<vmem>> -> memref<125xi32, #tpu.memory_space<vmem>>
        %dma_start3A_256 = arith.constant 0 : i32
        %dma_start3A_257 = arith.constant 0 : i32
        %dma_start3A_258 = tpu.memref_slice %arg4[%dma_start3A_256, %dma_start3A_257] : memref<10240x16xf32, #tpu.memory_space<hbm>> -> memref<10240x16xf32, #tpu.memory_space<hbm>>
        tpu.enqueue_indirect_dma source(%dma_start3A_258 : memref<10240x16xf32, #tpu.memory_space<hbm>>) target(%arg11 : memref<125x16xf32, #tpu.memory_space<vmem>>) offsets(%dma_start3A_255 : memref<125xi32, #tpu.memory_space<vmem>>) semaphore(%arg20 : memref<!tpu.dma_semaphore, #tpu.memory_space<semaphore_mem>>)
      } else {
      }
      %add3A_224 = arith.constant 7 : i32
      %add3A_225 = arith.addi %mul3A_38, %add3A_224 : i32
      %dma_wait3A_226 = arith.constant 0 : i32
      %dma_wait3A_227 = tpu.memref_slice %arg7[%add3A_225, %dma_wait3A_226] : memref<40x125xi32, #tpu.memory_space<vmem>> -> memref<1x125xi32, #tpu.memory_space<vmem>>
      %dma_wait3A_228 = tpu.memref_squeeze %dma_wait3A_227 : memref<1x125xi32, #tpu.memory_space<vmem>> -> memref<125xi32, #tpu.memory_space<vmem>>
      %dma_wait3A_229 = arith.constant 0 : i32
      %dma_wait3A_230 = arith.constant 0 : i32
      %dma_wait3A_231 = tpu.memref_slice %arg4[%dma_wait3A_229, %dma_wait3A_230] : memref<10240x16xf32, #tpu.memory_space<hbm>> -> memref<10240x16xf32, #tpu.memory_space<hbm>>
      tpu.wait_indirect_dma semaphore(%arg25 : memref<!tpu.dma_semaphore, #tpu.memory_space<semaphore_mem>>) src(%dma_wait3A_231 : memref<10240x16xf32, #tpu.memory_space<hbm>>) dst(%arg16 : memref<125x16xf32, #tpu.memory_space<vmem>>)
      %dma_start3A_232 = arith.constant 0 : i32
      %dma_start3A_233 = tpu.memref_slice %arg8[%add3A_225, %dma_start3A_232] : memref<40x125xi32, #tpu.memory_space<vmem>> -> memref<1x125xi32, #tpu.memory_space<vmem>>
      %dma_start3A_234 = tpu.memref_squeeze %dma_start3A_233 : memref<1x125xi32, #tpu.memory_space<vmem>> -> memref<125xi32, #tpu.memory_space<vmem>>
      %dma_start3A_235 = arith.constant 0 : i32
      %dma_start3A_236 = arith.constant 0 : i32
      %dma_start3A_237 = tpu.memref_slice %arg17[%dma_start3A_235, %dma_start3A_236] : memref<10240x16xf32, #tpu.memory_space<vmem_shared>> -> memref<10240x16xf32, #tpu.memory_space<vmem_shared>>
      tpu.enqueue_indirect_dma source(%arg16 : memref<125x16xf32, #tpu.memory_space<vmem>>) target(%dma_start3A_237 : memref<10240x16xf32, #tpu.memory_space<vmem_shared>>) offsets(%dma_start3A_234 : memref<125xi32, #tpu.memory_space<vmem>>) semaphore(%arg33 : memref<!tpu.dma_semaphore, #tpu.memory_space<semaphore_mem>>) {add = true}
      %dma_wait3A_238 = arith.constant 0 : i32
      %dma_wait3A_239 = tpu.memref_slice %arg8[%add3A_225, %dma_wait3A_238] : memref<40x125xi32, #tpu.memory_space<vmem>> -> memref<1x125xi32, #tpu.memory_space<vmem>>
      %dma_wait3A_240 = tpu.memref_squeeze %dma_wait3A_239 : memref<1x125xi32, #tpu.memory_space<vmem>> -> memref<125xi32, #tpu.memory_space<vmem>>
      %dma_wait3A_241 = arith.constant 0 : i32
      %dma_wait3A_242 = arith.constant 0 : i32
      %dma_wait3A_243 = tpu.memref_slice %arg17[%dma_wait3A_241, %dma_wait3A_242] : memref<10240x16xf32, #tpu.memory_space<vmem_shared>> -> memref<10240x16xf32, #tpu.memory_space<vmem_shared>>
      tpu.wait_indirect_dma semaphore(%arg33 : memref<!tpu.dma_semaphore, #tpu.memory_space<semaphore_mem>>) src(%arg16 : memref<125x16xf32, #tpu.memory_space<vmem>>) dst(%dma_wait3A_243 : memref<10240x16xf32, #tpu.memory_space<vmem_shared>>)
      %add3A_244 = arith.constant 4 : i32
      %add3A_245 = arith.addi %add3A_225, %add3A_244 : i32
      %lt3A_246 = arith.constant 40 : i32
      %lt3A_247 = arith.cmpi slt, %add3A_245, %lt3A_246 : i32
      %convert_element_type3A_248 = arith.extui %lt3A_247 : i1 to i32
      %cond3A_249 = arith.constant 0 : i32
      %cond3A_250 = arith.cmpi ne, %convert_element_type3A_248, %cond3A_249 : i32
      scf.if %cond3A_250 {
        %add3A_251 = arith.constant 4 : i32
        %add3A_252 = arith.addi %add3A_225, %add3A_251 : i32
        %dma_start3A_253 = arith.constant 0 : i32
        %dma_start3A_254 = tpu.memref_slice %arg7[%add3A_252, %dma_start3A_253] : memref<40x125xi32, #tpu.memory_space<vmem>> -> memref<1x125xi32, #tpu.memory_space<vmem>>
        %dma_start3A_255 = tpu.memref_squeeze %dma_start3A_254 : memref<1x125xi32, #tpu.memory_space<vmem>> -> memref<125xi32, #tpu.memory_space<vmem>>
        %dma_start3A_256 = arith.constant 0 : i32
        %dma_start3A_257 = arith.constant 0 : i32
        %dma_start3A_258 = tpu.memref_slice %arg4[%dma_start3A_256, %dma_start3A_257] : memref<10240x16xf32, #tpu.memory_space<hbm>> -> memref<10240x16xf32, #tpu.memory_space<hbm>>
        tpu.enqueue_indirect_dma source(%dma_start3A_258 : memref<10240x16xf32, #tpu.memory_space<hbm>>) target(%arg12 : memref<125x16xf32, #tpu.memory_space<vmem>>) offsets(%dma_start3A_255 : memref<125xi32, #tpu.memory_space<vmem>>) semaphore(%arg21 : memref<!tpu.dma_semaphore, #tpu.memory_space<semaphore_mem>>)
      } else {
      }
    }
    %scan3A_34 = arith.constant 5 : i32
    %barrier3A_35 = arith.constant 0 : index
    tpu.barrier barrier_id(%barrier3A_35)
    "tpu.region"() ({
      %run_scoped3A = tpu.sem_alloc : memref<!tpu.dma_semaphore, #tpu.memory_space<semaphore_mem>>
      %dma_start3A_36 = arith.constant 0 : i32
      %dma_start3A_37 = arith.constant 0 : i32
      %dma_start3A_38 = tpu.memref_slice %arg6[%arg0, %dma_start3A_36, %dma_start3A_37] : memref<2x10240x16xf32, #tpu.memory_space<hbm>> -> memref<1x10240x16xf32, #tpu.memory_space<hbm>>
      %dma_start3A_39 = tpu.memref_squeeze %dma_start3A_38 : memref<1x10240x16xf32, #tpu.memory_space<hbm>> -> memref<10240x16xf32, #tpu.memory_space<hbm>>
      %dma_start3A_40 = arith.constant 0 : i32
      %dma_start3A_41 = tpu.memref_slice %dma_start3A_39[%mul3A_2, %dma_start3A_40] : memref<10240x16xf32, #tpu.memory_space<hbm>> -> memref<640x16xf32, #tpu.memory_space<hbm>>
      %dma_start3A_42 = arith.constant 0 : i32
      %dma_start3A_43 = tpu.memref_slice %arg17[%mul3A_2, %dma_start3A_42] : memref<10240x16xf32, #tpu.memory_space<vmem_shared>> -> memref<640x16xf32, #tpu.memory_space<vmem_shared>>
      tpu.enqueue_dma source(%dma_start3A_43 : memref<640x16xf32, #tpu.memory_space<vmem_shared>>) target(%dma_start3A_41 : memref<640x16xf32, #tpu.memory_space<hbm>>) target_semaphore(%run_scoped3A : memref<!tpu.dma_semaphore, #tpu.memory_space<semaphore_mem>>)
      %dma_wait3A = arith.constant 0 : i32
      %dma_wait3A_44 = arith.constant 0 : i32
      %dma_wait3A_45 = tpu.memref_slice %arg6[%arg0, %dma_wait3A, %dma_wait3A_44] : memref<2x10240x16xf32, #tpu.memory_space<hbm>> -> memref<1x10240x16xf32, #tpu.memory_space<hbm>>
      %dma_wait3A_46 = tpu.memref_squeeze %dma_wait3A_45 : memref<1x10240x16xf32, #tpu.memory_space<hbm>> -> memref<10240x16xf32, #tpu.memory_space<hbm>>
      %dma_wait3A_47 = arith.constant 0 : i32
      %dma_wait3A_48 = tpu.memref_slice %dma_wait3A_46[%mul3A_2, %dma_wait3A_47] : memref<10240x16xf32, #tpu.memory_space<hbm>> -> memref<640x16xf32, #tpu.memory_space<hbm>>
      %dma_wait3A_49 = arith.constant 0 : i32
      %dma_wait3A_50 = tpu.memref_slice %arg17[%mul3A_2, %dma_wait3A_49] : memref<10240x16xf32, #tpu.memory_space<vmem_shared>> -> memref<640x16xf32, #tpu.memory_space<vmem_shared>>
      tpu.wait_dma2 semaphore(%run_scoped3A : memref<!tpu.dma_semaphore, #tpu.memory_space<semaphore_mem>>) src(%dma_wait3A_50 : memref<640x16xf32, #tpu.memory_space<vmem_shared>>) dst(%dma_wait3A_48 : memref<640x16xf32, #tpu.memory_space<hbm>>)
      tpu.yield
    }) : () -> ()
    return
  }
}

#map = affine_map<(d0, d1) -> (0, 0, 0)>
#map1 = affine_map<(d0, d1) -> (0, 0)>
module attributes {stable_mosaic.version = 14 : i64} {
  func.func @_sc_fin(%arg0: i32, %arg1: i32, %arg2: memref<2x10240x16xf32, #tpu.memory_space<hbm>>, %arg3: memref<10240x16xf32, #tpu.memory_space<hbm>>, %arg4: memref<10240x16xf32, #tpu.memory_space<hbm>>, %arg5: memref<10240x16xf32, #tpu.memory_space<hbm>>, %arg6: memref<320x16xf32, #tpu.memory_space<vmem>>, %arg7: memref<320x16xf32, #tpu.memory_space<vmem>>, %arg8: memref<320x16xf32, #tpu.memory_space<vmem>>, %arg9: memref<320x16xf32, #tpu.memory_space<vmem>>, %arg10: memref<320x16xf32, #tpu.memory_space<vmem>>) attributes {dimension_semantics = [#tpu.dimension_semantics<core_parallel>, #tpu.dimension_semantics<subcore_parallel>], iteration_bounds = array<i64: 2, 16>, scalar_prefetch = 0 : i64, scratch_operands = 5 : i64, tpu.core_type = #tpu.core_type<sc_vector_subcore>, window_params = [{transform_indices = #map}, {transform_indices = #map1}, {transform_indices = #map1}, {transform_indices = #map1}]} {
    %mul3A = arith.constant 16 : i32
    %mul3A_0 = arith.muli %arg0, %mul3A : i32
    %add3A = arith.addi %mul3A_0, %arg1 : i32
    %mul3A_1 = arith.constant 320 : i32
    %mul3A_2 = arith.muli %add3A, %mul3A_1 : i32
    %run_scoped3A = arith.constant 0 : i32
    "tpu.region"() ({
      %run_scoped3A_9 = tpu.sem_alloc : memref<!tpu.dma_semaphore, #tpu.memory_space<semaphore_mem>>
      %dma_start3A = arith.constant 0 : i32
      %dma_start3A_10 = arith.constant 0 : i32
      %dma_start3A_11 = tpu.memref_slice %arg2[%run_scoped3A, %dma_start3A, %dma_start3A_10] : memref<2x10240x16xf32, #tpu.memory_space<hbm>> -> memref<1x10240x16xf32, #tpu.memory_space<hbm>>
      %dma_start3A_12 = tpu.memref_squeeze %dma_start3A_11 : memref<1x10240x16xf32, #tpu.memory_space<hbm>> -> memref<10240x16xf32, #tpu.memory_space<hbm>>
      %dma_start3A_13 = arith.constant 0 : i32
      %dma_start3A_14 = tpu.memref_slice %dma_start3A_12[%mul3A_2, %dma_start3A_13] : memref<10240x16xf32, #tpu.memory_space<hbm>> -> memref<320x16xf32, #tpu.memory_space<hbm>>
      %dma_start3A_15 = arith.constant 0 : i32
      %dma_start3A_16 = arith.constant 0 : i32
      %dma_start3A_17 = tpu.memref_slice %arg2[%run_scoped3A, %dma_start3A_15, %dma_start3A_16] : memref<2x10240x16xf32, #tpu.memory_space<hbm>> -> memref<1x10240x16xf32, #tpu.memory_space<hbm>>
      %dma_start3A_18 = tpu.memref_squeeze %dma_start3A_17 : memref<1x10240x16xf32, #tpu.memory_space<hbm>> -> memref<10240x16xf32, #tpu.memory_space<hbm>>
      %dma_start3A_19 = arith.constant 0 : i32
      %dma_start3A_20 = tpu.memref_slice %dma_start3A_18[%mul3A_2, %dma_start3A_19] : memref<10240x16xf32, #tpu.memory_space<hbm>> -> memref<320x16xf32, #tpu.memory_space<hbm>>
      tpu.enqueue_dma source(%dma_start3A_20 : memref<320x16xf32, #tpu.memory_space<hbm>>) target(%arg6 : memref<320x16xf32, #tpu.memory_space<vmem>>) target_semaphore(%run_scoped3A_9 : memref<!tpu.dma_semaphore, #tpu.memory_space<semaphore_mem>>)
      %dma_wait3A = arith.constant 0 : i32
      %dma_wait3A_21 = arith.constant 0 : i32
      %dma_wait3A_22 = tpu.memref_slice %arg2[%run_scoped3A, %dma_wait3A, %dma_wait3A_21] : memref<2x10240x16xf32, #tpu.memory_space<hbm>> -> memref<1x10240x16xf32, #tpu.memory_space<hbm>>
      %dma_wait3A_23 = tpu.memref_squeeze %dma_wait3A_22 : memref<1x10240x16xf32, #tpu.memory_space<hbm>> -> memref<10240x16xf32, #tpu.memory_space<hbm>>
      %dma_wait3A_24 = arith.constant 0 : i32
      %dma_wait3A_25 = tpu.memref_slice %dma_wait3A_23[%mul3A_2, %dma_wait3A_24] : memref<10240x16xf32, #tpu.memory_space<hbm>> -> memref<320x16xf32, #tpu.memory_space<hbm>>
      %dma_wait3A_26 = arith.constant 0 : i32
      %dma_wait3A_27 = arith.constant 0 : i32
      %dma_wait3A_28 = tpu.memref_slice %arg2[%run_scoped3A, %dma_wait3A_26, %dma_wait3A_27] : memref<2x10240x16xf32, #tpu.memory_space<hbm>> -> memref<1x10240x16xf32, #tpu.memory_space<hbm>>
      %dma_wait3A_29 = tpu.memref_squeeze %dma_wait3A_28 : memref<1x10240x16xf32, #tpu.memory_space<hbm>> -> memref<10240x16xf32, #tpu.memory_space<hbm>>
      %dma_wait3A_30 = arith.constant 0 : i32
      %dma_wait3A_31 = tpu.memref_slice %dma_wait3A_29[%mul3A_2, %dma_wait3A_30] : memref<10240x16xf32, #tpu.memory_space<hbm>> -> memref<320x16xf32, #tpu.memory_space<hbm>>
      tpu.wait_dma2 semaphore(%run_scoped3A_9 : memref<!tpu.dma_semaphore, #tpu.memory_space<semaphore_mem>>) src(%dma_wait3A_31 : memref<320x16xf32, #tpu.memory_space<hbm>>) dst(%arg6 : memref<320x16xf32, #tpu.memory_space<vmem>>)
      tpu.yield
    }) : () -> ()
    %run_scoped3A_3 = arith.constant 1 : i32
    "tpu.region"() ({
      %run_scoped3A_9 = tpu.sem_alloc : memref<!tpu.dma_semaphore, #tpu.memory_space<semaphore_mem>>
      %dma_start3A = arith.constant 0 : i32
      %dma_start3A_10 = arith.constant 0 : i32
      %dma_start3A_11 = tpu.memref_slice %arg2[%run_scoped3A_3, %dma_start3A, %dma_start3A_10] : memref<2x10240x16xf32, #tpu.memory_space<hbm>> -> memref<1x10240x16xf32, #tpu.memory_space<hbm>>
      %dma_start3A_12 = tpu.memref_squeeze %dma_start3A_11 : memref<1x10240x16xf32, #tpu.memory_space<hbm>> -> memref<10240x16xf32, #tpu.memory_space<hbm>>
      %dma_start3A_13 = arith.constant 0 : i32
      %dma_start3A_14 = tpu.memref_slice %dma_start3A_12[%mul3A_2, %dma_start3A_13] : memref<10240x16xf32, #tpu.memory_space<hbm>> -> memref<320x16xf32, #tpu.memory_space<hbm>>
      %dma_start3A_15 = arith.constant 0 : i32
      %dma_start3A_16 = arith.constant 0 : i32
      %dma_start3A_17 = tpu.memref_slice %arg2[%run_scoped3A_3, %dma_start3A_15, %dma_start3A_16] : memref<2x10240x16xf32, #tpu.memory_space<hbm>> -> memref<1x10240x16xf32, #tpu.memory_space<hbm>>
      %dma_start3A_18 = tpu.memref_squeeze %dma_start3A_17 : memref<1x10240x16xf32, #tpu.memory_space<hbm>> -> memref<10240x16xf32, #tpu.memory_space<hbm>>
      %dma_start3A_19 = arith.constant 0 : i32
      %dma_start3A_20 = tpu.memref_slice %dma_start3A_18[%mul3A_2, %dma_start3A_19] : memref<10240x16xf32, #tpu.memory_space<hbm>> -> memref<320x16xf32, #tpu.memory_space<hbm>>
      tpu.enqueue_dma source(%dma_start3A_20 : memref<320x16xf32, #tpu.memory_space<hbm>>) target(%arg7 : memref<320x16xf32, #tpu.memory_space<vmem>>) target_semaphore(%run_scoped3A_9 : memref<!tpu.dma_semaphore, #tpu.memory_space<semaphore_mem>>)
      %dma_wait3A = arith.constant 0 : i32
      %dma_wait3A_21 = arith.constant 0 : i32
      %dma_wait3A_22 = tpu.memref_slice %arg2[%run_scoped3A_3, %dma_wait3A, %dma_wait3A_21] : memref<2x10240x16xf32, #tpu.memory_space<hbm>> -> memref<1x10240x16xf32, #tpu.memory_space<hbm>>
      %dma_wait3A_23 = tpu.memref_squeeze %dma_wait3A_22 : memref<1x10240x16xf32, #tpu.memory_space<hbm>> -> memref<10240x16xf32, #tpu.memory_space<hbm>>
      %dma_wait3A_24 = arith.constant 0 : i32
      %dma_wait3A_25 = tpu.memref_slice %dma_wait3A_23[%mul3A_2, %dma_wait3A_24] : memref<10240x16xf32, #tpu.memory_space<hbm>> -> memref<320x16xf32, #tpu.memory_space<hbm>>
      %dma_wait3A_26 = arith.constant 0 : i32
      %dma_wait3A_27 = arith.constant 0 : i32
      %dma_wait3A_28 = tpu.memref_slice %arg2[%run_scoped3A_3, %dma_wait3A_26, %dma_wait3A_27] : memref<2x10240x16xf32, #tpu.memory_space<hbm>> -> memref<1x10240x16xf32, #tpu.memory_space<hbm>>
      %dma_wait3A_29 = tpu.memref_squeeze %dma_wait3A_28 : memref<1x10240x16xf32, #tpu.memory_space<hbm>> -> memref<10240x16xf32, #tpu.memory_space<hbm>>
      %dma_wait3A_30 = arith.constant 0 : i32
      %dma_wait3A_31 = tpu.memref_slice %dma_wait3A_29[%mul3A_2, %dma_wait3A_30] : memref<10240x16xf32, #tpu.memory_space<hbm>> -> memref<320x16xf32, #tpu.memory_space<hbm>>
      tpu.wait_dma2 semaphore(%run_scoped3A_9 : memref<!tpu.dma_semaphore, #tpu.memory_space<semaphore_mem>>) src(%dma_wait3A_31 : memref<320x16xf32, #tpu.memory_space<hbm>>) dst(%arg7 : memref<320x16xf32, #tpu.memory_space<vmem>>)
      tpu.yield
    }) : () -> ()
    "tpu.region"() ({
      %run_scoped3A_9 = tpu.sem_alloc : memref<!tpu.dma_semaphore, #tpu.memory_space<semaphore_mem>>
      %dma_start3A = arith.constant 0 : i32
      %dma_start3A_10 = tpu.memref_slice %arg3[%mul3A_2, %dma_start3A] : memref<10240x16xf32, #tpu.memory_space<hbm>> -> memref<320x16xf32, #tpu.memory_space<hbm>>
      %dma_start3A_11 = arith.constant 0 : i32
      %dma_start3A_12 = tpu.memref_slice %arg3[%mul3A_2, %dma_start3A_11] : memref<10240x16xf32, #tpu.memory_space<hbm>> -> memref<320x16xf32, #tpu.memory_space<hbm>>
      tpu.enqueue_dma source(%dma_start3A_12 : memref<320x16xf32, #tpu.memory_space<hbm>>) target(%arg8 : memref<320x16xf32, #tpu.memory_space<vmem>>) target_semaphore(%run_scoped3A_9 : memref<!tpu.dma_semaphore, #tpu.memory_space<semaphore_mem>>)
      %dma_wait3A = arith.constant 0 : i32
      %dma_wait3A_13 = tpu.memref_slice %arg3[%mul3A_2, %dma_wait3A] : memref<10240x16xf32, #tpu.memory_space<hbm>> -> memref<320x16xf32, #tpu.memory_space<hbm>>
      %dma_wait3A_14 = arith.constant 0 : i32
      %dma_wait3A_15 = tpu.memref_slice %arg3[%mul3A_2, %dma_wait3A_14] : memref<10240x16xf32, #tpu.memory_space<hbm>> -> memref<320x16xf32, #tpu.memory_space<hbm>>
      tpu.wait_dma2 semaphore(%run_scoped3A_9 : memref<!tpu.dma_semaphore, #tpu.memory_space<semaphore_mem>>) src(%dma_wait3A_15 : memref<320x16xf32, #tpu.memory_space<hbm>>) dst(%arg8 : memref<320x16xf32, #tpu.memory_space<vmem>>)
      tpu.yield
    }) : () -> ()
    "tpu.region"() ({
      %run_scoped3A_9 = tpu.sem_alloc : memref<!tpu.dma_semaphore, #tpu.memory_space<semaphore_mem>>
      %dma_start3A = arith.constant 0 : i32
      %dma_start3A_10 = tpu.memref_slice %arg4[%mul3A_2, %dma_start3A] : memref<10240x16xf32, #tpu.memory_space<hbm>> -> memref<320x16xf32, #tpu.memory_space<hbm>>
      %dma_start3A_11 = arith.constant 0 : i32
      %dma_start3A_12 = tpu.memref_slice %arg4[%mul3A_2, %dma_start3A_11] : memref<10240x16xf32, #tpu.memory_space<hbm>> -> memref<320x16xf32, #tpu.memory_space<hbm>>
      tpu.enqueue_dma source(%dma_start3A_12 : memref<320x16xf32, #tpu.memory_space<hbm>>) target(%arg9 : memref<320x16xf32, #tpu.memory_space<vmem>>) target_semaphore(%run_scoped3A_9 : memref<!tpu.dma_semaphore, #tpu.memory_space<semaphore_mem>>)
      %dma_wait3A = arith.constant 0 : i32
      %dma_wait3A_13 = tpu.memref_slice %arg4[%mul3A_2, %dma_wait3A] : memref<10240x16xf32, #tpu.memory_space<hbm>> -> memref<320x16xf32, #tpu.memory_space<hbm>>
      %dma_wait3A_14 = arith.constant 0 : i32
      %dma_wait3A_15 = tpu.memref_slice %arg4[%mul3A_2, %dma_wait3A_14] : memref<10240x16xf32, #tpu.memory_space<hbm>> -> memref<320x16xf32, #tpu.memory_space<hbm>>
      tpu.wait_dma2 semaphore(%run_scoped3A_9 : memref<!tpu.dma_semaphore, #tpu.memory_space<semaphore_mem>>) src(%dma_wait3A_15 : memref<320x16xf32, #tpu.memory_space<hbm>>) dst(%arg9 : memref<320x16xf32, #tpu.memory_space<vmem>>)
      tpu.yield
    }) : () -> ()
    %scan3A = arith.constant 0 : i32
    %scan3A_4 = arith.constant 0 : i32
    %scan3A_5 = arith.constant 320 : i32
    %scan3A_6 = arith.addi %scan3A_4, %scan3A_5 : i32
    %scan3A_7 = arith.constant 1 : i32
    scf.for %scan3A_9 = %scan3A_4 to %scan3A_6 step %scan3A_7  : i32 {
      %get3A = arith.index_cast %scan3A_9 : i32 to index
      %get3A_10 = arith.constant 0 : index
      %get3A_11 = tpu.vector_load %arg8[%get3A, %get3A_10] {strides = array<i32>} : memref<320x16xf32, #tpu.memory_space<vmem>>, vector<16xf32>,
      %get3A_12 = arith.index_cast %scan3A_9 : i32 to index
      %get3A_13 = arith.constant 0 : index
      %get3A_14 = tpu.vector_load %arg6[%get3A_12, %get3A_13] {strides = array<i32>} : memref<320x16xf32, #tpu.memory_space<vmem>>, vector<16xf32>,
      %get3A_15 = arith.index_cast %scan3A_9 : i32 to index
      %get3A_16 = arith.constant 0 : index
      %get3A_17 = tpu.vector_load %arg7[%get3A_15, %get3A_16] {strides = array<i32>} : memref<320x16xf32, #tpu.memory_space<vmem>>, vector<16xf32>,
      %add3A_18 = arith.addf %get3A_14, %get3A_17 : vector<16xf32>
      %get3A_19 = arith.index_cast %scan3A_9 : i32 to index
      %get3A_20 = arith.constant 0 : index
      %get3A_21 = tpu.vector_load %arg9[%get3A_19, %get3A_20] {strides = array<i32>} : memref<320x16xf32, #tpu.memory_space<vmem>>, vector<16xf32>,
      %add3A_22 = arith.addf %add3A_18, %get3A_21 : vector<16xf32>
      %mul3A_23 = arith.mulf %get3A_11, %add3A_22 : vector<16xf32>
      %swap3A = arith.index_cast %scan3A_9 : i32 to index
      %swap3A_24 = arith.constant 0 : index
      %swap3A_25 = tpu.vector_load %arg10[%swap3A, %swap3A_24] {strides = array<i32>} : memref<320x16xf32, #tpu.memory_space<vmem>>, vector<16xf32>,
      tpu.vector_store %arg10[%swap3A, %swap3A_24], %mul3A_23 {strides = array<i32>} : memref<320x16xf32, #tpu.memory_space<vmem>>, vector<16xf32>,
    }
    %scan3A_8 = arith.constant 320 : i32
    "tpu.region"() ({
      %run_scoped3A_9 = tpu.sem_alloc : memref<!tpu.dma_semaphore, #tpu.memory_space<semaphore_mem>>
      %dma_start3A = arith.constant 0 : i32
      %dma_start3A_10 = tpu.memref_slice %arg5[%mul3A_2, %dma_start3A] : memref<10240x16xf32, #tpu.memory_space<hbm>> -> memref<320x16xf32, #tpu.memory_space<hbm>>
      %dma_start3A_11 = arith.constant 0 : i32
      %dma_start3A_12 = tpu.memref_slice %arg5[%mul3A_2, %dma_start3A_11] : memref<10240x16xf32, #tpu.memory_space<hbm>> -> memref<320x16xf32, #tpu.memory_space<hbm>>
      tpu.enqueue_dma source(%arg10 : memref<320x16xf32, #tpu.memory_space<vmem>>) target(%dma_start3A_12 : memref<320x16xf32, #tpu.memory_space<hbm>>) target_semaphore(%run_scoped3A_9 : memref<!tpu.dma_semaphore, #tpu.memory_space<semaphore_mem>>)
      %dma_wait3A = arith.constant 0 : i32
      %dma_wait3A_13 = tpu.memref_slice %arg5[%mul3A_2, %dma_wait3A] : memref<10240x16xf32, #tpu.memory_space<hbm>> -> memref<320x16xf32, #tpu.memory_space<hbm>>
      %dma_wait3A_14 = arith.constant 0 : i32
      %dma_wait3A_15 = tpu.memref_slice %arg5[%mul3A_2, %dma_wait3A_14] : memref<10240x16xf32, #tpu.memory_space<hbm>> -> memref<320x16xf32, #tpu.memory_space<hbm>>
      tpu.wait_dma2 semaphore(%run_scoped3A_9 : memref<!tpu.dma_semaphore, #tpu.memory_space<semaphore_mem>>) src(%arg10 : memref<320x16xf32, #tpu.memory_space<vmem>>) dst(%dma_wait3A_15 : memref<320x16xf32, #tpu.memory_space<hbm>>)
      tpu.yield
    }) : () -> ()
    return
  }
}

module attributes {stable_mosaic.version = 14 : i64} {
  func.func @_mm1_body(%arg0: i32, %arg1: memref<2048x256xf32, #tpu.memory_space<vmem>>, %arg2: memref<256x16xf32, #tpu.memory_space<vmem>>, %arg3: memref<2048x16xf32, #tpu.memory_space<vmem>>) attributes {dimension_semantics = [#tpu.dimension_semantics<arbitrary>], iteration_bounds = array<i64: 5>, scalar_prefetch = 0 : i64, scratch_operands = 0 : i64, tpu.core_type = #tpu.core_type<tc>, window_params = [{transform_indices = @transform_0, window_bounds = array<i64: 2048, 256>}, {pipeline_mode = #tpu.pipeline_mode<synchronous>, transform_indices = @transform_1, window_bounds = array<i64: 256, 16>}, {transform_indices = @transform_2, window_bounds = array<i64: 2048, 16>}]} {
    %get3A = arith.constant 0 : index
    %get3A_0 = arith.constant 0 : index
    %get3A_1 = vector.load %arg1[%get3A, %get3A_0] : memref<2048x256xf32, #tpu.memory_space<vmem>>, vector<2048x256xf32>
    %get3A_2 = arith.constant 0 : index
    %get3A_3 = arith.constant 0 : index
    %get3A_4 = vector.load %arg2[%get3A_2, %get3A_3] : memref<256x16xf32, #tpu.memory_space<vmem>>, vector<256x16xf32>
    %dot_general3A = arith.constant dense<0.000000e+00> : vector<2048x16xf32>
    %dot_general3A_5 = tpu.matmul %get3A_1, %get3A_4, %dot_general3A {dimension_numbers = #tpu.dot_dimension_numbers<[1], [0], [0], [1], [0, 0, 1, 1], [], []>, transpose_lhs_hint = false} : vector<2048x256xf32>, vector<256x16xf32>, vector<2048x16xf32> -> vector<2048x16xf32>
    %swap3A = arith.constant 0 : index
    %swap3A_6 = arith.constant 0 : index
    %swap3A_7 = vector.load %arg3[%swap3A, %swap3A_6] : memref<2048x16xf32, #tpu.memory_space<vmem>>, vector<2048x16xf32>
    tpu.vector_store %arg3[%swap3A, %swap3A_6], %dot_general3A_5 {strides = array<i32>} : memref<2048x16xf32, #tpu.memory_space<vmem>>, vector<2048x16xf32>,
    return
  }
  func.func @transform_0(%arg0: i32) -> (i32, i32) {
    %c0_i32 = arith.constant 0 : i32
    %c0_i32_0 = arith.constant 0 : i32
    return %arg0, %c0_i32 : i32, i32
  }
  func.func @transform_1(%arg0: i32) -> (i32, i32) {
    %c0_i32 = arith.constant 0 : i32
    %c0_i32_0 = arith.constant 0 : i32
    %c0_i32_1 = arith.constant 0 : i32
    return %c0_i32, %c0_i32_0 : i32, i32
  }
  func.func @transform_2(%arg0: i32) -> (i32, i32) {
    %c0_i32 = arith.constant 0 : i32
    %c0_i32_0 = arith.constant 0 : i32
    return %arg0, %c0_i32 : i32, i32
  }
}

module attributes {stable_mosaic.version = 14 : i64} {
  func.func @_out_body(%arg0: i32, %arg1: memref<2000x16xf32, #tpu.memory_space<vmem>>, %arg2: memref<16x256xf32, #tpu.memory_space<vmem>>, %arg3: memref<1x256xf32, #tpu.memory_space<vmem>>, %arg4: memref<2000x256xf32, #tpu.memory_space<vmem>>) attributes {dimension_semantics = [#tpu.dimension_semantics<arbitrary>], iteration_bounds = array<i64: 5>, scalar_prefetch = 0 : i64, scratch_operands = 0 : i64, tpu.core_type = #tpu.core_type<tc>, window_params = [{transform_indices = @transform_0, window_bounds = array<i64: 2000, 16>}, {pipeline_mode = #tpu.pipeline_mode<synchronous>, transform_indices = @transform_1, window_bounds = array<i64: 16, 256>}, {pipeline_mode = #tpu.pipeline_mode<synchronous>, transform_indices = @transform_2, window_bounds = array<i64: 1, 256>}, {transform_indices = @transform_3, window_bounds = array<i64: 2000, 256>}]} {
    %get3A = arith.constant 0 : index
    %get3A_0 = arith.constant 0 : index
    %get3A_1 = vector.load %arg1[%get3A, %get3A_0] : memref<2000x16xf32, #tpu.memory_space<vmem>>, vector<2000x16xf32>
    %get3A_2 = arith.constant 0 : index
    %get3A_3 = arith.constant 0 : index
    %get3A_4 = vector.load %arg2[%get3A_2, %get3A_3] : memref<16x256xf32, #tpu.memory_space<vmem>>, vector<16x256xf32>
    %dot_general3A = arith.constant dense<0.000000e+00> : vector<2000x256xf32>
    %dot_general3A_5 = tpu.matmul %get3A_1, %get3A_4, %dot_general3A {dimension_numbers = #tpu.dot_dimension_numbers<[1], [0], [0], [1], [0, 0, 1, 1], [], []>, transpose_lhs_hint = false} : vector<2000x16xf32>, vector<16x256xf32>, vector<2000x256xf32> -> vector<2000x256xf32>
    %get3A_6 = arith.constant 0 : index
    %get3A_7 = arith.constant 0 : index
    %get3A_8 = vector.load %arg3[%get3A_6, %get3A_7] : memref<1x256xf32, #tpu.memory_space<vmem>>, vector<1x256xf32>
    %add3A = vector.broadcast %get3A_8 : vector<1x256xf32> to vector<2000x256xf32>
    %add3A_9 = arith.addf %dot_general3A_5, %add3A : vector<2000x256xf32>
    %swap3A = arith.constant 0 : index
    %swap3A_10 = arith.constant 0 : index
    %swap3A_11 = vector.load %arg4[%swap3A, %swap3A_10] : memref<2000x256xf32, #tpu.memory_space<vmem>>, vector<2000x256xf32>
    tpu.vector_store %arg4[%swap3A, %swap3A_10], %add3A_9 {strides = array<i32>} : memref<2000x256xf32, #tpu.memory_space<vmem>>, vector<2000x256xf32>,
    return
  }
  func.func @transform_0(%arg0: i32) -> (i32, i32) {
    %c0_i32 = arith.constant 0 : i32
    %c0_i32_0 = arith.constant 0 : i32
    return %arg0, %c0_i32 : i32, i32
  }
  func.func @transform_1(%arg0: i32) -> (i32, i32) {
    %c0_i32 = arith.constant 0 : i32
    %c0_i32_0 = arith.constant 0 : i32
    %c0_i32_1 = arith.constant 0 : i32
    return %c0_i32, %c0_i32_0 : i32, i32
  }
  func.func @transform_2(%arg0: i32) -> (i32, i32) {
    %c0_i32 = arith.constant 0 : i32
    %c0_i32_0 = arith.constant 0 : i32
    %c0_i32_1 = arith.constant 0 : i32
    return %c0_i32, %c0_i32_0 : i32, i32
  }
  func.func @transform_3(%arg0: i32) -> (i32, i32) {
    %c0_i32 = arith.constant 0 : i32
    %c0_i32_0 = arith.constant 0 : i32
    return %arg0, %c0_i32 : i32, i32
  }
}

</mosaic_0001>

<sc_bundles>
// kernel: kernel.10.cloned.1.call-start
scs
__scs_entry_jumppad:
0x0: {  	(pc) =	sbr.rel $0x88, $3  }
0x1: {  	(tag) =	ssettag $0x0;
	lr =	simm.s32 $0x1  }
0x2: {  	[smem:$0x3F9B] =	sst lr;
	_ =	strace $0xD0000000  }
0x3: {  	_ = 	snop  }
0x4: {  	_ = 	snop  }
0x5: {  	_ = 	snop  }
0x6: {  	_ = 	snop  }
0x7: {  	_ = 	snop  }
__scs_overlays_trampoline_lowered:
0x8: {  	[smem:$0x3FAA] =	sst s0  }
0x9: {  	[smem:$0x3FAB] =	sst s1  }
0xa: {  	[smem:$0x3FAC] =	sst s2  }
0xb: {  	[smem:$0x3FAD] =	sst s3  }
0xc: {  	[smem:$0x3FAE] =	sst s4  }
0xd: {  	[smem:$0x3FAF] =	sst s5  }
0xe: {  	[smem:$0x3FB0] =	sst s6  }
0xf: {  	[smem:$0x3FB1] =	sst s7  }
0x10: {  	[smem:$0x3FB2] =	sst s8  }
0x11: {  	[smem:$0x3FB3] =	sst s9;
	s0 =	simm.s32 @!p0 $0x0  }
0x12: {  	s1 =	sld [smem:$0x3F99];
	s0 =	simm.s32 @p0 $0x1  }
0x13: {  	[smem:$0x3FB4] =	sst s0;
	s0 =	simm.s32 @!p1 $0x0  }
0x14: {  	s2 =	sld [smem:$0x3F98];
	s0 =	simm.s32 @p1 $0x1  }
0x15: {  	[smem:$0x3FB5] =	sst s0;
	s0 =	simm.s32 @!p2 $0x0  }
0x16: {  	s3 =	sld [smem:$0x3FDB];
	s0 =	simm.s32 @p2 $0x1  }
0x17: {  	s4 =	simm.s32 $0x1BF5;
	[smem:$0x3FB7] =	sst s0  }
0x18: {  	s0 =	sld [smem:$0x3F9A];
	_ =	swait.ge [sflag:s4], $0x0  }
0x19: {  	s7 =	sld [smem:$0x3F9B]  }
0x1a: {  	s8 =	sadd.s32 $0xFFFFE003, lr  }
0x1b: {  	s9 =	sadd.s32 $0xFFFFFEF7, lr;
	s5 =	simm.s32 $0xFFFFFFFF;
	p2 =	slt.u32 s8, $0xFFFFF086  }
0x1c: {  	p1 =	slt.u32 s9, $0xF7A;
	s5 =	simm.s32 @!p2 $0x0  }
0x1d: {  	s5 =	simm.s32 @p1 $0x1;
	p0 =	seq.s32 s7, s2  }
0x1e: {  	s7 =	smul.u32 @!p0 $0xF7A, s2;
	p2 =	seq.s32 @!p0 s5, $0x0  }
0x1f: {  	s9 =	smul.u32 $0xF7A, s1;
	s8 =	simm.s32 @!p0 $0x1BF5;
	p2 =	por !p2, p0  }
0x20: {  	[sflag:s8] =	ssyncset.s32 @!p0 $0xFFFFF086;
	s6 =	sadd.s32 @!p0 s3, s7;
	s7 =	simm.s32 @!p0 $0x108  }
0x21: {  	s3 =	sadd.s32 s3, s9;
	s6 =	sadd.s32 @!p0 $0x88, s6;
	s7 =	simm.s32 @p2 $0x1082  }
0x22: {  	[simem:s7], [sflag:s8] =	dma.local @!p0 [hbm:s6], $0xF7A  }
0x23: {  	s9 =	sor.u32 $0xD0000000, s2;
	s6 =	simm.s32 $0x108;
	_ =	swait.ge @!p0 [sflag:s8], $0x0  }
0x24: {  	s3 =	sadd.s32 $0x88, s3;
	s6 =	simm.s32 @!p1 $0x1082;
	[sflag:s4] =	ssyncset.s32 $0xFFFFF086  }
0x25: {  	[simem:s6], [sflag:s4] =	dma.local [hbm:s3], $0xF7A  }
0x26: {  	[smem:$0x3F9B] =	sst s1;
	(tag) =	ssettag s2;
	_ =	strace s9  }
0x27: {  	s1 =	sld [smem:$0x3FAB]  }
0x28: {  	s2 =	sld [smem:$0x3FAC]  }
0x29: {  	s4 =	sld [smem:$0x3FAE]  }
0x2a: {  	p0 =	seq.s32 s5, $0x0;
	s5 =	sld [smem:$0x3FAF]  }
0x2b: {  	s6 =	sld [smem:$0x3FB0]  }
0x2c: {  	s7 =	sld [smem:$0x3FB1]  }
0x2d: {  	s3 =	simm.s32 $0x108;
	s8 =	sld [smem:$0x3FB2]  }
0x2e: {  	s3 =	simm.s32 @!p0 $0x1082;
	s9 =	sld [smem:$0x3FB3]  }
0x2f: {  	lr =	sadd.s32 s0, s3;
	s0 =	sld [smem:$0x3FAA]  }
0x30: {  	s3 =	sld [smem:$0x3FAD]  }
0x31: {  	[smem:$0x3FB6] =	sst s10  }
0x32: {  	s10 =	sld [smem:$0x3FB4];
	_ =	sdelay $0x3  }
0x33: {  	p0 =	seq.s32 s10, $0x1;
	s10 =	sld [smem:$0x3FB6];
	_ =	sdelay $0x3  }
0x34: {  	[smem:$0x3FB6] =	sst s10  }
0x35: {  	s10 =	sld [smem:$0x3FB5];
	_ =	sdelay $0x3  }
0x36: {  	p1 =	seq.s32 s10, $0x1;
	s10 =	sld [smem:$0x3FB6];
	_ =	sdelay $0x3  }
0x37: {  	[smem:$0x3FB6] =	sst s10  }
0x38: {  	s10 =	sld [smem:$0x3FB7]  }
0x39: {  	_ = 	snop;
	(pc) =	sbr.ind lr, $3  }
0x3a: {  	_ = 	snop  }
0x3b: {  	_ = 	snop  }
0x3c: {  	p2 =	seq.s32 s10, $0x1;
	s10 =	sld [smem:$0x3FB6]  }
0x3d: {  	_ =	shalt  }
0x3e: {  	_ =	shalt  }
0x3f: {  	_ =	shalt  }
0x40: {  	_ =	shalt  }
0x41: {  	_ =	shalt  }
0x42: {  	_ =	shalt  }
0x43: {  	_ =	shalt  }
0x44: {  	_ =	shalt  }
0x45: {  	_ =	shalt  }
0x46: {  	_ =	shalt  }
0x47: {  	_ =	shalt  }
0x48: {  	_ =	shalt  }
0x49: {  	_ =	shalt  }
0x4a: {  	_ =	shalt  }
0x4b: {  	_ =	shalt  }
0x4c: {  	_ =	shalt  }
0x4d: {  	_ =	shalt  }
0x4e: {  	_ =	shalt  }
0x4f: {  	_ =	shalt  }
0x50: {  	_ =	shalt  }
0x51: {  	_ =	shalt  }
0x52: {  	_ =	shalt  }
0x53: {  	_ =	shalt  }
0x54: {  	_ =	shalt  }
0x55: {  	_ =	shalt  }
0x56: {  	_ =	shalt  }
0x57: {  	_ =	shalt  }
0x58: {  	_ =	shalt  }
0x59: {  	_ =	shalt  }
0x5a: {  	_ =	shalt  }
0x5b: {  	_ =	shalt  }
0x5c: {  	_ =	shalt  }
0x5d: {  	_ =	shalt  }
0x5e: {  	_ =	shalt  }
0x5f: {  	_ =	shalt  }
0x60: {  	_ =	shalt  }
0x61: {  	_ =	shalt  }
0x62: {  	_ =	shalt  }
0x63: {  	_ =	shalt  }
0x64: {  	_ =	shalt  }
0x65: {  	_ =	shalt  }
0x66: {  	_ =	shalt  }
0x67: {  	_ =	shalt  }
0x68: {  	_ =	shalt  }
0x69: {  	_ =	shalt  }
0x6a: {  	_ =	shalt  }
0x6b: {  	_ =	shalt  }
0x6c: {  	_ =	shalt  }
0x6d: {  	_ =	shalt  }
0x6e: {  	_ =	shalt  }
0x6f: {  	_ =	shalt  }
0x70: {  	_ =	shalt  }
0x71: {  	_ =	shalt  }
0x72: {  	_ =	shalt  }
0x73: {  	_ =	shalt  }
0x74: {  	_ =	shalt  }
0x75: {  	_ =	shalt  }
0x76: {  	_ =	shalt  }
0x77: {  	_ =	shalt  }
0x78: {  	_ =	shalt  }
0x79: {  	_ =	shalt  }
0x7a: {  	_ =	shalt  }
0x7b: {  	_ =	shalt  }
0x7c: {  	_ =	shalt  }
0x7d: {  	_ =	shalt  }
0x7e: {  	_ =	shalt  }
0x7f: {  	_ =	shalt  }
0x80: {  	_ =	shalt  }
0x81: {  	_ =	shalt  }
0x82: {  	_ =	shalt  }
0x83: {  	_ =	shalt  }
0x84: {  	_ =	shalt  }
0x85: {  	_ =	shalt  }
0x86: {  	_ =	shalt  }
0x87: {  	_ =	shalt  }
.Lfunc_end0:
.L_simem_size_0:
called_computation_lowered:
.L_overlay_start_0:
0x88: {  	s2 =	sld [smem:$0x3FD9]  }
0x89: {  	s3 =	sld [smem:$0x3FFE];
	_ =	sdelay $0x1  }
0x8a: {  	s1 =	srdreg.scid  }
0x8b: {  	s0 =	sand.u32 $0x1, s1  }
0x8c: {  	s17 =	sshll.u32 s0, $0xA;
	s2 =	sadd.s32 s3, s2  }
0x8d: {  	s2 =	sadd.s32 s2, s17  }
0x8e: {  	[smem:$0x3FC2] =	sst s2  }
0x8f: {  	_ = 	snop  }
0x90: {  	s2 =	sld [smem:$0x3FD0];
	(tm) =	ssettm $0x1  }
0x91: {  	s18 =	sld [smem:$0x3FFB];
	_ =	sdelay $0x3  }
0x92: {  	_ =	strace s18  }
0x93: {  	s3 =	sld [smem:$0x3FFC];
	_ =	sdelay $0x3  }
0x94: {  	_ =	strace s3  }
0x95: {  	s3 =	sld [smem:$0x3FFD];
	_ =	sdelay $0x3  }
0x96: {  	_ =	strace s3  }
0x97: {  	_ =	strace $0x8FFFFFFF  }
0x98: {  	s19 =	sld [smem:$0x3FDB];
	_ =	sdelay $0x1  }
0x99: {  	s4 =	simm.s32 $_scs_section_size  }
0x9a: {  	s5 =	simm.s32 $_size__tile_overlayer_lowered;
	s6 =	simm.s32 $_tile_overlayer_lowered  }
0x9b: {  	s22 =	simm.s32 $0x1BFF;
	s21 =	sshll.u32 s6, $0x1;
	s3 =	sadd.s32 s4, s19  }
0x9c: {  	s7 =	simm.s32 $0x0;
	s20 =	sshll.u32 s5, $0x1;
	s5 =	sadd.s32 s21, s3  }
0x9d: {  	[timem:s7], [sflag:s22] =	dma.local [hbm:s5], s20  }
0x9e: {  	_ =	swait.ge [sflag:s22], s20  }
0x9f: {  	s4 =	ssub.s32 $0x0, s20;
	[sflag:s22] =	ssyncset.done $0x0  }
0xa0: {  	[sflag:s22] =	ssyncadd.s32 s4;
	_ =	sdelay $0x1  }
0xa1: {  	s23 =	simm.s32 $0x1B8B  }
0xa2: {  	_ =	swait.ge [sflag:s23], $0x1  }
0xa3: {  	[sflag:s23] =	ssyncset.done $0x0  }
0xa4: {  	s25 =	simm.s32 $0x1B8E;
	s24 =	sld [smem:$0x3FFE];
	[sflag:s23] =	ssyncadd.s32 $0xFFFFFFFF  }
0xa5: {  	s26 =	simm.s32 $execute0_lowered;
	[smem:$0x3FD2] =	sst s25  }
0xa6: {  	s5 =	sshll.u32 s26, $0x1;
	_ =	strace $0x80000046;
	[dreg:$0x1] =	wrdreg $0xFFFFFFFF  }
0xa7: {  	s28 =	simm.s32 $_size_execute0_lowered;
	s3 =	sadd.s32 s3, s5;
	[dreg:$0x0] =	wrdreg $0x0  }
0xa8: {  	s5 =	sshll.u32 s28, $0x1;
	[dreg:$0x2] =	wrdreg s3  }
0xa9: {  	[dreg:$0x3] =	wrdreg s5  }
0xaa: {  	[dreg:$0x4] =	wrdreg $0xC0  }
0xab: {  	_ =	task [dreg:s7], $0x5FFFF  }
0xac: {  	[dreg:$0x1] =	wrdreg $0xFFFFFFFF  }
0xad: {  	[dreg:$0x0] =	wrdreg $0x60  }
0xae: {  	[dreg:$0x2] =	wrdreg s24  }
0xaf: {  	[dreg:$0x3] =	wrdreg s2  }
0xb0: {  	[dreg:$0x4] =	wrdreg $0x1BD00  }
0xb1: {  	[dreg:$0x5] =	wrdreg $0x9  }
0xb2: {  	_ =	task.clear_ibuf [dreg:s7], $0x6FFFF;
	_ =	strace $0x90000046  }
0xb3: {  	s29 =	simm.s32 $0x9;
	_ =	strace $0x80000048  }
0xb4: {  	_ =	swait.ge [sflag:s29], $0x1  }
0xb5: {  	[sflag:s29] =	ssyncadd.s32 $0xFFFFFFFF  }
0xb6: {  	_ =	strace $0x90000048  }
0xb7: {  	_ =	sfence  }
0xb8: {  	s30 =	sld [smem:$0x0];
	_ =	sdelay $0x2  }
0xb9: {  	s31 =	sshll.u32 s1, $0xD;
	s1 =	sshrl.u32 s1, $0x2  }
0xba: {  	s3 =	sand.u32 $0x4000, s31;
	s1 =	sadd.s32 s1, s30  }
0xbb: {  	s0 =	sor.u32 s3, s0;
	s1 =	sshll.u32 s1, $0x11  }
0xbc: {  	s0 =	sor.u32 s1, s0  }
0xbd: {  	s0 =	sadd.s32 $0x8F2B, s0  }
0xbe: {  	[sflag:s0] =	ssyncadd.remote.s32 $0x1  }
0xbf: {  	_ =	sfence.sel $0xFFFF  }
0xc0: {  	[dreg:$0x0] =	wrdreg $0xFFFFFFFF;
	(pc) =	sbr.abs _section_cstart, $3  }
0xc1: {  	[dreg:$0x1] =	wrdreg $0xFFFFFFFF  }
0xc2: {  	_ =	task.clear_ibuf [dreg:s7], $0x2FFFF;
	_ =	strace $0x9FFFFFFF  }
0xc3: {  	(tm) =	ssettm $0x7FFFFFFF  }
tec
execute0_lowered:
.L_overlay_start_1:
0x0: {  	(tag) =	ssettag $0x1  }
0x1: {  	s5 =	rddreg [dreg:$0x0]  }
0x2: {  	s8 =	rddreg [dreg:$0x1]  }
0x3: {  	s0 =	srdreg.scid;
	s2 =	rddreg [dreg:$0x2];
	s3 =	simm.s32 $0x0  }
0x4: {  	s6 =	sand.u32 $0x1, s0;
	s0 =	stileid.u32;
	[smem:$0x7FF] =	sst s3  }
0x5: {  	s1 =	sshll.u32 s6, $0x4;
	s7 =	smul.u32 $0x2800, s0;
	s10 =	ssub.s32 $0x2, s6  }
0x6: {  	s31 =	sshll.u32 s0, $0x6;
	s12 =	smul.u32 $0x5000, s6;
	s4 =	sor.u32 s0, s1  }
0x7: {  	s1 =	rddreg [dreg:$0x3];
	_ =	strace $0x80000047;
	s11 =	sshrl.u32 s10, $0x1  }
0x8: {  	s6 =	sor.u32 $0x1C01, s31;
	s4 =	smul.u32 $0x280, s4;
	s13 =	sshrl.u32 s7, $0x3  }
0x9: {  	s10 =	ssub.s32 s10, s11;
	s14 =	sadd.s32 s7, s2;
	s15 =	sadd.s32 s8, s12  }
0xa: {  	s11 =	simm.s32 $0x1400;
	s12 =	simm.s32 $0x7D;
	s8 =	smax.u32 s10, $0x1  }
0xb: {  	s9 =	sadd.s32 s4, s5;
	s4 =	sadd.s32 $0x6C00, s5;
	s5 =	sadd.s32 s13, s5  }
0xc: {  	s10 =	simm.s32 $0x1;
	s13 =	sadd.s32 s13, s15;
	s5 =	sadd.s32 $0x6E00, s5  }
0xd: {  	s7 =	sadd.s32 $0x1C00, s9;
	s9 =	sshrl.u32 s14, $0x3;
	s14 =	simm.s32 $0x0  }
.LBB2_1:
0xe: {  	[spmem:s9], [sflag:s6] =	dma.local [hbm:s5], $0x500  }
0xf: {  	_ =	swait.ge [sflag:s10], $0x500  }
0x10: {  	[sflag:s10] =	ssyncset.done $0x0  }
0x11: {  	[sflag:s10] =	ssyncadd.s32 $0xFFFFFB00  }
0x12: {  	[tilespmem:s3], [sflag:$0x1] =	stream.linear.gather [hbm4b:s7+s3], $0x1400, $0x38;
	[tilespmem:$0x43D0] =	vst v63  }
0x13: {  	_ =	swait.ge [sflag:s10], $0x1400  }
0x14: {  	[sflag:s10] =	ssyncset.done $0x0  }
0x15: {  	[sflag:s10] =	ssyncadd.s32 $0xFFFFEC00  }
0x16: {  	[tilespmem:s11], [sflag:$0x1] =	stream.linear.gather [hbm4b:s4+s3], $0x7D0, $0x38;
	[tilespmem:$0x43D0] =	vst v63  }
0x17: {  	_ =	swait.ge [sflag:s10], $0x7D0  }
0x18: {  	[sflag:s10] =	ssyncset.done $0x0  }
0x19: {  	[sflag:s10] =	ssyncadd.s32 $0xFFFFF830  }
0x1a: {  	s15 =	simm.s32 $0x0;
	[bflag:$0x0] =	sbarrier.arrive $0xFFFF  }
0x1b: {  	[spmem:s2] =	stream.indirect.scatter.add.f32 [tilespmem:s11], [sflag:$0x1], $0x10, s15, s12, $0xb8;
	[tilespmem:$0x43D0] =	vst v63  }
0x1c: {  	_ =	swait.ge [sflag:s10], $0x7D0  }
0x1d: {  	s15 =	simm.s32 $0x200;
	[sflag:s10] =	ssyncset.done $0x0  }
.LBB2_2:
0x1e: {  	s16 =	sshra.s32 s15, $0x2;
	[sflag:s10] =	ssyncadd.s32 $0xFFFFF830;
	p0 =	sne.s32 s15, $0x4E00  }
0x1f: {  	[spmem:s2] =	stream.indirect.scatter.add.f32 [tilespmem:s11], [sflag:$0x1], $0x10, s16, s12, $0xb8;
	[tilespmem:$0x43D0] =	vst v63  }
.Ltmp0:
0x20: {  	_ = 	snop;
	(pc) =	sbr.rel @p0 .LBB2_2-.Ltmp0, $4  }
0x21: {  	_ = 	snop  }
0x22: {  	s15 =	sadd.s32 $0x200, s15  }
0x23: {  	_ =	swait.ge [sflag:s10], $0x7D0  }
0x24: {  	[sflag:s10] =	ssyncset.done $0x0  }
0x25: {  	s14 =	sadd.s32 $0x1, s14  }
0x26: {  	[sflag:s10] =	ssyncadd.s32 $0xFFFFF830;
	p0 =	sne.s32 s14, s8  }
.Ltmp1:
0x27: {  	[bflag:$0x0] =	sbarrier.arrive $0xFFFF;
	(pc) =	sbr.rel @p0 .LBB2_1-.Ltmp1, $4  }
0x28: {  	[hbm:s13], [sflag:s6] =	dma.local [spmem:s9], $0x500  }
0x29: {  	_ =	swait.ge [sflag:s10], $0x500  }
0x2a: {  	[sflag:s10] =	ssyncset.done $0x0  }
0x2b: {  	[sflag:s10] =	ssyncadd.s32 $0xFFFFFB00  }
0x2c: {  	_ =	sfence.sel $0x180000  }
0x2d: {  	[bflag:$0x0] =	sbarrier.arrive $0xFFFF  }
0x2e: {  	p0 =	sne.s32 s0, $0x0;
	_ =	strace $0x90000047  }
0x2f: {  	s0 =	sadd.s32 @!p0 $0x100000, s1;
	[bflag:$0x2] =	sbarrier.arrive $0xFFFF  }
0x30: {  	[sflag:s0] =	ssyncadd.tile.s32 @!p0 $0x1;
	_ =	shalt  }
.Lfunc_end2:
_tile_overlayer_lowered:
.L_overlay_start_2:
0x31: {  	(tag) =	ssettag $0x2  }
0x32: {  	s0 =	rddreg [dreg:$0x0];
	s2 =	stileid.u32  }
0x33: {  	s1 =	rddreg [dreg:$0x1];
	p0 =	sne.s32 s2, $0x0  }
0x34: {  	s3 =	rddreg [dreg:$0x2];
	[bflag:$0x3] =	sbarrier.arrive $0xFFFF;
	s2 =	simm.s32 @!p0 $0x1C01  }
0x35: {  	[timem:s3], [sflag:s2] =	dma.local @!p0 [hbm:s0], s1  }
0x36: {  	s0 =	simm.s32 @!p0 $0x1  }
0x37: {  	_ =	swait.ge @!p0 [sflag:s0], s1  }
0x38: {  	s1 =	ssub.s32 @!p0 $0x0, s1;
	[sflag:s0] =	ssyncset.done @!p0 $0x0  }
0x39: {  	[sflag:s0] =	ssyncadd.s32 @!p0 s1  }
0x3a: {  	[bflag:$0x3] =	sbarrier.arrive $0xFFFF  }
0x3b: {  	_ =	shalt  }

// kernel: kernel.13.cloned.1.call-start
scs
__scs_entry_jumppad:
0x0: {  	(pc) =	sbr.rel $0x88, $3  }
0x1: {  	(tag) =	ssettag $0x0;
	lr =	simm.s32 $0x1  }
0x2: {  	[smem:$0x3F9B] =	sst lr;
	_ =	strace $0xD0000000  }
0x3: {  	_ = 	snop  }
0x4: {  	_ = 	snop  }
0x5: {  	_ = 	snop  }
0x6: {  	_ = 	snop  }
0x7: {  	_ = 	snop  }
__scs_overlays_trampoline_lowered:
0x8: {  	[smem:$0x3FAA] =	sst s0  }
0x9: {  	[smem:$0x3FAB] =	sst s1  }
0xa: {  	[smem:$0x3FAC] =	sst s2  }
0xb: {  	[smem:$0x3FAD] =	sst s3  }
0xc: {  	[smem:$0x3FAE] =	sst s4  }
0xd: {  	[smem:$0x3FAF] =	sst s5  }
0xe: {  	[smem:$0x3FB0] =	sst s6  }
0xf: {  	[smem:$0x3FB1] =	sst s7  }
0x10: {  	[smem:$0x3FB2] =	sst s8  }
0x11: {  	[smem:$0x3FB3] =	sst s9;
	s0 =	simm.s32 @!p0 $0x0  }
0x12: {  	s1 =	sld [smem:$0x3F99];
	s0 =	simm.s32 @p0 $0x1  }
0x13: {  	[smem:$0x3FB4] =	sst s0;
	s0 =	simm.s32 @!p1 $0x0  }
0x14: {  	s2 =	sld [smem:$0x3F98];
	s0 =	simm.s32 @p1 $0x1  }
0x15: {  	[smem:$0x3FB5] =	sst s0;
	s0 =	simm.s32 @!p2 $0x0  }
0x16: {  	s3 =	sld [smem:$0x3FDB];
	s0 =	simm.s32 @p2 $0x1  }
0x17: {  	s4 =	simm.s32 $0x1BF5;
	[smem:$0x3FB7] =	sst s0  }
0x18: {  	s0 =	sld [smem:$0x3F9A];
	_ =	swait.ge [sflag:s4], $0x0  }
0x19: {  	s7 =	sld [smem:$0x3F9B]  }
0x1a: {  	s8 =	sadd.s32 $0xFFFFE003, lr  }
0x1b: {  	s9 =	sadd.s32 $0xFFFFFEF7, lr;
	s5 =	simm.s32 $0xFFFFFFFF;
	p2 =	slt.u32 s8, $0xFFFFF086  }
0x1c: {  	p1 =	slt.u32 s9, $0xF7A;
	s5 =	simm.s32 @!p2 $0x0  }
0x1d: {  	s5 =	simm.s32 @p1 $0x1;
	p0 =	seq.s32 s7, s2  }
0x1e: {  	s7 =	smul.u32 @!p0 $0xF7A, s2;
	p2 =	seq.s32 @!p0 s5, $0x0  }
0x1f: {  	s9 =	smul.u32 $0xF7A, s1;
	s8 =	simm.s32 @!p0 $0x1BF5;
	p2 =	por !p2, p0  }
0x20: {  	[sflag:s8] =	ssyncset.s32 @!p0 $0xFFFFF086;
	s6 =	sadd.s32 @!p0 s3, s7;
	s7 =	simm.s32 @!p0 $0x108  }
0x21: {  	s3 =	sadd.s32 s3, s9;
	s6 =	sadd.s32 @!p0 $0x88, s6;
	s7 =	simm.s32 @p2 $0x1082  }
0x22: {  	[simem:s7], [sflag:s8] =	dma.local @!p0 [hbm:s6], $0xF7A  }
0x23: {  	s9 =	sor.u32 $0xD0000000, s2;
	s6 =	simm.s32 $0x108;
	_ =	swait.ge @!p0 [sflag:s8], $0x0  }
0x24: {  	s3 =	sadd.s32 $0x88, s3;
	s6 =	simm.s32 @!p1 $0x1082;
	[sflag:s4] =	ssyncset.s32 $0xFFFFF086  }
0x25: {  	[simem:s6], [sflag:s4] =	dma.local [hbm:s3], $0xF7A  }
0x26: {  	[smem:$0x3F9B] =	sst s1;
	(tag) =	ssettag s2;
	_ =	strace s9  }
0x27: {  	s1 =	sld [smem:$0x3FAB]  }
0x28: {  	s2 =	sld [smem:$0x3FAC]  }
0x29: {  	s4 =	sld [smem:$0x3FAE]  }
0x2a: {  	p0 =	seq.s32 s5, $0x0;
	s5 =	sld [smem:$0x3FAF]  }
0x2b: {  	s6 =	sld [smem:$0x3FB0]  }
0x2c: {  	s7 =	sld [smem:$0x3FB1]  }
0x2d: {  	s3 =	simm.s32 $0x108;
	s8 =	sld [smem:$0x3FB2]  }
0x2e: {  	s3 =	simm.s32 @!p0 $0x1082;
	s9 =	sld [smem:$0x3FB3]  }
0x2f: {  	lr =	sadd.s32 s0, s3;
	s0 =	sld [smem:$0x3FAA]  }
0x30: {  	s3 =	sld [smem:$0x3FAD]  }
0x31: {  	[smem:$0x3FB6] =	sst s10  }
0x32: {  	s10 =	sld [smem:$0x3FB4];
	_ =	sdelay $0x3  }
0x33: {  	p0 =	seq.s32 s10, $0x1;
	s10 =	sld [smem:$0x3FB6];
	_ =	sdelay $0x3  }
0x34: {  	[smem:$0x3FB6] =	sst s10  }
0x35: {  	s10 =	sld [smem:$0x3FB5];
	_ =	sdelay $0x3  }
0x36: {  	p1 =	seq.s32 s10, $0x1;
	s10 =	sld [smem:$0x3FB6];
	_ =	sdelay $0x3  }
0x37: {  	[smem:$0x3FB6] =	sst s10  }
0x38: {  	s10 =	sld [smem:$0x3FB7]  }
0x39: {  	_ = 	snop;
	(pc) =	sbr.ind lr, $3  }
0x3a: {  	_ = 	snop  }
0x3b: {  	_ = 	snop  }
0x3c: {  	p2 =	seq.s32 s10, $0x1;
	s10 =	sld [smem:$0x3FB6]  }
0x3d: {  	_ =	shalt  }
0x3e: {  	_ =	shalt  }
0x3f: {  	_ =	shalt  }
0x40: {  	_ =	shalt  }
0x41: {  	_ =	shalt  }
0x42: {  	_ =	shalt  }
0x43: {  	_ =	shalt  }
0x44: {  	_ =	shalt  }
0x45: {  	_ =	shalt  }
0x46: {  	_ =	shalt  }
0x47: {  	_ =	shalt  }
0x48: {  	_ =	shalt  }
0x49: {  	_ =	shalt  }
0x4a: {  	_ =	shalt  }
0x4b: {  	_ =	shalt  }
0x4c: {  	_ =	shalt  }
0x4d: {  	_ =	shalt  }
0x4e: {  	_ =	shalt  }
0x4f: {  	_ =	shalt  }
0x50: {  	_ =	shalt  }
0x51: {  	_ =	shalt  }
0x52: {  	_ =	shalt  }
0x53: {  	_ =	shalt  }
0x54: {  	_ =	shalt  }
0x55: {  	_ =	shalt  }
0x56: {  	_ =	shalt  }
0x57: {  	_ =	shalt  }
0x58: {  	_ =	shalt  }
0x59: {  	_ =	shalt  }
0x5a: {  	_ =	shalt  }
0x5b: {  	_ =	shalt  }
0x5c: {  	_ =	shalt  }
0x5d: {  	_ =	shalt  }
0x5e: {  	_ =	shalt  }
0x5f: {  	_ =	shalt  }
0x60: {  	_ =	shalt  }
0x61: {  	_ =	shalt  }
0x62: {  	_ =	shalt  }
0x63: {  	_ =	shalt  }
0x64: {  	_ =	shalt  }
0x65: {  	_ =	shalt  }
0x66: {  	_ =	shalt  }
0x67: {  	_ =	shalt  }
0x68: {  	_ =	shalt  }
0x69: {  	_ =	shalt  }
0x6a: {  	_ =	shalt  }
0x6b: {  	_ =	shalt  }
0x6c: {  	_ =	shalt  }
0x6d: {  	_ =	shalt  }
0x6e: {  	_ =	shalt  }
0x6f: {  	_ =	shalt  }
0x70: {  	_ =	shalt  }
0x71: {  	_ =	shalt  }
0x72: {  	_ =	shalt  }
0x73: {  	_ =	shalt  }
0x74: {  	_ =	shalt  }
0x75: {  	_ =	shalt  }
0x76: {  	_ =	shalt  }
0x77: {  	_ =	shalt  }
0x78: {  	_ =	shalt  }
0x79: {  	_ =	shalt  }
0x7a: {  	_ =	shalt  }
0x7b: {  	_ =	shalt  }
0x7c: {  	_ =	shalt  }
0x7d: {  	_ =	shalt  }
0x7e: {  	_ =	shalt  }
0x7f: {  	_ =	shalt  }
0x80: {  	_ =	shalt  }
0x81: {  	_ =	shalt  }
0x82: {  	_ =	shalt  }
0x83: {  	_ =	shalt  }
0x84: {  	_ =	shalt  }
0x85: {  	_ =	shalt  }
0x86: {  	_ =	shalt  }
0x87: {  	_ =	shalt  }
.Lfunc_end0:
.L_simem_size_0:
called_computation.1_lowered:
.L_overlay_start_0:
0x88: {  	s2 =	sld [smem:$0x3FD9]  }
0x89: {  	s3 =	sld [smem:$0x3FFE];
	_ =	sdelay $0x1  }
0x8a: {  	s1 =	srdreg.scid  }
0x8b: {  	s0 =	sand.u32 $0x1, s1  }
0x8c: {  	s17 =	sshll.u32 s0, $0xA;
	s2 =	sadd.s32 s3, s2  }
0x8d: {  	s2 =	sadd.s32 s2, s17  }
0x8e: {  	[smem:$0x3FC2] =	sst s2  }
0x8f: {  	_ = 	snop  }
0x90: {  	s2 =	sld [smem:$0x3FD0];
	(tm) =	ssettm $0x1  }
0x91: {  	s18 =	sld [smem:$0x3FFB];
	_ =	sdelay $0x3  }
0x92: {  	_ =	strace s18  }
0x93: {  	s3 =	sld [smem:$0x3FFC];
	_ =	sdelay $0x3  }
0x94: {  	_ =	strace s3  }
0x95: {  	s3 =	sld [smem:$0x3FFD];
	_ =	sdelay $0x3  }
0x96: {  	_ =	strace s3  }
0x97: {  	_ =	strace $0x8FFFFFFF  }
0x98: {  	s19 =	sld [smem:$0x3FDB];
	_ =	sdelay $0x1  }
0x99: {  	s4 =	simm.s32 $_scs_section_size  }
0x9a: {  	s5 =	simm.s32 $_size__tile_overlayer_lowered;
	s6 =	simm.s32 $_tile_overlayer_lowered  }
0x9b: {  	s22 =	simm.s32 $0x1BFF;
	s21 =	sshll.u32 s6, $0x1;
	s3 =	sadd.s32 s4, s19  }
0x9c: {  	s7 =	simm.s32 $0x0;
	s20 =	sshll.u32 s5, $0x1;
	s5 =	sadd.s32 s21, s3  }
0x9d: {  	[timem:s7], [sflag:s22] =	dma.local [hbm:s5], s20  }
0x9e: {  	_ =	swait.ge [sflag:s22], s20  }
0x9f: {  	s4 =	ssub.s32 $0x0, s20;
	[sflag:s22] =	ssyncset.done $0x0  }
0xa0: {  	[sflag:s22] =	ssyncadd.s32 s4;
	_ =	sdelay $0x1  }
0xa1: {  	s23 =	simm.s32 $0x1B8B  }
0xa2: {  	_ =	swait.ge [sflag:s23], $0x1  }
0xa3: {  	[sflag:s23] =	ssyncset.done $0x0  }
0xa4: {  	s25 =	simm.s32 $0x1B8E;
	s24 =	sld [smem:$0x3FFE];
	[sflag:s23] =	ssyncadd.s32 $0xFFFFFFFF  }
0xa5: {  	s26 =	simm.s32 $execute0_lowered;
	[smem:$0x3FD2] =	sst s25  }
0xa6: {  	s5 =	sshll.u32 s26, $0x1;
	_ =	strace $0x80000049;
	[dreg:$0x1] =	wrdreg $0xFFFFFFFF  }
0xa7: {  	s28 =	simm.s32 $_size_execute0_lowered;
	s3 =	sadd.s32 s3, s5;
	[dreg:$0x0] =	wrdreg $0x0  }
0xa8: {  	s5 =	sshll.u32 s28, $0x1;
	[dreg:$0x2] =	wrdreg s3  }
0xa9: {  	[dreg:$0x3] =	wrdreg s5  }
0xaa: {  	[dreg:$0x4] =	wrdreg $0xC0  }
0xab: {  	_ =	task [dreg:s7], $0x5FFFF  }
0xac: {  	[dreg:$0x1] =	wrdreg $0xFFFFFFFF  }
0xad: {  	[dreg:$0x0] =	wrdreg $0x60  }
0xae: {  	[dreg:$0x2] =	wrdreg s2  }
0xaf: {  	[dreg:$0x3] =	wrdreg s24  }
0xb0: {  	[dreg:$0x4] =	wrdreg $0x9  }
0xb1: {  	_ =	task.clear_ibuf [dreg:s7], $0x5FFFF;
	_ =	strace $0x90000049  }
0xb2: {  	s29 =	simm.s32 $0x9;
	_ =	strace $0x8000004B  }
0xb3: {  	_ =	swait.ge [sflag:s29], $0x1  }
0xb4: {  	[sflag:s29] =	ssyncadd.s32 $0xFFFFFFFF  }
0xb5: {  	_ =	strace $0x9000004B  }
0xb6: {  	_ =	sfence  }
0xb7: {  	s30 =	sld [smem:$0x0];
	_ =	sdelay $0x2  }
0xb8: {  	s31 =	sshll.u32 s1, $0xD;
	s1 =	sshrl.u32 s1, $0x2  }
0xb9: {  	s3 =	sand.u32 $0x4000, s31;
	s1 =	sadd.s32 s1, s30  }
0xba: {  	s0 =	sor.u32 s3, s0;
	s1 =	sshll.u32 s1, $0x11  }
0xbb: {  	s0 =	sor.u32 s1, s0  }
0xbc: {  	s0 =	sadd.s32 $0x8F2B, s0  }
0xbd: {  	[sflag:s0] =	ssyncadd.remote.s32 $0x1  }
0xbe: {  	_ =	sfence.sel $0xFFFF  }
0xbf: {  	[dreg:$0x0] =	wrdreg $0xFFFFFFFF;
	(pc) =	sbr.abs _section_cstart, $3  }
0xc0: {  	[dreg:$0x1] =	wrdreg $0xFFFFFFFF  }
0xc1: {  	_ =	task.clear_ibuf [dreg:s7], $0x2FFFF;
	_ =	strace $0x9FFFFFFF  }
0xc2: {  	(tm) =	ssettm $0x7FFFFFFF  }
0xc3: {  	_ =	shalt  }
tec
execute0_lowered:
.L_overlay_start_1:
0x0: {  	(tag) =	ssettag $0x1  }
0x1: {  	s0 =	srdreg.scid;
	s4 =	rddreg [dreg:$0x0]  }
0x2: {  	s5 =	rddreg [dreg:$0x1];
	s1 =	stileid.u32;
	s2 =	simm.s32 $0x0  }
0x3: {  	s11 =	simm.s32 $0x2800;
	s12 =	simm.s32 $0x3C00;
	s3 =	sand.u32 $0x1, s0  }
0x4: {  	s13 =	simm.s32 $0x5000;
	s14 =	simm.s32 $0x0;
	s6 =	sshll.u32 s3, $0x4  }
0x5: {  	s0 =	rddreg [dreg:$0x2];
	s3 =	ssub.s32 $0x2, s3;
	s6 =	sor.u32 s1, s6  }
0x6: {  	[smem:$0x7FF] =	sst s2;
	s31 =	sshrl.u32 s3, $0x1;
	s9 =	smul.u32 $0x280, s6  }
0x7: {  	s10 =	sadd.s32 $0x5000, s4;
	_ =	strace $0x8000004A;
	s8 =	ssub.s32 s3, s31  }
0x8: {  	s7 =	sadd.s32 s9, s5;
	s3 =	sadd.s32 s4, s9;
	s9 =	sadd.s32 s9, s10  }
0x9: {  	s10 =	simm.s32 $0x1400;
	s4 =	sadd.s32 $0xBE00, s7;
	s5 =	sadd.s32 $0x10E00, s7  }
0xa: {  	s6 =	sadd.s32 $0x15E00, s7;
	s7 =	smax.u32 s8, $0x1;
	s8 =	simm.s32 $0x1  }
.LBB2_1:
0xb: {  	[tilespmem:s2], [sflag:$0x1] =	stream.linear.gather [hbm4b:s3+s2], $0x1400, $0x38;
	[tilespmem:$0x6400] =	vst v63  }
0xc: {  	_ =	swait.ge [sflag:s8], $0x1400  }
0xd: {  	[sflag:s8] =	ssyncset.done $0x0  }
0xe: {  	[sflag:s8] =	ssyncadd.s32 $0xFFFFEC00  }
0xf: {  	[tilespmem:s10], [sflag:$0x1] =	stream.linear.gather [hbm4b:s9+s2], $0x1400, $0x38;
	[tilespmem:$0x6400] =	vst v63  }
0x10: {  	_ =	swait.ge [sflag:s8], $0x1400  }
0x11: {  	[sflag:s8] =	ssyncset.done $0x0  }
0x12: {  	[sflag:s8] =	ssyncadd.s32 $0xFFFFEC00  }
0x13: {  	[tilespmem:s11], [sflag:$0x1] =	stream.linear.gather [hbm4b:s4+s2], $0x1400, $0x38;
	[tilespmem:$0x6400] =	vst v63  }
0x14: {  	_ =	swait.ge [sflag:s8], $0x1400  }
0x15: {  	[sflag:s8] =	ssyncset.done $0x0  }
0x16: {  	s20 =	simm.s32 $0x0;
	[sflag:s8] =	ssyncadd.s32 $0xFFFFEC00  }
0x17: {  	v0 =	vld [tilespmem:s20+$0x0]  }
0x18: {  	v1 =	vld [tilespmem:s20+$0x1400];
	_ =	sdelay $0x3  }
0x19: {  	s16 =	simm.s32 $0x10  }
0x1a: {  	v2 =	vld [tilespmem:s16+$0x0];
	v0 =	vadd.f32 v1, v0  }
0x1b: {  	v1 =	vld [tilespmem:s16+$0x1400]  }
0x1c: {  	v0 =	vadd.f32 $1.000000000e+00, v0;
	_ =	sdelay $0x1  }
0x1d: {  	s18 =	simm.s32 $0x20;
	v3 =	vshra.s32 v0, $0x1;
	v4 =	vmul.f32 $5.000000000e-01, v0  }
0x1e: {  	v5 =	vld [tilespmem:s18+$0x1400];
	v0 =	vsub.s32 $0x5F3759DF, v3  }
0x1f: {  	v3 =	vld [tilespmem:s18+$0x0];
	v1 =	vadd.f32 v1, v2;
	v2 =	vmul.f32 v0, v4;
	_ =	sdelay $0x1  }
0x20: {  	v1 =	vadd.f32 $1.000000000e+00, v1;
	v2 =	vmul.f32 v0, v2;
	_ =	sdelay $0x1  }
0x21: {  	s15 =	simm.s32 $0x30;
	v6 =	vshra.s32 v1, $0x1;
	v7 =	vmul.f32 $5.000000000e-01, v1;
	v1 =	vsub.f32 $1.500000000e+00, v2  }
0x22: {  	v8 =	vld [tilespmem:s15+$0x1400];
	v2 =	vsub.s32 $0x5F3759DF, v6;
	v3 =	vadd.f32 v5, v3  }
0x23: {  	v6 =	vld [tilespmem:s15+$0x0];
	v5 =	vmul.f32 v2, v7;
	v1 =	vmul.f32 v0, v1  }
0x24: {  	s17 =	simm.s32 $0x40;
	v0 =	vadd.f32 $1.000000000e+00, v3  }
0x25: {  	v10 =	vld [tilespmem:s17+$0x0];
	v3 =	vmul.f32 v2, v5;
	v5 =	vmul.f32 v1, v4  }
0x26: {  	v11 =	vld [tilespmem:s17+$0x1400];
	v9 =	vshra.s32 v0, $0x1;
	v0 =	vmul.f32 $5.000000000e-01, v0  }
0x27: {  	v3 =	vsub.f32 $1.500000000e+00, v3;
	v9 =	vsub.s32 $0x5F3759DF, v9;
	v5 =	vmul.f32 v5, v1  }
0x28: {  	v6 =	vadd.f32 v8, v6;
	v8 =	vmul.f32 v9, v0  }
0x29: {  	v2 =	vmul.f32 v2, v3;
	v3 =	vsub.f32 $1.500000000e+00, v5  }
0x2a: {  	v5 =	vadd.f32 $1.000000000e+00, v6;
	v6 =	vmul.f32 v9, v8  }
0x2b: {  	v10 =	vadd.f32 v11, v10;
	v8 =	vmul.f32 v2, v7;
	v3 =	vmul.f32 v3, v1  }
0x2c: {  	v12 =	vshra.s32 v5, $0x1;
	v1 =	vmul.f32 $5.000000000e-01, v5;
	v5 =	vsub.f32 $1.500000000e+00, v6  }
0x2d: {  	s19 =	simm.s32 $0x50;
	v15 =	vsub.s32 $0x5F3759DF, v12;
	v6 =	vmul.f32 v8, v2;
	v4 =	vmul.f32 v3, v4  }
0x2e: {  	v13 =	vld [tilespmem:s19+$0x1400];
	v11 =	vmul.f32 v15, v1;
	v5 =	vmul.f32 v9, v5  }
0x2f: {  	v8 =	vld [tilespmem:s19+$0x0];
	v12 =	vadd.f32 $1.000000000e+00, v10;
	v6 =	vsub.f32 $1.500000000e+00, v6;
	v9 =	vmul.f32 v4, v3  }
0x30: {  	v11 =	vmul.f32 v15, v11;
	v14 =	vmul.f32 v5, v0  }
0x31: {  	v4 =	vmul.f32 v6, v2;
	v2 =	vmul.f32 $5.000000000e-01, v12  }
0x32: {  	v6 =	vld [tilespmem:s20+$0x2800];
	v10 =	vsub.f32 $1.500000000e+00, v9;
	v9 =	vshra.s32 v12, $0x1;
	v16 =	vsub.f32 $1.500000000e+00, v11  }
0x33: {  	s21 =	simm.s32 $0x60;
	v11 =	vmul.f32 v14, v5;
	v9 =	vsub.s32 $0x5F3759DF, v9;
	v12 =	vmul.f32 v4, v7  }
0x34: {  	s22 =	simm.s32 $0x1C0;
	v13 =	vadd.f32 v13, v8;
	v7 =	vld [tilespmem:s21+$0x0];
	v14 =	vmul.f32 v9, v2;
	v8 =	vmul.f32 v15, v16  }
.LBB2_2:
0x35: {  	p0 =	sne.s32 s22, $0x4FC0;
	v15 =	vld [tilespmem:s21+$0x1400];
	v11 =	vsub.f32 $1.500000000e+00, v11;
	v12 =	vmul.f32 v12, v4;
	v16 =	vmul.f32 v10, v3;
	v3 =	vmovc v4;
	v17 =	vmovc v2;
	s23 =	smov.u32 s22;
	s22 =	sadd.s32 $0x40, s22  }
.Ltmp0:
0x36: {  	v18 =	vmovc v9;
	s24 =	smov.u32 s19;
	s19 =	smov.u32 s21;
	v2 =	vadd.f32 $1.000000000e+00, v13;
	v13 =	vmul.f32 v9, v14;
	v14 =	vmul.f32 v8, v1;
	(pc) =	sbr.rel @p0 .LBB2_2-.Ltmp0, $4  }
0x37: {  	v4 =	vmul.f32 v11, v5;
	v10 =	vsub.f32 $1.500000000e+00, v12;
	[tilespmem:s20+$0x5000] =	vst v16;
	v16 =	vmul.f32 v16, v6;
	v6 =	vld [tilespmem:s16+$0x2800];
	v5 =	vmovc v8  }
0x38: {  	v8 =	vshra.s32 v2, $0x1;
	v2 =	vmul.f32 $5.000000000e-01, v2;
	v19 =	vsub.f32 $1.500000000e+00, v13  }
0x39: {  	s21 =	sshra.s32 s23, $0x2;
	v11 =	vmul.f32 v14, v5;
	v9 =	vsub.s32 $0x5F3759DF, v8;
	v12 =	vmul.f32 v4, v0;
	[tilespmem:s20+$0x3C00] =	vst v16;
	v0 =	vmovc v1;
	s20 =	smov.u32 s16;
	s16 =	smov.u32 s18  }
0x3a: {  	v1 =	vmovc v17;
	s18 =	smov.u32 s15;
	s15 =	smov.u32 s17;
	s17 =	smov.u32 s24;
	v13 =	vadd.f32 v15, v7;
	v7 =	vld [tilespmem:s21+$0x0];
	v14 =	vmul.f32 v9, v2;
	v8 =	vmul.f32 v18, v19  }
0x3b: {  	v15 =	vld [tilespmem:s21+$0x1400];
	_ =	sdelay $0x1  }
0x3c: {  	v11 =	vsub.f32 $1.500000000e+00, v11;
	v12 =	vmul.f32 v12, v4;
	v3 =	vmul.f32 v10, v3  }
0x3d: {  	v26 =	vadd.f32 $1.000000000e+00, v13;
	v27 =	vmul.f32 v9, v14;
	v28 =	vmul.f32 v8, v1  }
0x3e: {  	v5 =	vmul.f32 v11, v5;
	v29 =	vsub.f32 $1.500000000e+00, v12;
	v6 =	vmul.f32 v3, v6  }
0x3f: {  	v30 =	vshra.s32 v26, $0x1;
	v10 =	vmul.f32 $5.000000000e-01, v26;
	v7 =	vadd.f32 v15, v7  }
0x40: {  	v13 =	vsub.f32 $1.500000000e+00, v27;
	v14 =	vmul.f32 v28, v8;
	v12 =	vsub.s32 $0x5F3759DF, v30  }
0x41: {  	v34 =	vld [tilespmem:s16+$0x2800];
	v0 =	vmul.f32 v5, v0;
	v37 =	vmul.f32 v29, v4;
	v7 =	vadd.f32 $1.000000000e+00, v7  }
0x42: {  	v31 =	vmul.f32 v12, v10;
	v32 =	vmul.f32 v9, v13  }
0x43: {  	v33 =	vsub.f32 $1.500000000e+00, v14;
	v16 =	vshra.s32 v7, $0x1;
	v7 =	vmul.f32 $5.000000000e-01, v7  }
0x44: {  	v0 =	vmul.f32 v0, v5;
	v15 =	vmul.f32 v12, v31;
	v16 =	vsub.s32 $0x5F3759DF, v16  }
0x45: {  	[tilespmem:s20+$0x5000] =	vst v3;
	v17 =	vmul.f32 v32, v2;
	v36 =	vmul.f32 v16, v7  }
0x46: {  	[tilespmem:s20+$0x3C00] =	vst v6;
	v14 =	vmul.f32 v37, v34;
	v35 =	vmul.f32 v33, v8;
	v38 =	vsub.f32 $1.500000000e+00, v15  }
0x47: {  	v40 =	vld [tilespmem:s18+$0x2800];
	v0 =	vsub.f32 $1.500000000e+00, v0;
	v39 =	vmul.f32 v17, v32;
	v8 =	vmul.f32 v16, v36  }
0x48: {  	v41 =	vmul.f32 v35, v1;
	v6 =	vmul.f32 v12, v38  }
0x49: {  	v0 =	vmul.f32 v0, v5;
	v11 =	vsub.f32 $1.500000000e+00, v39;
	v8 =	vsub.f32 $1.500000000e+00, v8  }
0x4a: {  	v1 =	vmul.f32 v41, v35;
	v42 =	vmul.f32 v6, v10  }
0x4b: {  	[tilespmem:s16+$0x5000] =	vst v37;
	v43 =	vmul.f32 v11, v32;
	v8 =	vmul.f32 v16, v8  }
0x4c: {  	[tilespmem:s16+$0x3C00] =	vst v14;
	v44 =	vmul.f32 v0, v40;
	v5 =	vmul.f32 v42, v6  }
0x4d: {  	v45 =	vld [tilespmem:s15+$0x2800];
	v46 =	vmul.f32 v43, v2;
	v47 =	vmul.f32 v8, v7  }
0x4e: {  	[tilespmem:s18+$0x5000] =	vst v0;
	v1 =	vsub.f32 $1.500000000e+00, v1;
	v48 =	vsub.f32 $1.500000000e+00, v5  }
0x4f: {  	[tilespmem:s18+$0x3C00] =	vst v44;
	v2 =	vmul.f32 v46, v43;
	v49 =	vmul.f32 v47, v8  }
0x50: {  	v1 =	vmul.f32 v1, v35;
	v50 =	vld [tilespmem:s17+$0x2800];
	v0 =	vmul.f32 v48, v6  }
0x51: {  	v2 =	vsub.f32 $1.500000000e+00, v2;
	v5 =	vsub.f32 $1.500000000e+00, v49  }
0x52: {  	v51 =	vmul.f32 v1, v45;
	v52 =	vmul.f32 v0, v10  }
0x53: {  	v53 =	vmul.f32 v2, v43;
	v54 =	vmul.f32 v5, v8  }
0x54: {  	[tilespmem:s15+$0x5000] =	vst v1;
	v55 =	vmul.f32 v52, v0  }
0x55: {  	[tilespmem:s15+$0x3C00] =	vst v51;
	v3 =	vmul.f32 v53, v50;
	v57 =	vmul.f32 v54, v7  }
0x56: {  	v56 =	vld [tilespmem:s19+$0x2800];
	[tilespmem:s17+$0x5000] =	vst v53  }
0x57: {  	v58 =	vsub.f32 $1.500000000e+00, v55;
	[tilespmem:s17+$0x3C00] =	vst v3;
	v59 =	vmul.f32 v57, v54  }
0x58: {  	v60 =	vld [tilespmem:s21+$0x2800]  }
0x59: {  	v0 =	vmul.f32 v58, v0;
	v61 =	vsub.f32 $1.500000000e+00, v59;
	_ =	sdelay $0x1  }
0x5a: {  	v62 =	vmul.f32 v0, v56;
	v1 =	vmul.f32 v61, v54  }
0x5b: {  	[tilespmem:s19+$0x5000] =	vst v0  }
0x5c: {  	[tilespmem:s19+$0x3C00] =	vst v62;
	v63 =	vmul.f32 v1, v60  }
0x5d: {  	[tilespmem:s21+$0x5000] =	vst v1  }
0x5e: {  	[tilespmem:s21+$0x3C00] =	vst v63  }
0x5f: {  	[hbm4b:s5+s2] =	stream.linear.scatter [tilespmem:s12], [sflag:$0x1], $0x1400, $0x38;
	[tilespmem:$0x6400] =	vst v63  }
0x60: {  	s14 =	sadd.s32 $0x1, s14;
	_ =	swait.ge [sflag:s8], $0x1400  }
0x61: {  	p0 =	sne.s32 s14, s7;
	[sflag:s8] =	ssyncset.done $0x0  }
.Ltmp1:
0x62: {  	[sflag:s8] =	ssyncadd.s32 $0xFFFFEC00;
	(pc) =	sbr.rel @p0 .LBB2_1-.Ltmp1, $4  }
0x63: {  	[hbm4b:s6+s2] =	stream.linear.scatter [tilespmem:s13], [sflag:$0x1], $0x1400, $0x38;
	[tilespmem:$0x6400] =	vst v63  }
0x64: {  	_ =	swait.ge [sflag:s8], $0x1400  }
0x65: {  	[sflag:s8] =	ssyncset.done $0x0  }
0x66: {  	[sflag:s8] =	ssyncadd.s32 $0xFFFFEC00  }
0x67: {  	_ =	sfence.sel $0x180000  }
0x68: {  	[bflag:$0x0] =	sbarrier.arrive $0xFFFF  }
0x69: {  	p0 =	sne.s32 s1, $0x0;
	_ =	strace $0x9000004A  }
0x6a: {  	s0 =	sadd.s32 @!p0 $0x100000, s0;
	[bflag:$0x2] =	sbarrier.arrive $0xFFFF  }
0x6b: {  	[sflag:s0] =	ssyncadd.tile.s32 @!p0 $0x1;
	_ =	shalt  }
.Lfunc_end2:
_tile_overlayer_lowered:
.L_overlay_start_2:
0x6c: {  	(tag) =	ssettag $0x2  }
0x6d: {  	s0 =	rddreg [dreg:$0x0];
	s2 =	stileid.u32  }
0x6e: {  	s1 =	rddreg [dreg:$0x1];
	p0 =	sne.s32 s2, $0x0  }
0x6f: {  	s3 =	rddreg [dreg:$0x2];
	[bflag:$0x3] =	sbarrier.arrive $0xFFFF;
	s2 =	simm.s32 @!p0 $0x1C01  }
0x70: {  	[timem:s3], [sflag:s2] =	dma.local @!p0 [hbm:s0], s1  }
0x71: {  	s0 =	simm.s32 @!p0 $0x1  }
0x72: {  	_ =	swait.ge @!p0 [sflag:s0], s1  }
0x73: {  	s1 =	ssub.s32 @!p0 $0x0, s1;
	[sflag:s0] =	ssyncset.done @!p0 $0x0  }
0x74: {  	[sflag:s0] =	ssyncadd.s32 @!p0 s1  }
0x75: {  	[bflag:$0x3] =	sbarrier.arrive $0xFFFF  }
0x76: {  	_ =	shalt  }

// kernel: kernel.16.cloned.1.call-start
scs
__scs_entry_jumppad:
0x0: {  	(pc) =	sbr.rel $0x88, $3  }
0x1: {  	(tag) =	ssettag $0x0;
	lr =	simm.s32 $0x1  }
0x2: {  	[smem:$0x3F9B] =	sst lr;
	_ =	strace $0xD0000000  }
0x3: {  	_ = 	snop  }
0x4: {  	_ = 	snop  }
0x5: {  	_ = 	snop  }
0x6: {  	_ = 	snop  }
0x7: {  	_ = 	snop  }
__scs_overlays_trampoline_lowered:
0x8: {  	[smem:$0x3FAA] =	sst s0  }
0x9: {  	[smem:$0x3FAB] =	sst s1  }
0xa: {  	[smem:$0x3FAC] =	sst s2  }
0xb: {  	[smem:$0x3FAD] =	sst s3  }
0xc: {  	[smem:$0x3FAE] =	sst s4  }
0xd: {  	[smem:$0x3FAF] =	sst s5  }
0xe: {  	[smem:$0x3FB0] =	sst s6  }
0xf: {  	[smem:$0x3FB1] =	sst s7  }
0x10: {  	[smem:$0x3FB2] =	sst s8  }
0x11: {  	[smem:$0x3FB3] =	sst s9;
	s0 =	simm.s32 @!p0 $0x0  }
0x12: {  	s1 =	sld [smem:$0x3F99];
	s0 =	simm.s32 @p0 $0x1  }
0x13: {  	[smem:$0x3FB4] =	sst s0;
	s0 =	simm.s32 @!p1 $0x0  }
0x14: {  	s2 =	sld [smem:$0x3F98];
	s0 =	simm.s32 @p1 $0x1  }
0x15: {  	[smem:$0x3FB5] =	sst s0;
	s0 =	simm.s32 @!p2 $0x0  }
0x16: {  	s3 =	sld [smem:$0x3FDB];
	s0 =	simm.s32 @p2 $0x1  }
0x17: {  	s4 =	simm.s32 $0x1BF5;
	[smem:$0x3FB7] =	sst s0  }
0x18: {  	s0 =	sld [smem:$0x3F9A];
	_ =	swait.ge [sflag:s4], $0x0  }
0x19: {  	s7 =	sld [smem:$0x3F9B]  }
0x1a: {  	s8 =	sadd.s32 $0xFFFFE003, lr  }
0x1b: {  	s9 =	sadd.s32 $0xFFFFFEF7, lr;
	s5 =	simm.s32 $0xFFFFFFFF;
	p2 =	slt.u32 s8, $0xFFFFF086  }
0x1c: {  	p1 =	slt.u32 s9, $0xF7A;
	s5 =	simm.s32 @!p2 $0x0  }
0x1d: {  	s5 =	simm.s32 @p1 $0x1;
	p0 =	seq.s32 s7, s2  }
0x1e: {  	s7 =	smul.u32 @!p0 $0xF7A, s2;
	p2 =	seq.s32 @!p0 s5, $0x0  }
0x1f: {  	s9 =	smul.u32 $0xF7A, s1;
	s8 =	simm.s32 @!p0 $0x1BF5;
	p2 =	por !p2, p0  }
0x20: {  	[sflag:s8] =	ssyncset.s32 @!p0 $0xFFFFF086;
	s6 =	sadd.s32 @!p0 s3, s7;
	s7 =	simm.s32 @!p0 $0x108  }
0x21: {  	s3 =	sadd.s32 s3, s9;
	s6 =	sadd.s32 @!p0 $0x88, s6;
	s7 =	simm.s32 @p2 $0x1082  }
0x22: {  	[simem:s7], [sflag:s8] =	dma.local @!p0 [hbm:s6], $0xF7A  }
0x23: {  	s9 =	sor.u32 $0xD0000000, s2;
	s6 =	simm.s32 $0x108;
	_ =	swait.ge @!p0 [sflag:s8], $0x0  }
0x24: {  	s3 =	sadd.s32 $0x88, s3;
	s6 =	simm.s32 @!p1 $0x1082;
	[sflag:s4] =	ssyncset.s32 $0xFFFFF086  }
0x25: {  	[simem:s6], [sflag:s4] =	dma.local [hbm:s3], $0xF7A  }
0x26: {  	[smem:$0x3F9B] =	sst s1;
	(tag) =	ssettag s2;
	_ =	strace s9  }
0x27: {  	s1 =	sld [smem:$0x3FAB]  }
0x28: {  	s2 =	sld [smem:$0x3FAC]  }
0x29: {  	s4 =	sld [smem:$0x3FAE]  }
0x2a: {  	p0 =	seq.s32 s5, $0x0;
	s5 =	sld [smem:$0x3FAF]  }
0x2b: {  	s6 =	sld [smem:$0x3FB0]  }
0x2c: {  	s7 =	sld [smem:$0x3FB1]  }
0x2d: {  	s3 =	simm.s32 $0x108;
	s8 =	sld [smem:$0x3FB2]  }
0x2e: {  	s3 =	simm.s32 @!p0 $0x1082;
	s9 =	sld [smem:$0x3FB3]  }
0x2f: {  	lr =	sadd.s32 s0, s3;
	s0 =	sld [smem:$0x3FAA]  }
0x30: {  	s3 =	sld [smem:$0x3FAD]  }
0x31: {  	[smem:$0x3FB6] =	sst s10  }
0x32: {  	s10 =	sld [smem:$0x3FB4];
	_ =	sdelay $0x3  }
0x33: {  	p0 =	seq.s32 s10, $0x1;
	s10 =	sld [smem:$0x3FB6];
	_ =	sdelay $0x3  }
0x34: {  	[smem:$0x3FB6] =	sst s10  }
0x35: {  	s10 =	sld [smem:$0x3FB5];
	_ =	sdelay $0x3  }
0x36: {  	p1 =	seq.s32 s10, $0x1;
	s10 =	sld [smem:$0x3FB6];
	_ =	sdelay $0x3  }
0x37: {  	[smem:$0x3FB6] =	sst s10  }
0x38: {  	s10 =	sld [smem:$0x3FB7]  }
0x39: {  	_ = 	snop;
	(pc) =	sbr.ind lr, $3  }
0x3a: {  	_ = 	snop  }
0x3b: {  	_ = 	snop  }
0x3c: {  	p2 =	seq.s32 s10, $0x1;
	s10 =	sld [smem:$0x3FB6]  }
0x3d: {  	_ =	shalt  }
0x3e: {  	_ =	shalt  }
0x3f: {  	_ =	shalt  }
0x40: {  	_ =	shalt  }
0x41: {  	_ =	shalt  }
0x42: {  	_ =	shalt  }
0x43: {  	_ =	shalt  }
0x44: {  	_ =	shalt  }
0x45: {  	_ =	shalt  }
0x46: {  	_ =	shalt  }
0x47: {  	_ =	shalt  }
0x48: {  	_ =	shalt  }
0x49: {  	_ =	shalt  }
0x4a: {  	_ =	shalt  }
0x4b: {  	_ =	shalt  }
0x4c: {  	_ =	shalt  }
0x4d: {  	_ =	shalt  }
0x4e: {  	_ =	shalt  }
0x4f: {  	_ =	shalt  }
0x50: {  	_ =	shalt  }
0x51: {  	_ =	shalt  }
0x52: {  	_ =	shalt  }
0x53: {  	_ =	shalt  }
0x54: {  	_ =	shalt  }
0x55: {  	_ =	shalt  }
0x56: {  	_ =	shalt  }
0x57: {  	_ =	shalt  }
0x58: {  	_ =	shalt  }
0x59: {  	_ =	shalt  }
0x5a: {  	_ =	shalt  }
0x5b: {  	_ =	shalt  }
0x5c: {  	_ =	shalt  }
0x5d: {  	_ =	shalt  }
0x5e: {  	_ =	shalt  }
0x5f: {  	_ =	shalt  }
0x60: {  	_ =	shalt  }
0x61: {  	_ =	shalt  }
0x62: {  	_ =	shalt  }
0x63: {  	_ =	shalt  }
0x64: {  	_ =	shalt  }
0x65: {  	_ =	shalt  }
0x66: {  	_ =	shalt  }
0x67: {  	_ =	shalt  }
0x68: {  	_ =	shalt  }
0x69: {  	_ =	shalt  }
0x6a: {  	_ =	shalt  }
0x6b: {  	_ =	shalt  }
0x6c: {  	_ =	shalt  }
0x6d: {  	_ =	shalt  }
0x6e: {  	_ =	shalt  }
0x6f: {  	_ =	shalt  }
0x70: {  	_ =	shalt  }
0x71: {  	_ =	shalt  }
0x72: {  	_ =	shalt  }
0x73: {  	_ =	shalt  }
0x74: {  	_ =	shalt  }
0x75: {  	_ =	shalt  }
0x76: {  	_ =	shalt  }
0x77: {  	_ =	shalt  }
0x78: {  	_ =	shalt  }
0x79: {  	_ =	shalt  }
0x7a: {  	_ =	shalt  }
0x7b: {  	_ =	shalt  }
0x7c: {  	_ =	shalt  }
0x7d: {  	_ =	shalt  }
0x7e: {  	_ =	shalt  }
0x7f: {  	_ =	shalt  }
0x80: {  	_ =	shalt  }
0x81: {  	_ =	shalt  }
0x82: {  	_ =	shalt  }
0x83: {  	_ =	shalt  }
0x84: {  	_ =	shalt  }
0x85: {  	_ =	shalt  }
0x86: {  	_ =	shalt  }
0x87: {  	_ =	shalt  }
.Lfunc_end0:
.L_simem_size_0:
called_computation.2_lowered:
.L_overlay_start_0:
0x88: {  	s2 =	sld [smem:$0x3FD9]  }
0x89: {  	s3 =	sld [smem:$0x3FFE];
	_ =	sdelay $0x1  }
0x8a: {  	s1 =	srdreg.scid  }
0x8b: {  	s0 =	sand.u32 $0x1, s1  }
0x8c: {  	s17 =	sshll.u32 s0, $0xA;
	s2 =	sadd.s32 s3, s2  }
0x8d: {  	s2 =	sadd.s32 s2, s17  }
0x8e: {  	[smem:$0x3FC2] =	sst s2  }
0x8f: {  	_ = 	snop  }
0x90: {  	s2 =	sld [smem:$0x3FD0];
	(tm) =	ssettm $0x1  }
0x91: {  	s18 =	sld [smem:$0x3FFB];
	_ =	sdelay $0x3  }
0x92: {  	_ =	strace s18  }
0x93: {  	s3 =	sld [smem:$0x3FFC];
	_ =	sdelay $0x3  }
0x94: {  	_ =	strace s3  }
0x95: {  	s3 =	sld [smem:$0x3FFD];
	_ =	sdelay $0x3  }
0x96: {  	_ =	strace s3  }
0x97: {  	_ =	strace $0x8FFFFFFF  }
0x98: {  	s19 =	sld [smem:$0x3FDB];
	_ =	sdelay $0x1  }
0x99: {  	s4 =	simm.s32 $_scs_section_size  }
0x9a: {  	s5 =	simm.s32 $_size__tile_overlayer_lowered;
	s6 =	simm.s32 $_tile_overlayer_lowered  }
0x9b: {  	s22 =	simm.s32 $0x1BFF;
	s21 =	sshll.u32 s6, $0x1;
	s3 =	sadd.s32 s4, s19  }
0x9c: {  	s7 =	simm.s32 $0x0;
	s20 =	sshll.u32 s5, $0x1;
	s5 =	sadd.s32 s21, s3  }
0x9d: {  	[timem:s7], [sflag:s22] =	dma.local [hbm:s5], s20  }
0x9e: {  	_ =	swait.ge [sflag:s22], s20  }
0x9f: {  	s4 =	ssub.s32 $0x0, s20;
	[sflag:s22] =	ssyncset.done $0x0  }
0xa0: {  	[sflag:s22] =	ssyncadd.s32 s4;
	_ =	sdelay $0x1  }
0xa1: {  	s23 =	simm.s32 $0x1B8B  }
0xa2: {  	_ =	swait.ge [sflag:s23], $0x1  }
0xa3: {  	[sflag:s23] =	ssyncset.done $0x0  }
0xa4: {  	s25 =	simm.s32 $0x1B8E;
	s24 =	sld [smem:$0x3FFE];
	[sflag:s23] =	ssyncadd.s32 $0xFFFFFFFF  }
0xa5: {  	s26 =	simm.s32 $execute0_lowered;
	[smem:$0x3FD2] =	sst s25  }
0xa6: {  	s5 =	sshll.u32 s26, $0x1;
	_ =	strace $0x8000004C;
	[dreg:$0x1] =	wrdreg $0xFFFFFFFF  }
0xa7: {  	s28 =	simm.s32 $_size_execute0_lowered;
	s3 =	sadd.s32 s3, s5;
	[dreg:$0x0] =	wrdreg $0x0  }
0xa8: {  	s5 =	sshll.u32 s28, $0x1;
	[dreg:$0x2] =	wrdreg s3  }
0xa9: {  	[dreg:$0x3] =	wrdreg s5  }
0xaa: {  	[dreg:$0x4] =	wrdreg $0xC0  }
0xab: {  	_ =	task [dreg:s7], $0x5FFFF  }
0xac: {  	[dreg:$0x1] =	wrdreg $0xFFFFFFFF  }
0xad: {  	[dreg:$0x0] =	wrdreg $0x60  }
0xae: {  	[dreg:$0x2] =	wrdreg s24  }
0xaf: {  	[dreg:$0x3] =	wrdreg s2  }
0xb0: {  	[dreg:$0x4] =	wrdreg $0x66800  }
0xb1: {  	[dreg:$0x5] =	wrdreg $0x9  }
0xb2: {  	_ =	task.clear_ibuf [dreg:s7], $0x6FFFF;
	_ =	strace $0x9000004C  }
0xb3: {  	s29 =	simm.s32 $0x9;
	_ =	strace $0x8000004E  }
0xb4: {  	_ =	swait.ge [sflag:s29], $0x1  }
0xb5: {  	[sflag:s29] =	ssyncadd.s32 $0xFFFFFFFF  }
0xb6: {  	_ =	strace $0x9000004E  }
0xb7: {  	_ =	sfence  }
0xb8: {  	s30 =	sld [smem:$0x0];
	_ =	sdelay $0x2  }
0xb9: {  	s31 =	sshll.u32 s1, $0xD;
	s1 =	sshrl.u32 s1, $0x2  }
0xba: {  	s3 =	sand.u32 $0x4000, s31;
	s1 =	sadd.s32 s1, s30  }
0xbb: {  	s0 =	sor.u32 s3, s0;
	s1 =	sshll.u32 s1, $0x11  }
0xbc: {  	s0 =	sor.u32 s1, s0  }
0xbd: {  	s0 =	sadd.s32 $0x8F2B, s0  }
0xbe: {  	[sflag:s0] =	ssyncadd.remote.s32 $0x1  }
0xbf: {  	_ =	sfence.sel $0xFFFF  }
0xc0: {  	[dreg:$0x0] =	wrdreg $0xFFFFFFFF;
	(pc) =	sbr.abs _section_cstart, $3  }
0xc1: {  	[dreg:$0x1] =	wrdreg $0xFFFFFFFF  }
0xc2: {  	_ =	task.clear_ibuf [dreg:s7], $0x2FFFF;
	_ =	strace $0x9FFFFFFF  }
0xc3: {  	(tm) =	ssettm $0x7FFFFFFF  }
tec
execute0_lowered:
.L_overlay_start_1:
0x0: {  	(tag) =	ssettag $0x1  }
0x1: {  	s0 =	srdreg.scid;
	s1 =	rddreg [dreg:$0x0]  }
0x2: {  	s3 =	rddreg [dreg:$0x1];
	s10 =	stileid.u32  }
0x3: {  	s2 =	rddreg [dreg:$0x2];
	s5 =	simm.s32 $0x0;
	s13 =	simm.s32 $0x7D  }
0x4: {  	s14 =	simm.s32 $0x2800;
	s16 =	simm.s32 $0x2FD0;
	s18 =	simm.s32 $0x37A0  }
0x5: {  	s20 =	simm.s32 $0x3F70;
	s21 =	simm.s32 $0x1;
	s28 =	simm.s32 $0x4F10  }
0x6: {  	s29 =	simm.s32 $0x3;
	s30 =	simm.s32 $0xB;
	s31 =	simm.s32 $0x56E0  }
0x7: {  	s12 =	simm.s32 $0x5EB0;
	s15 =	simm.s32 $0x5;
	s17 =	simm.s32 $0xD  }
0x8: {  	s19 =	simm.s32 $0x7;
	s11 =	simm.s32 $0x0;
	s0 =	sand.u32 $0x1, s0  }
0x9: {  	[smem:$0x7FF] =	sst s5;
	s22 =	smul.u32 $0x2800, s10;
	s23 =	sshll.u32 s10, $0x6  }
0xa: {  	s4 =	sshll.u32 s0, $0x4;
	_ =	strace $0x8000004D;
	s7 =	ssub.s32 $0x2, s0  }
0xb: {  	s0 =	smul.u32 $0x5000, s0;
	s4 =	sor.u32 s10, s4;
	s8 =	sshrl.u32 s22, $0x3  }
0xc: {  	s9 =	sshrl.u32 s7, $0x1;
	s5 =	sadd.s32 s22, s2;
	s10 =	simm.s32 $0x11  }
0xd: {  	s22 =	simm.s32 $0x9;
	s4 =	smul.u32 $0x280, s4;
	s7 =	ssub.s32 s7, s9  }
0xe: {  	s9 =	sor.u32 $0x1C11, s23;
	s0 =	sadd.s32 s3, s0;
	s23 =	simm.s32 $0x4740  }
0xf: {  	s26 =	smax.u32 s7, $0x1;
	s0 =	sadd.s32 s8, s0;
	[dreg:$0x5] =	wrdreg s9  }
0x10: {  	s7 =	simm.s32 $0x8;
	s6 =	sadd.s32 s4, s1;
	[dreg:$0x8] =	wrdreg s26  }
0x11: {  	s4 =	sadd.s32 $0x10E00, s1;
	s1 =	sadd.s32 s8, s1;
	[dreg:$0xa] =	wrdreg s0  }
.Ltmp0:
0x12: {  	s26 =	simm.s32 $0xA;
	s1 =	sadd.s32 $0x6E00, s1;
	(pc) =	sbr.rel .LBB2_1-.Ltmp0, $4  }
0x13: {  	s0 =	simm.s32 $0xC;
	s24 =	sadd.s32 $0x1AE00, s6;
	[dreg:$0x4] =	wrdreg s1  }
0x14: {  	s8 =	simm.s32 $0x10;
	s25 =	sadd.s32 $0x1C00, s6;
	[dreg:$0x6] =	wrdreg s24  }
0x15: {  	s6 =	sshrl.u32 s5, $0x3;
	s5 =	simm.s32 $0xF;
	[dreg:$0x7] =	wrdreg s25  }
0x16: {  	s25 =	simm.s32 $0x2;
	s1 =	simm.s32 $0x4;
	[dreg:$0x9] =	wrdreg s6  }
.LBB2_4:
0x17: {  	_ =	swait.ge [sflag:s7], $0x7D0  }
0x18: {  	[sflag:s7] =	ssyncset.done $0x0  }
0x19: {  	[sflag:s7] =	ssyncadd.s32 $0xFFFFF830  }
0x1a: {  	[spmem:s2] =	stream.indirect.scatter.add.f32 [tilespmem:s12], [sflag:$0x10], $0x10, s6, s13, $0xb8;
	[tilespmem:$0x8E80] =	vst v63  }
0x1b: {  	_ =	swait.ge [sflag:s8], $0x7D0  }
0x1c: {  	[sflag:s8] =	ssyncset.done $0x0  }
0x1d: {  	[sflag:s8] =	ssyncadd.s32 $0xFFFFF830  }
0x1e: {  	[bflag:$0x0] =	sbarrier.arrive $0xFFFF  }
0x1f: {  	s9 =	rddreg [dreg:$0x5]  }
0x20: {  	s6 =	rddreg [dreg:$0x9]  }
0x21: {  	s10 =	simm.s32 $0x11;
	s3 =	rddreg [dreg:$0xa]  }
0x22: {  	[hbm:s3], [sflag:s9] =	dma.local [spmem:s6], $0x500  }
0x23: {  	_ =	swait.ge [sflag:s10], $0x500  }
0x24: {  	s11 =	rddreg [dreg:$0xb]  }
0x25: {  	s24 =	rddreg [dreg:$0x8];
	s11 =	sadd.s32 $0x1, s11  }
0x26: {  	p0 =	sne.s32 s11, s24  }
.Ltmp1:
0x27: {  	_ = 	snop;
	(pc) =	sbr.rel @!p0 .LBB2_5-.Ltmp1, $3  }
0x28: {  	_ =	sdelay $0x1  }
0x29: {  	[sflag:s10] =	ssyncset.done $0x0  }
0x2a: {  	[sflag:s10] =	ssyncadd.s32 $0xFFFFFB00  }
.LBB2_1:
0x2b: {  	[dreg:$0xb] =	wrdreg s11  }
0x2c: {  	s3 =	rddreg [dreg:$0x4]  }
0x2d: {  	[spmem:s6], [sflag:s9] =	dma.local [hbm:s3], $0x500  }
0x2e: {  	_ =	swait.ge [sflag:s10], $0x500  }
0x2f: {  	[sflag:s10] =	ssyncset.done $0x0  }
0x30: {  	s3 =	simm.s32 $0x0;
	s9 =	rddreg [dreg:$0x6];
	[sflag:s10] =	ssyncadd.s32 $0xFFFFFB00  }
0x31: {  	[tilespmem:s3], [sflag:$0x11] =	stream.linear.gather [hbm4b:s9+s3], $0x1400, $0x38;
	[tilespmem:$0x8E80] =	vst v63  }
0x32: {  	_ =	swait.ge [sflag:s10], $0x1400  }
0x33: {  	[sflag:s10] =	ssyncset.done $0x0  }
0x34: {  	s24 =	simm.s32 $0x1400;
	s11 =	rddreg [dreg:$0x7];
	[sflag:s10] =	ssyncadd.s32 $0xFFFFEC00  }
0x35: {  	[tilespmem:s24], [sflag:$0x11] =	stream.linear.gather [hbm4b:s11+s3], $0x1400, $0x38;
	[tilespmem:$0x8E80] =	vst v63  }
0x36: {  	_ =	swait.ge [sflag:s10], $0x1400  }
0x37: {  	[sflag:s10] =	ssyncset.done $0x0  }
0x38: {  	[sflag:s10] =	ssyncadd.s32 $0xFFFFEC00  }
0x39: {  	[bflag:$0x0] =	sbarrier.arrive $0xFFFF  }
0x3a: {  	[tilespmem:s14], [sflag:$0x1] =	stream.indirect.gather [hbm4b:s4+s13], $0x10, s3, s13, $0xb8;
	[tilespmem:$0x8E80] =	vst v63  }
0x3b: {  	s10 =	simm.s32 $0x80  }
0x3c: {  	[tilespmem:s16], [sflag:$0x2] =	stream.indirect.gather [hbm4b:s4+s13], $0x10, s10, s13, $0xb8;
	[tilespmem:$0x8E80] =	vst v63  }
0x3d: {  	s11 =	simm.s32 $0x100  }
0x3e: {  	[tilespmem:s18], [sflag:$0x3] =	stream.indirect.gather [hbm4b:s4+s13], $0x10, s11, s13, $0xb8;
	[tilespmem:$0x8E80] =	vst v63  }
0x3f: {  	s24 =	simm.s32 $0x180  }
0x40: {  	[tilespmem:s20], [sflag:$0x4] =	stream.indirect.gather [hbm4b:s4+s13], $0x10, s24, s13, $0xb8;
	[tilespmem:$0x8E80] =	vst v63  }
0x41: {  	s24 =	simm.s32 $0x0  }
.LBB2_2:
0x42: {  	_ =	swait.ge [sflag:s21], $0x7D0  }
0x43: {  	s3 =	sshra.s32 s24, $0x2;
	[sflag:s21] =	ssyncset.done $0x0  }
0x44: {  	s6 =	sadd.s32 $0x1400, s3;
	[sflag:s21] =	ssyncadd.s32 $0xFFFFF830  }
0x45: {  	[spmem:s2] =	stream.indirect.scatter.add.f32 [tilespmem:s14], [sflag:$0x9], $0x10, s6, s13, $0xb8;
	[tilespmem:$0x8E80] =	vst v63  }
0x46: {  	_ =	swait.ge [sflag:s22], $0x7D0  }
0x47: {  	[sflag:s22] =	ssyncset.done $0x0  }
0x48: {  	s9 =	sadd.s32 $0x200, s3;
	[sflag:s22] =	ssyncadd.s32 $0xFFFFF830  }
0x49: {  	[tilespmem:s23], [sflag:$0x5] =	stream.indirect.gather [hbm4b:s4+s13], $0x10, s9, s13, $0xb8;
	[tilespmem:$0x8E80] =	vst v63  }
0x4a: {  	_ =	swait.ge [sflag:s25], $0x7D0  }
0x4b: {  	[sflag:s25] =	ssyncset.done $0x0  }
0x4c: {  	s10 =	sadd.s32 $0x1480, s3;
	[sflag:s25] =	ssyncadd.s32 $0xFFFFF830  }
0x4d: {  	[spmem:s2] =	stream.indirect.scatter.add.f32 [tilespmem:s16], [sflag:$0xA], $0x10, s10, s13, $0xb8;
	[tilespmem:$0x8E80] =	vst v63  }
0x4e: {  	_ =	swait.ge [sflag:s26], $0x7D0  }
0x4f: {  	[sflag:s26] =	ssyncset.done $0x0  }
0x50: {  	s11 =	sadd.s32 $0x280, s3;
	[sflag:s26] =	ssyncadd.s32 $0xFFFFF830  }
0x51: {  	[tilespmem:s28], [sflag:$0x6] =	stream.indirect.gather [hbm4b:s4+s13], $0x10, s11, s13, $0xb8;
	[tilespmem:$0x8E80] =	vst v63  }
0x52: {  	_ =	swait.ge [sflag:s29], $0x7D0  }
0x53: {  	[sflag:s29] =	ssyncset.done $0x0  }
0x54: {  	s9 =	sadd.s32 $0x1500, s3;
	[sflag:s29] =	ssyncadd.s32 $0xFFFFF830  }
0x55: {  	[spmem:s2] =	stream.indirect.scatter.add.f32 [tilespmem:s18], [sflag:$0xB], $0x10, s9, s13, $0xb8;
	[tilespmem:$0x8E80] =	vst v63  }
0x56: {  	_ =	swait.ge [sflag:s30], $0x7D0  }
0x57: {  	[sflag:s30] =	ssyncset.done $0x0  }
0x58: {  	s10 =	sadd.s32 $0x300, s3;
	[sflag:s30] =	ssyncadd.s32 $0xFFFFF830  }
0x59: {  	[tilespmem:s31], [sflag:$0x7] =	stream.indirect.gather [hbm4b:s4+s13], $0x10, s10, s13, $0xb8;
	[tilespmem:$0x8E80] =	vst v63  }
0x5a: {  	_ =	swait.ge [sflag:s1], $0x7D0  }
0x5b: {  	[sflag:s1] =	ssyncset.done $0x0  }
0x5c: {  	s11 =	sadd.s32 $0x1580, s3;
	[sflag:s1] =	ssyncadd.s32 $0xFFFFF830  }
0x5d: {  	[spmem:s2] =	stream.indirect.scatter.add.f32 [tilespmem:s20], [sflag:$0xC], $0x10, s11, s13, $0xb8;
	[tilespmem:$0x8E80] =	vst v63  }
0x5e: {  	_ =	swait.ge [sflag:s0], $0x7D0  }
0x5f: {  	[sflag:s0] =	ssyncset.done $0x0  }
0x60: {  	s9 =	sadd.s32 $0x380, s3;
	[sflag:s0] =	ssyncadd.s32 $0xFFFFF830  }
0x61: {  	[tilespmem:s12], [sflag:$0x8] =	stream.indirect.gather [hbm4b:s4+s13], $0x10, s9, s13, $0xb8;
	[tilespmem:$0x8E80] =	vst v63  }
0x62: {  	_ =	swait.ge [sflag:s15], $0x7D0  }
0x63: {  	[sflag:s15] =	ssyncset.done $0x0  }
0x64: {  	s10 =	sadd.s32 $0x1600, s3;
	[sflag:s15] =	ssyncadd.s32 $0xFFFFF830  }
0x65: {  	[spmem:s2] =	stream.indirect.scatter.add.f32 [tilespmem:s23], [sflag:$0xD], $0x10, s10, s13, $0xb8;
	[tilespmem:$0x8E80] =	vst v63  }
0x66: {  	_ =	swait.ge [sflag:s17], $0x7D0  }
0x67: {  	p0 =	seq.s32 s24, $0x4000;
	[sflag:s17] =	ssyncset.done $0x0  }
0x68: {  	s6 =	simm.s32 @p0 $0x6;
	[sflag:s17] =	ssyncadd.s32 $0xFFFFF830  }
0x69: {  	_ =	swait.ge @p0 [sflag:s6], $0x7D0  }
0x6a: {  	[sflag:s6] =	ssyncset.done @p0 $0x0  }
0x6b: {  	[sflag:s6] =	ssyncadd.s32 @p0 $0xFFFFF830;
	s6 =	sshra.s32 @p0 s24, $0x2  }
0x6c: {  	s11 =	simm.s32 @p0 $0x4F10;
	s10 =	simm.s32 @p0 $0x7D;
	s6 =	sadd.s32 @p0 $0x1680, s6  }
0x6d: {  	[spmem:s2] =	stream.indirect.scatter.add.f32 @p0 [tilespmem:s11], [sflag:$0xE], $0x10, s6, s10, $0xb8;
	[tilespmem:$0x8E80] =	vst v63  }
0x6e: {  	s6 =	simm.s32 @p0 $0xE  }
0x6f: {  	_ =	swait.ge @p0 [sflag:s6], $0x7D0  }
0x70: {  	[sflag:s6] =	ssyncset.done @p0 $0x0  }
0x71: {  	[sflag:s6] =	ssyncadd.s32 @p0 $0xFFFFF830;
	s6 =	sshra.s32 @!p0 s24, $0x2  }
0x72: {  	s9 =	simm.s32 @!p0 $0x2800;
	s11 =	simm.s32 @!p0 $0x7D;
	s10 =	sadd.s32 @!p0 $0x400, s6  }
0x73: {  	[tilespmem:s9], [sflag:$0x1] =	stream.indirect.gather @!p0 [hbm4b:s4+s11], $0x10, s10, s11, $0xb8;
	[tilespmem:$0x8E80] =	vst v63  }
0x74: {  	s9 =	simm.s32 @!p0 $0x6  }
0x75: {  	_ =	swait.ge @!p0 [sflag:s9], $0x7D0  }
0x76: {  	[sflag:s9] =	ssyncset.done @!p0 $0x0  }
0x77: {  	s10 =	simm.s32 @!p0 $0x4F10;
	[sflag:s9] =	ssyncadd.s32 @!p0 $0xFFFFF830;
	s9 =	sadd.s32 @!p0 $0x1680, s6  }
0x78: {  	[spmem:s2] =	stream.indirect.scatter.add.f32 @!p0 [tilespmem:s10], [sflag:$0xE], $0x10, s9, s11, $0xb8;
	[tilespmem:$0x8E80] =	vst v63  }
0x79: {  	s9 =	simm.s32 @!p0 $0xE  }
0x7a: {  	_ =	swait.ge @!p0 [sflag:s9], $0x7D0  }
0x7b: {  	[sflag:s9] =	ssyncset.done @!p0 $0x0  }
0x7c: {  	s6 =	sadd.s32 @!p0 $0x480, s6;
	[sflag:s9] =	ssyncadd.s32 @!p0 $0xFFFFF830;
	s9 =	simm.s32 @!p0 $0x2FD0  }
0x7d: {  	[tilespmem:s9], [sflag:$0x2] =	stream.indirect.gather @!p0 [hbm4b:s4+s11], $0x10, s6, s11, $0xb8;
	[tilespmem:$0x8E80] =	vst v63  }
0x7e: {  	_ =	swait.ge [sflag:s19], $0x7D0  }
0x7f: {  	[sflag:s19] =	ssyncset.done $0x0  }
.Ltmp2:
0x80: {  	s11 =	sadd.s32 $0x1700, s3;
	[sflag:s19] =	ssyncadd.s32 $0xFFFFF830;
	(pc) =	sbr.rel @p0 .LBB2_4-.Ltmp2, $4  }
0x81: {  	[spmem:s2] =	stream.indirect.scatter.add.f32 [tilespmem:s31], [sflag:$0xF], $0x10, s11, s13, $0xb8;
	[tilespmem:$0x8E80] =	vst v63  }
0x82: {  	_ =	swait.ge [sflag:s5], $0x7D0  }
0x83: {  	[sflag:s5] =	ssyncset.done $0x0  }
0x84: {  	s6 =	sadd.s32 $0x1780, s3;
	[sflag:s5] =	ssyncadd.s32 $0xFFFFF830  }
0x85: {  	s9 =	sadd.s32 $0x500, s3  }
0x86: {  	[tilespmem:s18], [sflag:$0x3] =	stream.indirect.gather [hbm4b:s4+s13], $0x10, s9, s13, $0xb8;
	[tilespmem:$0x8E80] =	vst v63  }
0x87: {  	_ =	swait.ge [sflag:s7], $0x7D0  }
0x88: {  	[sflag:s7] =	ssyncset.done $0x0  }
0x89: {  	[sflag:s7] =	ssyncadd.s32 $0xFFFFF830  }
0x8a: {  	[spmem:s2] =	stream.indirect.scatter.add.f32 [tilespmem:s12], [sflag:$0x10], $0x10, s6, s13, $0xb8;
	[tilespmem:$0x8E80] =	vst v63  }
.Ltmp3:
0x8b: {  	_ = 	snop;
	(pc) =	sbr.rel .LBB2_2-.Ltmp3, $4  }
0x8c: {  	_ =	swait.ge [sflag:s8], $0x7D0  }
0x8d: {  	[sflag:s8] =	ssyncset.done $0x0  }
0x8e: {  	s11 =	sadd.s32 $0x580, s3;
	s24 =	sadd.s32 $0x1000, s24;
	[sflag:s8] =	ssyncadd.s32 $0xFFFFF830  }
0x8f: {  	[tilespmem:s20], [sflag:$0x4] =	stream.indirect.gather [hbm4b:s4+s13], $0x10, s11, s13, $0xb8;
	[tilespmem:$0x8E80] =	vst v63  }
.LBB2_5:
0x90: {  	_ =	sfence.sel $0x180000  }
0x91: {  	[bflag:$0x0] =	sbarrier.arrive $0xFFFF  }
0x92: {  	_ =	strace $0x9000004D  }
0x93: {  	s0 =	stileid.u32;
	[bflag:$0x2] =	sbarrier.arrive $0xFFFF  }
0x94: {  	p0 =	sne.s32 s0, $0x0;
	s0 =	rddreg [dreg:$0x3]  }
0x95: {  	s0 =	sadd.s32 @!p0 $0x100000, s0  }
0x96: {  	[sflag:s0] =	ssyncadd.tile.s32 @!p0 $0x1;
	_ =	shalt  }
.Lfunc_end2:
_tile_overlayer_lowered:
.L_overlay_start_2:
0x97: {  	(tag) =	ssettag $0x2  }
0x98: {  	s0 =	rddreg [dreg:$0x0];
	s2 =	stileid.u32  }
0x99: {  	s1 =	rddreg [dreg:$0x1];
	p0 =	sne.s32 s2, $0x0  }
0x9a: {  	s3 =	rddreg [dreg:$0x2];
	[bflag:$0x3] =	sbarrier.arrive $0xFFFF;
	s2 =	simm.s32 @!p0 $0x1C11  }
0x9b: {  	[timem:s3], [sflag:s2] =	dma.local @!p0 [hbm:s0], s1  }
0x9c: {  	s0 =	simm.s32 @!p0 $0x11  }
0x9d: {  	_ =	swait.ge @!p0 [sflag:s0], s1  }
0x9e: {  	s1 =	ssub.s32 @!p0 $0x0, s1;
	[sflag:s0] =	ssyncset.done @!p0 $0x0  }
0x9f: {  	[sflag:s0] =	ssyncadd.s32 @!p0 s1  }
0xa0: {  	[bflag:$0x3] =	sbarrier.arrive $0xFFFF  }
0xa1: {  	_ =	shalt  }

// kernel: kernel.19.cloned.1.call-start
scs
__scs_entry_jumppad:
0x0: {  	(pc) =	sbr.rel $0x88, $3  }
0x1: {  	(tag) =	ssettag $0x0;
	lr =	simm.s32 $0x1  }
0x2: {  	[smem:$0x3F9B] =	sst lr;
	_ =	strace $0xD0000000  }
0x3: {  	_ = 	snop  }
0x4: {  	_ = 	snop  }
0x5: {  	_ = 	snop  }
0x6: {  	_ = 	snop  }
0x7: {  	_ = 	snop  }
__scs_overlays_trampoline_lowered:
0x8: {  	[smem:$0x3FAA] =	sst s0  }
0x9: {  	[smem:$0x3FAB] =	sst s1  }
0xa: {  	[smem:$0x3FAC] =	sst s2  }
0xb: {  	[smem:$0x3FAD] =	sst s3  }
0xc: {  	[smem:$0x3FAE] =	sst s4  }
0xd: {  	[smem:$0x3FAF] =	sst s5  }
0xe: {  	[smem:$0x3FB0] =	sst s6  }
0xf: {  	[smem:$0x3FB1] =	sst s7  }
0x10: {  	[smem:$0x3FB2] =	sst s8  }
0x11: {  	[smem:$0x3FB3] =	sst s9;
	s0 =	simm.s32 @!p0 $0x0  }
0x12: {  	s1 =	sld [smem:$0x3F99];
	s0 =	simm.s32 @p0 $0x1  }
0x13: {  	[smem:$0x3FB4] =	sst s0;
	s0 =	simm.s32 @!p1 $0x0  }
0x14: {  	s2 =	sld [smem:$0x3F98];
	s0 =	simm.s32 @p1 $0x1  }
0x15: {  	[smem:$0x3FB5] =	sst s0;
	s0 =	simm.s32 @!p2 $0x0  }
0x16: {  	s3 =	sld [smem:$0x3FDB];
	s0 =	simm.s32 @p2 $0x1  }
0x17: {  	s4 =	simm.s32 $0x1BF5;
	[smem:$0x3FB7] =	sst s0  }
0x18: {  	s0 =	sld [smem:$0x3F9A];
	_ =	swait.ge [sflag:s4], $0x0  }
0x19: {  	s7 =	sld [smem:$0x3F9B]  }
0x1a: {  	s8 =	sadd.s32 $0xFFFFE003, lr  }
0x1b: {  	s9 =	sadd.s32 $0xFFFFFEF7, lr;
	s5 =	simm.s32 $0xFFFFFFFF;
	p2 =	slt.u32 s8, $0xFFFFF086  }
0x1c: {  	p1 =	slt.u32 s9, $0xF7A;
	s5 =	simm.s32 @!p2 $0x0  }
0x1d: {  	s5 =	simm.s32 @p1 $0x1;
	p0 =	seq.s32 s7, s2  }
0x1e: {  	s7 =	smul.u32 @!p0 $0xF7A, s2;
	p2 =	seq.s32 @!p0 s5, $0x0  }
0x1f: {  	s9 =	smul.u32 $0xF7A, s1;
	s8 =	simm.s32 @!p0 $0x1BF5;
	p2 =	por !p2, p0  }
0x20: {  	[sflag:s8] =	ssyncset.s32 @!p0 $0xFFFFF086;
	s6 =	sadd.s32 @!p0 s3, s7;
	s7 =	simm.s32 @!p0 $0x108  }
0x21: {  	s3 =	sadd.s32 s3, s9;
	s6 =	sadd.s32 @!p0 $0x88, s6;
	s7 =	simm.s32 @p2 $0x1082  }
0x22: {  	[simem:s7], [sflag:s8] =	dma.local @!p0 [hbm:s6], $0xF7A  }
0x23: {  	s9 =	sor.u32 $0xD0000000, s2;
	s6 =	simm.s32 $0x108;
	_ =	swait.ge @!p0 [sflag:s8], $0x0  }
0x24: {  	s3 =	sadd.s32 $0x88, s3;
	s6 =	simm.s32 @!p1 $0x1082;
	[sflag:s4] =	ssyncset.s32 $0xFFFFF086  }
0x25: {  	[simem:s6], [sflag:s4] =	dma.local [hbm:s3], $0xF7A  }
0x26: {  	[smem:$0x3F9B] =	sst s1;
	(tag) =	ssettag s2;
	_ =	strace s9  }
0x27: {  	s1 =	sld [smem:$0x3FAB]  }
0x28: {  	s2 =	sld [smem:$0x3FAC]  }
0x29: {  	s4 =	sld [smem:$0x3FAE]  }
0x2a: {  	p0 =	seq.s32 s5, $0x0;
	s5 =	sld [smem:$0x3FAF]  }
0x2b: {  	s6 =	sld [smem:$0x3FB0]  }
0x2c: {  	s7 =	sld [smem:$0x3FB1]  }
0x2d: {  	s3 =	simm.s32 $0x108;
	s8 =	sld [smem:$0x3FB2]  }
0x2e: {  	s3 =	simm.s32 @!p0 $0x1082;
	s9 =	sld [smem:$0x3FB3]  }
0x2f: {  	lr =	sadd.s32 s0, s3;
	s0 =	sld [smem:$0x3FAA]  }
0x30: {  	s3 =	sld [smem:$0x3FAD]  }
0x31: {  	[smem:$0x3FB6] =	sst s10  }
0x32: {  	s10 =	sld [smem:$0x3FB4];
	_ =	sdelay $0x3  }
0x33: {  	p0 =	seq.s32 s10, $0x1;
	s10 =	sld [smem:$0x3FB6];
	_ =	sdelay $0x3  }
0x34: {  	[smem:$0x3FB6] =	sst s10  }
0x35: {  	s10 =	sld [smem:$0x3FB5];
	_ =	sdelay $0x3  }
0x36: {  	p1 =	seq.s32 s10, $0x1;
	s10 =	sld [smem:$0x3FB6];
	_ =	sdelay $0x3  }
0x37: {  	[smem:$0x3FB6] =	sst s10  }
0x38: {  	s10 =	sld [smem:$0x3FB7]  }
0x39: {  	_ = 	snop;
	(pc) =	sbr.ind lr, $3  }
0x3a: {  	_ = 	snop  }
0x3b: {  	_ = 	snop  }
0x3c: {  	p2 =	seq.s32 s10, $0x1;
	s10 =	sld [smem:$0x3FB6]  }
0x3d: {  	_ =	shalt  }
0x3e: {  	_ =	shalt  }
0x3f: {  	_ =	shalt  }
0x40: {  	_ =	shalt  }
0x41: {  	_ =	shalt  }
0x42: {  	_ =	shalt  }
0x43: {  	_ =	shalt  }
0x44: {  	_ =	shalt  }
0x45: {  	_ =	shalt  }
0x46: {  	_ =	shalt  }
0x47: {  	_ =	shalt  }
0x48: {  	_ =	shalt  }
0x49: {  	_ =	shalt  }
0x4a: {  	_ =	shalt  }
0x4b: {  	_ =	shalt  }
0x4c: {  	_ =	shalt  }
0x4d: {  	_ =	shalt  }
0x4e: {  	_ =	shalt  }
0x4f: {  	_ =	shalt  }
0x50: {  	_ =	shalt  }
0x51: {  	_ =	shalt  }
0x52: {  	_ =	shalt  }
0x53: {  	_ =	shalt  }
0x54: {  	_ =	shalt  }
0x55: {  	_ =	shalt  }
0x56: {  	_ =	shalt  }
0x57: {  	_ =	shalt  }
0x58: {  	_ =	shalt  }
0x59: {  	_ =	shalt  }
0x5a: {  	_ =	shalt  }
0x5b: {  	_ =	shalt  }
0x5c: {  	_ =	shalt  }
0x5d: {  	_ =	shalt  }
0x5e: {  	_ =	shalt  }
0x5f: {  	_ =	shalt  }
0x60: {  	_ =	shalt  }
0x61: {  	_ =	shalt  }
0x62: {  	_ =	shalt  }
0x63: {  	_ =	shalt  }
0x64: {  	_ =	shalt  }
0x65: {  	_ =	shalt  }
0x66: {  	_ =	shalt  }
0x67: {  	_ =	shalt  }
0x68: {  	_ =	shalt  }
0x69: {  	_ =	shalt  }
0x6a: {  	_ =	shalt  }
0x6b: {  	_ =	shalt  }
0x6c: {  	_ =	shalt  }
0x6d: {  	_ =	shalt  }
0x6e: {  	_ =	shalt  }
0x6f: {  	_ =	shalt  }
0x70: {  	_ =	shalt  }
0x71: {  	_ =	shalt  }
0x72: {  	_ =	shalt  }
0x73: {  	_ =	shalt  }
0x74: {  	_ =	shalt  }
0x75: {  	_ =	shalt  }
0x76: {  	_ =	shalt  }
0x77: {  	_ =	shalt  }
0x78: {  	_ =	shalt  }
0x79: {  	_ =	shalt  }
0x7a: {  	_ =	shalt  }
0x7b: {  	_ =	shalt  }
0x7c: {  	_ =	shalt  }
0x7d: {  	_ =	shalt  }
0x7e: {  	_ =	shalt  }
0x7f: {  	_ =	shalt  }
0x80: {  	_ =	shalt  }
0x81: {  	_ =	shalt  }
0x82: {  	_ =	shalt  }
0x83: {  	_ =	shalt  }
0x84: {  	_ =	shalt  }
0x85: {  	_ =	shalt  }
0x86: {  	_ =	shalt  }
0x87: {  	_ =	shalt  }
.Lfunc_end0:
.L_simem_size_0:
called_computation.3_lowered:
.L_overlay_start_0:
0x88: {  	s2 =	sld [smem:$0x3FD9]  }
0x89: {  	s3 =	sld [smem:$0x3FFE];
	_ =	sdelay $0x1  }
0x8a: {  	s1 =	srdreg.scid  }
0x8b: {  	s0 =	sand.u32 $0x1, s1  }
0x8c: {  	s17 =	sshll.u32 s0, $0xA;
	s2 =	sadd.s32 s3, s2  }
0x8d: {  	s2 =	sadd.s32 s2, s17  }
0x8e: {  	[smem:$0x3FC2] =	sst s2  }
0x8f: {  	_ = 	snop  }
0x90: {  	s2 =	sld [smem:$0x3FC6]  }
0x91: {  	s18 =	sld [smem:$0x3FD0];
	(tm) =	ssettm $0x1  }
0x92: {  	s4 =	sld [smem:$0x3FFB];
	_ =	sdelay $0x3  }
0x93: {  	_ =	strace s4  }
0x94: {  	s4 =	sld [smem:$0x3FFC];
	_ =	sdelay $0x3  }
0x95: {  	_ =	strace s4  }
0x96: {  	s4 =	sld [smem:$0x3FFD];
	_ =	sdelay $0x3  }
0x97: {  	_ =	strace s4  }
0x98: {  	_ =	strace $0x8FFFFFFF  }
0x99: {  	s19 =	sld [smem:$0x3FDB];
	_ =	sdelay $0x1  }
0x9a: {  	s5 =	simm.s32 $_scs_section_size  }
0x9b: {  	s6 =	simm.s32 $_size__tile_overlayer_lowered;
	s7 =	simm.s32 $_tile_overlayer_lowered  }
0x9c: {  	s22 =	simm.s32 $0x1BFF;
	s21 =	sshll.u32 s7, $0x1;
	s4 =	sadd.s32 s5, s19  }
0x9d: {  	s8 =	simm.s32 $0x0;
	s20 =	sshll.u32 s6, $0x1;
	s6 =	sadd.s32 s21, s4  }
0x9e: {  	[timem:s8], [sflag:s22] =	dma.local [hbm:s6], s20  }
0x9f: {  	_ =	swait.ge [sflag:s22], s20  }
0xa0: {  	s5 =	ssub.s32 $0x0, s20;
	[sflag:s22] =	ssyncset.done $0x0  }
0xa1: {  	[sflag:s22] =	ssyncadd.s32 s5;
	_ =	sdelay $0x1  }
0xa2: {  	s23 =	simm.s32 $0x1B8B  }
0xa3: {  	_ =	swait.ge [sflag:s23], $0x1  }
0xa4: {  	[sflag:s23] =	ssyncset.done $0x0  }
0xa5: {  	s25 =	simm.s32 $0x1B8E;
	s24 =	sld [smem:$0x3FFE];
	[sflag:s23] =	ssyncadd.s32 $0xFFFFFFFF  }
0xa6: {  	s26 =	simm.s32 $execute0_lowered;
	[smem:$0x3FD2] =	sst s25  }
0xa7: {  	s6 =	sshll.u32 s26, $0x1;
	_ =	strace $0x8000004F;
	[dreg:$0x1] =	wrdreg $0xFFFFFFFF  }
0xa8: {  	s28 =	simm.s32 $_size_execute0_lowered;
	s4 =	sadd.s32 s4, s6;
	[dreg:$0x0] =	wrdreg $0x0  }
0xa9: {  	s6 =	sshll.u32 s28, $0x1;
	[dreg:$0x2] =	wrdreg s4  }
0xaa: {  	[dreg:$0x3] =	wrdreg s6  }
0xab: {  	[dreg:$0x4] =	wrdreg $0xC0  }
0xac: {  	_ =	task [dreg:s8], $0x5FFFF  }
0xad: {  	[dreg:$0x1] =	wrdreg $0xFFFFFFFF  }
0xae: {  	[dreg:$0x0] =	wrdreg $0x60  }
0xaf: {  	[dreg:$0x2] =	wrdreg s18  }
0xb0: {  	[dreg:$0x3] =	wrdreg s24  }
0xb1: {  	[dreg:$0x4] =	wrdreg s2  }
0xb2: {  	[dreg:$0x5] =	wrdreg $0x9  }
0xb3: {  	_ =	task.clear_ibuf [dreg:s8], $0x6FFFF;
	_ =	strace $0x9000004F  }
0xb4: {  	s29 =	simm.s32 $0x9;
	_ =	strace $0x80000051  }
0xb5: {  	_ =	swait.ge [sflag:s29], $0x1  }
0xb6: {  	[sflag:s29] =	ssyncadd.s32 $0xFFFFFFFF  }
0xb7: {  	_ =	strace $0x90000051  }
0xb8: {  	_ =	sfence  }
0xb9: {  	s30 =	sld [smem:$0x0];
	_ =	sdelay $0x2  }
0xba: {  	s31 =	sshll.u32 s1, $0xD;
	s1 =	sshrl.u32 s1, $0x2  }
0xbb: {  	s3 =	sand.u32 $0x4000, s31;
	s1 =	sadd.s32 s1, s30  }
0xbc: {  	s0 =	sor.u32 s3, s0;
	s1 =	sshll.u32 s1, $0x11  }
0xbd: {  	s0 =	sor.u32 s1, s0  }
0xbe: {  	s0 =	sadd.s32 $0x8F2B, s0  }
0xbf: {  	[sflag:s0] =	ssyncadd.remote.s32 $0x1  }
0xc0: {  	_ =	sfence.sel $0xFFFF  }
0xc1: {  	[dreg:$0x0] =	wrdreg $0xFFFFFFFF;
	(pc) =	sbr.abs _section_cstart, $3  }
0xc2: {  	[dreg:$0x1] =	wrdreg $0xFFFFFFFF  }
0xc3: {  	_ =	task.clear_ibuf [dreg:s8], $0x2FFFF;
	_ =	strace $0x9FFFFFFF  }
0xc4: {  	(tm) =	ssettm $0x7FFFFFFF  }
0xc5: {  	_ =	shalt  }
tec
execute0_lowered:
.L_overlay_start_1:
0x0: {  	(tag) =	ssettag $0x1  }
0x1: {  	s5 =	rddreg [dreg:$0x0]  }
0x2: {  	s6 =	rddreg [dreg:$0x1]  }
0x3: {  	s0 =	srdreg.scid;
	s2 =	rddreg [dreg:$0x2]  }
0x4: {  	s3 =	simm.s32 $0x0;
	s9 =	simm.s32 $0x1;
	s12 =	simm.s32 $0x2800  }
0x5: {  	s13 =	simm.s32 $0x3C00;
	s14 =	simm.s32 $0x6400;
	s4 =	sand.u32 $0x1, s0  }
0x6: {  	s15 =	simm.s32 $0x5000;
	s0 =	stileid.u32;
	s1 =	sshll.u32 s4, $0x4  }
0x7: {  	s16 =	simm.s32 $0x0;
	s4 =	ssub.s32 $0x2, s4;
	s7 =	sor.u32 s0, s1  }
0x8: {  	[smem:$0x7FF] =	sst s3;
	s31 =	sshrl.u32 s4, $0x1;
	s10 =	smul.u32 $0x280, s7  }
0x9: {  	s11 =	sadd.s32 $0x5000, s5;
	s1 =	rddreg [dreg:$0x3];
	s8 =	ssub.s32 s4, s31  }
0xa: {  	_ =	strace $0x80000050;
	s8 =	smax.u32 s8, $0x1;
	s7 =	sadd.s32 s10, s6  }
0xb: {  	s4 =	sadd.s32 s5, s10;
	s10 =	sadd.s32 s10, s11;
	s11 =	simm.s32 $0x1400  }
0xc: {  	s5 =	sadd.s32 $0x15E00, s7;
	s6 =	sadd.s32 $0x10E00, s7;
	s7 =	sadd.s32 $0xBE00, s7  }
.LBB2_1:
0xd: {  	[tilespmem:s3], [sflag:$0x1] =	stream.linear.gather [hbm4b:s4+s3], $0x1400, $0x38;
	[tilespmem:$0x6410] =	vst v63  }
0xe: {  	_ =	swait.ge [sflag:s9], $0x1400  }
0xf: {  	[sflag:s9] =	ssyncset.done $0x0  }
0x10: {  	[sflag:s9] =	ssyncadd.s32 $0xFFFFEC00  }
0x11: {  	[tilespmem:s11], [sflag:$0x1] =	stream.linear.gather [hbm4b:s10+s3], $0x1400, $0x38;
	[tilespmem:$0x6410] =	vst v63  }
0x12: {  	_ =	swait.ge [sflag:s9], $0x1400  }
0x13: {  	[sflag:s9] =	ssyncset.done $0x0  }
0x14: {  	[sflag:s9] =	ssyncadd.s32 $0xFFFFEC00  }
0x15: {  	[tilespmem:s12], [sflag:$0x1] =	stream.linear.gather [hbm4b:s5+s3], $0x1400, $0x38;
	[tilespmem:$0x6410] =	vst v63  }
0x16: {  	_ =	swait.ge [sflag:s9], $0x1400  }
0x17: {  	[sflag:s9] =	ssyncset.done $0x0  }
0x18: {  	[sflag:s9] =	ssyncadd.s32 $0xFFFFEC00  }
0x19: {  	[tilespmem:s13], [sflag:$0x1] =	stream.linear.gather [hbm4b:s6+s3], $0x1400, $0x38;
	[tilespmem:$0x6410] =	vst v63  }
0x1a: {  	_ =	swait.ge [sflag:s9], $0x1400  }
0x1b: {  	[sflag:s9] =	ssyncset.done $0x0  }
0x1c: {  	[sflag:s9] =	ssyncadd.s32 $0xFFFFEC00  }
0x1d: {  	[tilespmem:s14], [sflag:$0x1] =	stream.linear.gather [hbm4b:s2+s3], $0x10, $0x38;
	[tilespmem:$0x6410] =	vst v63  }
0x1e: {  	_ =	swait.ge [sflag:s9], $0x10  }
0x1f: {  	[sflag:s9] =	ssyncset.done $0x0  }
0x20: {  	s17 =	simm.s32 $0x0;
	[sflag:s9] =	ssyncadd.s32 $0xFFFFFFF0  }
0x21: {  	v1 =	vld [tilespmem:s17+$0x0]  }
0x22: {  	v2 =	vld [tilespmem:s17+$0x1400];
	_ =	sdelay $0x1  }
0x23: {  	v3 =	vld [tilespmem:s17+$0x3C00];
	_ =	sdelay $0x1  }
0x24: {  	v0 =	vld [tilespmem:s17+$0x2800]  }
0x25: {  	v1 =	vadd.f32 v2, v1  }
0x26: {  	v2 =	vld [tilespmem:$0x6400]  }
0x27: {  	v1 =	vadd.f32 v3, v1;
	_ =	sdelay $0x1  }
0x28: {  	s18 =	simm.s32 $0x10;
	v3 =	vmul.f32 v1, v0  }
0x29: {  	s19 =	simm.s32 $0x80;
	v1 =	vld [tilespmem:s18+$0x0]  }
.LBB2_2:
0x2a: {  	p0 =	sne.s32 s19, $0x4FC0;
	v4 =	vld [tilespmem:s18+$0x1400];
	v2 =	vadd.f32 v3, v2;
	_ =	sdelay $0x1  }
0x2b: {  	v3 =	vld [tilespmem:s18+$0x3C00];
	v2 =	vmax.f32 v2, $0.0e+00  }
0x2c: {  	v2 =	vmul.f32 v2, v0  }
0x2d: {  	v0 =	vld [tilespmem:s18+$0x2800]  }
0x2e: {  	v1 =	vadd.f32 v4, v1;
	[tilespmem:s17+$0x5000] =	vst v2;
	s17 =	smov.u32 s18  }
.Ltmp0:
0x2f: {  	v2 =	vld [tilespmem:$0x6400];
	(pc) =	sbr.rel @p0 .LBB2_2-.Ltmp0, $3  }
0x30: {  	v1 =	vadd.f32 v3, v1;
	_ =	sdelay $0x1  }
0x31: {  	s18 =	sshra.s32 s19, $0x2;
	v3 =	vmul.f32 v1, v0  }
0x32: {  	s19 =	sadd.s32 $0x40, s19;
	v1 =	vld [tilespmem:s18+$0x0]  }
0x33: {  	v4 =	vld [tilespmem:s18+$0x1400];
	v2 =	vadd.f32 v3, v2;
	_ =	sdelay $0x1  }
0x34: {  	v62 =	vld [tilespmem:s18+$0x3C00];
	v2 =	vmax.f32 v2, $0.0e+00  }
0x35: {  	v0 =	vmul.f32 v2, v0  }
0x36: {  	v63 =	vld [tilespmem:s18+$0x2800]  }
0x37: {  	v1 =	vadd.f32 v4, v1;
	[tilespmem:s17+$0x5000] =	vst v0  }
0x38: {  	v0 =	vld [tilespmem:$0x6400]  }
0x39: {  	v1 =	vadd.f32 v62, v1;
	_ =	sdelay $0x1  }
0x3a: {  	v1 =	vmul.f32 v1, v63;
	_ =	sdelay $0x1  }
0x3b: {  	v0 =	vadd.f32 v1, v0;
	_ =	sdelay $0x1  }
0x3c: {  	v0 =	vmax.f32 v0, $0.0e+00  }
0x3d: {  	s16 =	sadd.s32 $0x1, s16;
	v0 =	vmul.f32 v0, v63  }
0x3e: {  	p0 =	sne.s32 s16, s8  }
.Ltmp1:
0x3f: {  	[tilespmem:s18+$0x5000] =	vst v0;
	(pc) =	sbr.rel @p0 .LBB2_1-.Ltmp1, $4  }
0x40: {  	[hbm4b:s7+s3] =	stream.linear.scatter [tilespmem:s15], [sflag:$0x1], $0x1400, $0x38;
	[tilespmem:$0x6410] =	vst v63  }
0x41: {  	_ =	swait.ge [sflag:s9], $0x1400  }
0x42: {  	[sflag:s9] =	ssyncset.done $0x0  }
0x43: {  	[sflag:s9] =	ssyncadd.s32 $0xFFFFEC00  }
0x44: {  	_ =	sfence.sel $0x180000  }
0x45: {  	[bflag:$0x0] =	sbarrier.arrive $0xFFFF  }
0x46: {  	p0 =	sne.s32 s0, $0x0;
	_ =	strace $0x90000050  }
0x47: {  	s0 =	sadd.s32 @!p0 $0x100000, s1;
	[bflag:$0x2] =	sbarrier.arrive $0xFFFF  }
0x48: {  	[sflag:s0] =	ssyncadd.tile.s32 @!p0 $0x1;
	_ =	shalt  }
.Lfunc_end2:
_tile_overlayer_lowered:
.L_overlay_start_2:
0x49: {  	(tag) =	ssettag $0x2  }
0x4a: {  	s0 =	rddreg [dreg:$0x0];
	s2 =	stileid.u32  }
0x4b: {  	s1 =	rddreg [dreg:$0x1];
	p0 =	sne.s32 s2, $0x0  }
0x4c: {  	s3 =	rddreg [dreg:$0x2];
	[bflag:$0x3] =	sbarrier.arrive $0xFFFF;
	s2 =	simm.s32 @!p0 $0x1C01  }
0x4d: {  	[timem:s3], [sflag:s2] =	dma.local @!p0 [hbm:s0], s1  }
0x4e: {  	s0 =	simm.s32 @!p0 $0x1  }
0x4f: {  	_ =	swait.ge @!p0 [sflag:s0], s1  }
0x50: {  	s1 =	ssub.s32 @!p0 $0x0, s1;
	[sflag:s0] =	ssyncset.done @!p0 $0x0  }
0x51: {  	[sflag:s0] =	ssyncadd.s32 @!p0 s1  }
0x52: {  	[bflag:$0x3] =	sbarrier.arrive $0xFFFF  }
0x53: {  	_ =	shalt  }

// kernel: kernel.22.cloned.1.call-start
scs
__scs_entry_jumppad:
0x0: {  	(pc) =	sbr.rel $0x88, $3  }
0x1: {  	(tag) =	ssettag $0x0;
	lr =	simm.s32 $0x1  }
0x2: {  	[smem:$0x3F9B] =	sst lr;
	_ =	strace $0xD0000000  }
0x3: {  	_ = 	snop  }
0x4: {  	_ = 	snop  }
0x5: {  	_ = 	snop  }
0x6: {  	_ = 	snop  }
0x7: {  	_ = 	snop  }
__scs_overlays_trampoline_lowered:
0x8: {  	[smem:$0x3FAA] =	sst s0  }
0x9: {  	[smem:$0x3FAB] =	sst s1  }
0xa: {  	[smem:$0x3FAC] =	sst s2  }
0xb: {  	[smem:$0x3FAD] =	sst s3  }
0xc: {  	[smem:$0x3FAE] =	sst s4  }
0xd: {  	[smem:$0x3FAF] =	sst s5  }
0xe: {  	[smem:$0x3FB0] =	sst s6  }
0xf: {  	[smem:$0x3FB1] =	sst s7  }
0x10: {  	[smem:$0x3FB2] =	sst s8  }
0x11: {  	[smem:$0x3FB3] =	sst s9;
	s0 =	simm.s32 @!p0 $0x0  }
0x12: {  	s1 =	sld [smem:$0x3F99];
	s0 =	simm.s32 @p0 $0x1  }
0x13: {  	[smem:$0x3FB4] =	sst s0;
	s0 =	simm.s32 @!p1 $0x0  }
0x14: {  	s2 =	sld [smem:$0x3F98];
	s0 =	simm.s32 @p1 $0x1  }
0x15: {  	[smem:$0x3FB5] =	sst s0;
	s0 =	simm.s32 @!p2 $0x0  }
0x16: {  	s3 =	sld [smem:$0x3FDB];
	s0 =	simm.s32 @p2 $0x1  }
0x17: {  	s4 =	simm.s32 $0x1BF5;
	[smem:$0x3FB7] =	sst s0  }
0x18: {  	s0 =	sld [smem:$0x3F9A];
	_ =	swait.ge [sflag:s4], $0x0  }
0x19: {  	s7 =	sld [smem:$0x3F9B]  }
0x1a: {  	s8 =	sadd.s32 $0xFFFFE003, lr  }
0x1b: {  	s9 =	sadd.s32 $0xFFFFFEF7, lr;
	s5 =	simm.s32 $0xFFFFFFFF;
	p2 =	slt.u32 s8, $0xFFFFF086  }
0x1c: {  	p1 =	slt.u32 s9, $0xF7A;
	s5 =	simm.s32 @!p2 $0x0  }
0x1d: {  	s5 =	simm.s32 @p1 $0x1;
	p0 =	seq.s32 s7, s2  }
0x1e: {  	s7 =	smul.u32 @!p0 $0xF7A, s2;
	p2 =	seq.s32 @!p0 s5, $0x0  }
0x1f: {  	s9 =	smul.u32 $0xF7A, s1;
	s8 =	simm.s32 @!p0 $0x1BF5;
	p2 =	por !p2, p0  }
0x20: {  	[sflag:s8] =	ssyncset.s32 @!p0 $0xFFFFF086;
	s6 =	sadd.s32 @!p0 s3, s7;
	s7 =	simm.s32 @!p0 $0x108  }
0x21: {  	s3 =	sadd.s32 s3, s9;
	s6 =	sadd.s32 @!p0 $0x88, s6;
	s7 =	simm.s32 @p2 $0x1082  }
0x22: {  	[simem:s7], [sflag:s8] =	dma.local @!p0 [hbm:s6], $0xF7A  }
0x23: {  	s9 =	sor.u32 $0xD0000000, s2;
	s6 =	simm.s32 $0x108;
	_ =	swait.ge @!p0 [sflag:s8], $0x0  }
0x24: {  	s3 =	sadd.s32 $0x88, s3;
	s6 =	simm.s32 @!p1 $0x1082;
	[sflag:s4] =	ssyncset.s32 $0xFFFFF086  }
0x25: {  	[simem:s6], [sflag:s4] =	dma.local [hbm:s3], $0xF7A  }
0x26: {  	[smem:$0x3F9B] =	sst s1;
	(tag) =	ssettag s2;
	_ =	strace s9  }
0x27: {  	s1 =	sld [smem:$0x3FAB]  }
0x28: {  	s2 =	sld [smem:$0x3FAC]  }
0x29: {  	s4 =	sld [smem:$0x3FAE]  }
0x2a: {  	p0 =	seq.s32 s5, $0x0;
	s5 =	sld [smem:$0x3FAF]  }
0x2b: {  	s6 =	sld [smem:$0x3FB0]  }
0x2c: {  	s7 =	sld [smem:$0x3FB1]  }
0x2d: {  	s3 =	simm.s32 $0x108;
	s8 =	sld [smem:$0x3FB2]  }
0x2e: {  	s3 =	simm.s32 @!p0 $0x1082;
	s9 =	sld [smem:$0x3FB3]  }
0x2f: {  	lr =	sadd.s32 s0, s3;
	s0 =	sld [smem:$0x3FAA]  }
0x30: {  	s3 =	sld [smem:$0x3FAD]  }
0x31: {  	[smem:$0x3FB6] =	sst s10  }
0x32: {  	s10 =	sld [smem:$0x3FB4];
	_ =	sdelay $0x3  }
0x33: {  	p0 =	seq.s32 s10, $0x1;
	s10 =	sld [smem:$0x3FB6];
	_ =	sdelay $0x3  }
0x34: {  	[smem:$0x3FB6] =	sst s10  }
0x35: {  	s10 =	sld [smem:$0x3FB5];
	_ =	sdelay $0x3  }
0x36: {  	p1 =	seq.s32 s10, $0x1;
	s10 =	sld [smem:$0x3FB6];
	_ =	sdelay $0x3  }
0x37: {  	[smem:$0x3FB6] =	sst s10  }
0x38: {  	s10 =	sld [smem:$0x3FB7]  }
0x39: {  	_ = 	snop;
	(pc) =	sbr.ind lr, $3  }
0x3a: {  	_ = 	snop  }
0x3b: {  	_ = 	snop  }
0x3c: {  	p2 =	seq.s32 s10, $0x1;
	s10 =	sld [smem:$0x3FB6]  }
0x3d: {  	_ =	shalt  }
0x3e: {  	_ =	shalt  }
0x3f: {  	_ =	shalt  }
0x40: {  	_ =	shalt  }
0x41: {  	_ =	shalt  }
0x42: {  	_ =	shalt  }
0x43: {  	_ =	shalt  }
0x44: {  	_ =	shalt  }
0x45: {  	_ =	shalt  }
0x46: {  	_ =	shalt  }
0x47: {  	_ =	shalt  }
0x48: {  	_ =	shalt  }
0x49: {  	_ =	shalt  }
0x4a: {  	_ =	shalt  }
0x4b: {  	_ =	shalt  }
0x4c: {  	_ =	shalt  }
0x4d: {  	_ =	shalt  }
0x4e: {  	_ =	shalt  }
0x4f: {  	_ =	shalt  }
0x50: {  	_ =	shalt  }
0x51: {  	_ =	shalt  }
0x52: {  	_ =	shalt  }
0x53: {  	_ =	shalt  }
0x54: {  	_ =	shalt  }
0x55: {  	_ =	shalt  }
0x56: {  	_ =	shalt  }
0x57: {  	_ =	shalt  }
0x58: {  	_ =	shalt  }
0x59: {  	_ =	shalt  }
0x5a: {  	_ =	shalt  }
0x5b: {  	_ =	shalt  }
0x5c: {  	_ =	shalt  }
0x5d: {  	_ =	shalt  }
0x5e: {  	_ =	shalt  }
0x5f: {  	_ =	shalt  }
0x60: {  	_ =	shalt  }
0x61: {  	_ =	shalt  }
0x62: {  	_ =	shalt  }
0x63: {  	_ =	shalt  }
0x64: {  	_ =	shalt  }
0x65: {  	_ =	shalt  }
0x66: {  	_ =	shalt  }
0x67: {  	_ =	shalt  }
0x68: {  	_ =	shalt  }
0x69: {  	_ =	shalt  }
0x6a: {  	_ =	shalt  }
0x6b: {  	_ =	shalt  }
0x6c: {  	_ =	shalt  }
0x6d: {  	_ =	shalt  }
0x6e: {  	_ =	shalt  }
0x6f: {  	_ =	shalt  }
0x70: {  	_ =	shalt  }
0x71: {  	_ =	shalt  }
0x72: {  	_ =	shalt  }
0x73: {  	_ =	shalt  }
0x74: {  	_ =	shalt  }
0x75: {  	_ =	shalt  }
0x76: {  	_ =	shalt  }
0x77: {  	_ =	shalt  }
0x78: {  	_ =	shalt  }
0x79: {  	_ =	shalt  }
0x7a: {  	_ =	shalt  }
0x7b: {  	_ =	shalt  }
0x7c: {  	_ =	shalt  }
0x7d: {  	_ =	shalt  }
0x7e: {  	_ =	shalt  }
0x7f: {  	_ =	shalt  }
0x80: {  	_ =	shalt  }
0x81: {  	_ =	shalt  }
0x82: {  	_ =	shalt  }
0x83: {  	_ =	shalt  }
0x84: {  	_ =	shalt  }
0x85: {  	_ =	shalt  }
0x86: {  	_ =	shalt  }
0x87: {  	_ =	shalt  }
.Lfunc_end0:
.L_simem_size_0:
called_computation.4_lowered:
.L_overlay_start_0:
0x88: {  	s2 =	sld [smem:$0x3FD9]  }
0x89: {  	s3 =	sld [smem:$0x3FFE];
	_ =	sdelay $0x1  }
0x8a: {  	s1 =	srdreg.scid  }
0x8b: {  	s0 =	sand.u32 $0x1, s1  }
0x8c: {  	s17 =	sshll.u32 s0, $0xA;
	s2 =	sadd.s32 s3, s2  }
0x8d: {  	s2 =	sadd.s32 s2, s17  }
0x8e: {  	[smem:$0x3FC2] =	sst s2  }
0x8f: {  	_ = 	snop  }
0x90: {  	s2 =	sld [smem:$0x3FD0];
	(tm) =	ssettm $0x1  }
0x91: {  	s18 =	sld [smem:$0x3FFB];
	_ =	sdelay $0x3  }
0x92: {  	_ =	strace s18  }
0x93: {  	s3 =	sld [smem:$0x3FFC];
	_ =	sdelay $0x3  }
0x94: {  	_ =	strace s3  }
0x95: {  	s3 =	sld [smem:$0x3FFD];
	_ =	sdelay $0x3  }
0x96: {  	_ =	strace s3  }
0x97: {  	_ =	strace $0x8FFFFFFF  }
0x98: {  	s19 =	sld [smem:$0x3FDB];
	_ =	sdelay $0x1  }
0x99: {  	s4 =	simm.s32 $_scs_section_size  }
0x9a: {  	s5 =	simm.s32 $_size__tile_overlayer_lowered;
	s6 =	simm.s32 $_tile_overlayer_lowered  }
0x9b: {  	s22 =	simm.s32 $0x1BFF;
	s21 =	sshll.u32 s6, $0x1;
	s3 =	sadd.s32 s4, s19  }
0x9c: {  	s7 =	simm.s32 $0x0;
	s20 =	sshll.u32 s5, $0x1;
	s5 =	sadd.s32 s21, s3  }
0x9d: {  	[timem:s7], [sflag:s22] =	dma.local [hbm:s5], s20  }
0x9e: {  	_ =	swait.ge [sflag:s22], s20  }
0x9f: {  	s4 =	ssub.s32 $0x0, s20;
	[sflag:s22] =	ssyncset.done $0x0  }
0xa0: {  	[sflag:s22] =	ssyncadd.s32 s4;
	_ =	sdelay $0x1  }
0xa1: {  	s23 =	simm.s32 $0x1B8B  }
0xa2: {  	_ =	swait.ge [sflag:s23], $0x1  }
0xa3: {  	[sflag:s23] =	ssyncset.done $0x0  }
0xa4: {  	s25 =	simm.s32 $0x1B8E;
	s24 =	sld [smem:$0x3FFE];
	[sflag:s23] =	ssyncadd.s32 $0xFFFFFFFF  }
0xa5: {  	s26 =	simm.s32 $execute0_lowered;
	[smem:$0x3FD2] =	sst s25  }
0xa6: {  	s5 =	sshll.u32 s26, $0x1;
	_ =	strace $0x80000052;
	[dreg:$0x1] =	wrdreg $0xFFFFFFFF  }
0xa7: {  	s28 =	simm.s32 $_size_execute0_lowered;
	s3 =	sadd.s32 s3, s5;
	[dreg:$0x0] =	wrdreg $0x0  }
0xa8: {  	s5 =	sshll.u32 s28, $0x1;
	[dreg:$0x2] =	wrdreg s3  }
0xa9: {  	[dreg:$0x3] =	wrdreg s5  }
0xaa: {  	[dreg:$0x4] =	wrdreg $0xC0  }
0xab: {  	_ =	task [dreg:s7], $0x5FFFF  }
0xac: {  	[dreg:$0x1] =	wrdreg $0xFFFFFFFF  }
0xad: {  	[dreg:$0x0] =	wrdreg $0x60  }
0xae: {  	[dreg:$0x2] =	wrdreg s24  }
0xaf: {  	[dreg:$0x3] =	wrdreg s2  }
0xb0: {  	[dreg:$0x4] =	wrdreg $0x66800  }
0xb1: {  	[dreg:$0x5] =	wrdreg $0x9  }
0xb2: {  	_ =	task.clear_ibuf [dreg:s7], $0x6FFFF;
	_ =	strace $0x90000052  }
0xb3: {  	s29 =	simm.s32 $0x9;
	_ =	strace $0x80000054  }
0xb4: {  	_ =	swait.ge [sflag:s29], $0x1  }
0xb5: {  	[sflag:s29] =	ssyncadd.s32 $0xFFFFFFFF  }
0xb6: {  	_ =	strace $0x90000054  }
0xb7: {  	_ =	sfence  }
0xb8: {  	s30 =	sld [smem:$0x0];
	_ =	sdelay $0x2  }
0xb9: {  	s31 =	sshll.u32 s1, $0xD;
	s1 =	sshrl.u32 s1, $0x2  }
0xba: {  	s3 =	sand.u32 $0x4000, s31;
	s1 =	sadd.s32 s1, s30  }
0xbb: {  	s0 =	sor.u32 s3, s0;
	s1 =	sshll.u32 s1, $0x11  }
0xbc: {  	s0 =	sor.u32 s1, s0  }
0xbd: {  	s0 =	sadd.s32 $0x8F2B, s0  }
0xbe: {  	[sflag:s0] =	ssyncadd.remote.s32 $0x1  }
0xbf: {  	_ =	sfence.sel $0xFFFF  }
0xc0: {  	[dreg:$0x0] =	wrdreg $0xFFFFFFFF;
	(pc) =	sbr.abs _section_cstart, $3  }
0xc1: {  	[dreg:$0x1] =	wrdreg $0xFFFFFFFF  }
0xc2: {  	_ =	task.clear_ibuf [dreg:s7], $0x2FFFF;
	_ =	strace $0x9FFFFFFF  }
0xc3: {  	(tm) =	ssettm $0x7FFFFFFF  }
tec
execute0_lowered:
.L_overlay_start_1:
0x0: {  	(tag) =	ssettag $0x1  }
0x1: {  	s0 =	srdreg.scid;
	s1 =	rddreg [dreg:$0x0]  }
0x2: {  	s3 =	rddreg [dreg:$0x1];
	s10 =	stileid.u32  }
0x3: {  	s2 =	rddreg [dreg:$0x2];
	s5 =	simm.s32 $0x0;
	s13 =	simm.s32 $0x7D  }
0x4: {  	s14 =	simm.s32 $0x2800;
	s16 =	simm.s32 $0x2FD0;
	s18 =	simm.s32 $0x37A0  }
0x5: {  	s20 =	simm.s32 $0x3F70;
	s21 =	simm.s32 $0x1;
	s28 =	simm.s32 $0x4F10  }
0x6: {  	s29 =	simm.s32 $0x3;
	s30 =	simm.s32 $0xB;
	s31 =	simm.s32 $0x56E0  }
0x7: {  	s12 =	simm.s32 $0x5EB0;
	s15 =	simm.s32 $0x5;
	s17 =	simm.s32 $0xD  }
0x8: {  	s19 =	simm.s32 $0x7;
	s11 =	simm.s32 $0x0;
	s0 =	sand.u32 $0x1, s0  }
0x9: {  	[smem:$0x7FF] =	sst s5;
	s22 =	smul.u32 $0x2800, s10;
	s23 =	sshll.u32 s10, $0x6  }
0xa: {  	s4 =	sshll.u32 s0, $0x4;
	_ =	strace $0x80000053;
	s7 =	ssub.s32 $0x2, s0  }
0xb: {  	s0 =	smul.u32 $0x5000, s0;
	s4 =	sor.u32 s10, s4;
	s8 =	sshrl.u32 s22, $0x3  }
0xc: {  	s9 =	sshrl.u32 s7, $0x1;
	s5 =	sadd.s32 s22, s2;
	s10 =	simm.s32 $0x11  }
0xd: {  	s22 =	simm.s32 $0x9;
	s4 =	smul.u32 $0x280, s4;
	s7 =	ssub.s32 s7, s9  }
0xe: {  	s9 =	sor.u32 $0x1C11, s23;
	s0 =	sadd.s32 s3, s0;
	s23 =	simm.s32 $0x4740  }
0xf: {  	s26 =	smax.u32 s7, $0x1;
	s0 =	sadd.s32 s8, s0;
	[dreg:$0x5] =	wrdreg s9  }
0x10: {  	s7 =	simm.s32 $0x8;
	s6 =	sadd.s32 s4, s1;
	[dreg:$0x8] =	wrdreg s26  }
0x11: {  	s4 =	sadd.s32 $0xBE00, s1;
	s1 =	sadd.s32 s8, s1;
	[dreg:$0xa] =	wrdreg s0  }
.Ltmp0:
0x12: {  	s26 =	simm.s32 $0xA;
	s1 =	sadd.s32 $0x6E00, s1;
	(pc) =	sbr.rel .LBB2_1-.Ltmp0, $4  }
0x13: {  	s0 =	simm.s32 $0xC;
	s24 =	sadd.s32 $0x1AE00, s6;
	[dreg:$0x4] =	wrdreg s1  }
0x14: {  	s8 =	simm.s32 $0x10;
	s25 =	sadd.s32 $0x1C00, s6;
	[dreg:$0x6] =	wrdreg s24  }
0x15: {  	s6 =	sshrl.u32 s5, $0x3;
	s5 =	simm.s32 $0xF;
	[dreg:$0x7] =	wrdreg s25  }
0x16: {  	s25 =	simm.s32 $0x2;
	s1 =	simm.s32 $0x4;
	[dreg:$0x9] =	wrdreg s6  }
.LBB2_4:
0x17: {  	_ =	swait.ge [sflag:s7], $0x7D0  }
0x18: {  	[sflag:s7] =	ssyncset.done $0x0  }
0x19: {  	[sflag:s7] =	ssyncadd.s32 $0xFFFFF830  }
0x1a: {  	[spmem:s2] =	stream.indirect.scatter.add.f32 [tilespmem:s12], [sflag:$0x10], $0x10, s6, s13, $0xb8;
	[tilespmem:$0x8E80] =	vst v63  }
0x1b: {  	_ =	swait.ge [sflag:s8], $0x7D0  }
0x1c: {  	[sflag:s8] =	ssyncset.done $0x0  }
0x1d: {  	[sflag:s8] =	ssyncadd.s32 $0xFFFFF830  }
0x1e: {  	[bflag:$0x0] =	sbarrier.arrive $0xFFFF  }
0x1f: {  	s9 =	rddreg [dreg:$0x5]  }
0x20: {  	s6 =	rddreg [dreg:$0x9]  }
0x21: {  	s10 =	simm.s32 $0x11;
	s3 =	rddreg [dreg:$0xa]  }
0x22: {  	[hbm:s3], [sflag:s9] =	dma.local [spmem:s6], $0x500  }
0x23: {  	_ =	swait.ge [sflag:s10], $0x500  }
0x24: {  	s11 =	rddreg [dreg:$0xb]  }
0x25: {  	s24 =	rddreg [dreg:$0x8];
	s11 =	sadd.s32 $0x1, s11  }
0x26: {  	p0 =	sne.s32 s11, s24  }
.Ltmp1:
0x27: {  	_ = 	snop;
	(pc) =	sbr.rel @!p0 .LBB2_5-.Ltmp1, $3  }
0x28: {  	_ =	sdelay $0x1  }
0x29: {  	[sflag:s10] =	ssyncset.done $0x0  }
0x2a: {  	[sflag:s10] =	ssyncadd.s32 $0xFFFFFB00  }
.LBB2_1:
0x2b: {  	[dreg:$0xb] =	wrdreg s11  }
0x2c: {  	s3 =	rddreg [dreg:$0x4]  }
0x2d: {  	[spmem:s6], [sflag:s9] =	dma.local [hbm:s3], $0x500  }
0x2e: {  	_ =	swait.ge [sflag:s10], $0x500  }
0x2f: {  	[sflag:s10] =	ssyncset.done $0x0  }
0x30: {  	s3 =	simm.s32 $0x0;
	s9 =	rddreg [dreg:$0x6];
	[sflag:s10] =	ssyncadd.s32 $0xFFFFFB00  }
0x31: {  	[tilespmem:s3], [sflag:$0x11] =	stream.linear.gather [hbm4b:s9+s3], $0x1400, $0x38;
	[tilespmem:$0x8E80] =	vst v63  }
0x32: {  	_ =	swait.ge [sflag:s10], $0x1400  }
0x33: {  	[sflag:s10] =	ssyncset.done $0x0  }
0x34: {  	s24 =	simm.s32 $0x1400;
	s11 =	rddreg [dreg:$0x7];
	[sflag:s10] =	ssyncadd.s32 $0xFFFFEC00  }
0x35: {  	[tilespmem:s24], [sflag:$0x11] =	stream.linear.gather [hbm4b:s11+s3], $0x1400, $0x38;
	[tilespmem:$0x8E80] =	vst v63  }
0x36: {  	_ =	swait.ge [sflag:s10], $0x1400  }
0x37: {  	[sflag:s10] =	ssyncset.done $0x0  }
0x38: {  	[sflag:s10] =	ssyncadd.s32 $0xFFFFEC00  }
0x39: {  	[bflag:$0x0] =	sbarrier.arrive $0xFFFF  }
0x3a: {  	[tilespmem:s14], [sflag:$0x1] =	stream.indirect.gather [hbm4b:s4+s13], $0x10, s3, s13, $0xb8;
	[tilespmem:$0x8E80] =	vst v63  }
0x3b: {  	s10 =	simm.s32 $0x80  }
0x3c: {  	[tilespmem:s16], [sflag:$0x2] =	stream.indirect.gather [hbm4b:s4+s13], $0x10, s10, s13, $0xb8;
	[tilespmem:$0x8E80] =	vst v63  }
0x3d: {  	s11 =	simm.s32 $0x100  }
0x3e: {  	[tilespmem:s18], [sflag:$0x3] =	stream.indirect.gather [hbm4b:s4+s13], $0x10, s11, s13, $0xb8;
	[tilespmem:$0x8E80] =	vst v63  }
0x3f: {  	s24 =	simm.s32 $0x180  }
0x40: {  	[tilespmem:s20], [sflag:$0x4] =	stream.indirect.gather [hbm4b:s4+s13], $0x10, s24, s13, $0xb8;
	[tilespmem:$0x8E80] =	vst v63  }
0x41: {  	s24 =	simm.s32 $0x0  }
.LBB2_2:
0x42: {  	_ =	swait.ge [sflag:s21], $0x7D0  }
0x43: {  	s3 =	sshra.s32 s24, $0x2;
	[sflag:s21] =	ssyncset.done $0x0  }
0x44: {  	s6 =	sadd.s32 $0x1400, s3;
	[sflag:s21] =	ssyncadd.s32 $0xFFFFF830  }
0x45: {  	[spmem:s2] =	stream.indirect.scatter.add.f32 [tilespmem:s14], [sflag:$0x9], $0x10, s6, s13, $0xb8;
	[tilespmem:$0x8E80] =	vst v63  }
0x46: {  	_ =	swait.ge [sflag:s22], $0x7D0  }
0x47: {  	[sflag:s22] =	ssyncset.done $0x0  }
0x48: {  	s9 =	sadd.s32 $0x200, s3;
	[sflag:s22] =	ssyncadd.s32 $0xFFFFF830  }
0x49: {  	[tilespmem:s23], [sflag:$0x5] =	stream.indirect.gather [hbm4b:s4+s13], $0x10, s9, s13, $0xb8;
	[tilespmem:$0x8E80] =	vst v63  }
0x4a: {  	_ =	swait.ge [sflag:s25], $0x7D0  }
0x4b: {  	[sflag:s25] =	ssyncset.done $0x0  }
0x4c: {  	s10 =	sadd.s32 $0x1480, s3;
	[sflag:s25] =	ssyncadd.s32 $0xFFFFF830  }
0x4d: {  	[spmem:s2] =	stream.indirect.scatter.add.f32 [tilespmem:s16], [sflag:$0xA], $0x10, s10, s13, $0xb8;
	[tilespmem:$0x8E80] =	vst v63  }
0x4e: {  	_ =	swait.ge [sflag:s26], $0x7D0  }
0x4f: {  	[sflag:s26] =	ssyncset.done $0x0  }
0x50: {  	s11 =	sadd.s32 $0x280, s3;
	[sflag:s26] =	ssyncadd.s32 $0xFFFFF830  }
0x51: {  	[tilespmem:s28], [sflag:$0x6] =	stream.indirect.gather [hbm4b:s4+s13], $0x10, s11, s13, $0xb8;
	[tilespmem:$0x8E80] =	vst v63  }
0x52: {  	_ =	swait.ge [sflag:s29], $0x7D0  }
0x53: {  	[sflag:s29] =	ssyncset.done $0x0  }
0x54: {  	s9 =	sadd.s32 $0x1500, s3;
	[sflag:s29] =	ssyncadd.s32 $0xFFFFF830  }
0x55: {  	[spmem:s2] =	stream.indirect.scatter.add.f32 [tilespmem:s18], [sflag:$0xB], $0x10, s9, s13, $0xb8;
	[tilespmem:$0x8E80] =	vst v63  }
0x56: {  	_ =	swait.ge [sflag:s30], $0x7D0  }
0x57: {  	[sflag:s30] =	ssyncset.done $0x0  }
0x58: {  	s10 =	sadd.s32 $0x300, s3;
	[sflag:s30] =	ssyncadd.s32 $0xFFFFF830  }
0x59: {  	[tilespmem:s31], [sflag:$0x7] =	stream.indirect.gather [hbm4b:s4+s13], $0x10, s10, s13, $0xb8;
	[tilespmem:$0x8E80] =	vst v63  }
0x5a: {  	_ =	swait.ge [sflag:s1], $0x7D0  }
0x5b: {  	[sflag:s1] =	ssyncset.done $0x0  }
0x5c: {  	s11 =	sadd.s32 $0x1580, s3;
	[sflag:s1] =	ssyncadd.s32 $0xFFFFF830  }
0x5d: {  	[spmem:s2] =	stream.indirect.scatter.add.f32 [tilespmem:s20], [sflag:$0xC], $0x10, s11, s13, $0xb8;
	[tilespmem:$0x8E80] =	vst v63  }
0x5e: {  	_ =	swait.ge [sflag:s0], $0x7D0  }
0x5f: {  	[sflag:s0] =	ssyncset.done $0x0  }
0x60: {  	s9 =	sadd.s32 $0x380, s3;
	[sflag:s0] =	ssyncadd.s32 $0xFFFFF830  }
0x61: {  	[tilespmem:s12], [sflag:$0x8] =	stream.indirect.gather [hbm4b:s4+s13], $0x10, s9, s13, $0xb8;
	[tilespmem:$0x8E80] =	vst v63  }
0x62: {  	_ =	swait.ge [sflag:s15], $0x7D0  }
0x63: {  	[sflag:s15] =	ssyncset.done $0x0  }
0x64: {  	s10 =	sadd.s32 $0x1600, s3;
	[sflag:s15] =	ssyncadd.s32 $0xFFFFF830  }
0x65: {  	[spmem:s2] =	stream.indirect.scatter.add.f32 [tilespmem:s23], [sflag:$0xD], $0x10, s10, s13, $0xb8;
	[tilespmem:$0x8E80] =	vst v63  }
0x66: {  	_ =	swait.ge [sflag:s17], $0x7D0  }
0x67: {  	p0 =	seq.s32 s24, $0x4000;
	[sflag:s17] =	ssyncset.done $0x0  }
0x68: {  	s6 =	simm.s32 @p0 $0x6;
	[sflag:s17] =	ssyncadd.s32 $0xFFFFF830  }
0x69: {  	_ =	swait.ge @p0 [sflag:s6], $0x7D0  }
0x6a: {  	[sflag:s6] =	ssyncset.done @p0 $0x0  }
0x6b: {  	[sflag:s6] =	ssyncadd.s32 @p0 $0xFFFFF830;
	s6 =	sshra.s32 @p0 s24, $0x2  }
0x6c: {  	s11 =	simm.s32 @p0 $0x4F10;
	s10 =	simm.s32 @p0 $0x7D;
	s6 =	sadd.s32 @p0 $0x1680, s6  }
0x6d: {  	[spmem:s2] =	stream.indirect.scatter.add.f32 @p0 [tilespmem:s11], [sflag:$0xE], $0x10, s6, s10, $0xb8;
	[tilespmem:$0x8E80] =	vst v63  }
0x6e: {  	s6 =	simm.s32 @p0 $0xE  }
0x6f: {  	_ =	swait.ge @p0 [sflag:s6], $0x7D0  }
0x70: {  	[sflag:s6] =	ssyncset.done @p0 $0x0  }
0x71: {  	[sflag:s6] =	ssyncadd.s32 @p0 $0xFFFFF830;
	s6 =	sshra.s32 @!p0 s24, $0x2  }
0x72: {  	s9 =	simm.s32 @!p0 $0x2800;
	s11 =	simm.s32 @!p0 $0x7D;
	s10 =	sadd.s32 @!p0 $0x400, s6  }
0x73: {  	[tilespmem:s9], [sflag:$0x1] =	stream.indirect.gather @!p0 [hbm4b:s4+s11], $0x10, s10, s11, $0xb8;
	[tilespmem:$0x8E80] =	vst v63  }
0x74: {  	s9 =	simm.s32 @!p0 $0x6  }
0x75: {  	_ =	swait.ge @!p0 [sflag:s9], $0x7D0  }
0x76: {  	[sflag:s9] =	ssyncset.done @!p0 $0x0  }
0x77: {  	s10 =	simm.s32 @!p0 $0x4F10;
	[sflag:s9] =	ssyncadd.s32 @!p0 $0xFFFFF830;
	s9 =	sadd.s32 @!p0 $0x1680, s6  }
0x78: {  	[spmem:s2] =	stream.indirect.scatter.add.f32 @!p0 [tilespmem:s10], [sflag:$0xE], $0x10, s9, s11, $0xb8;
	[tilespmem:$0x8E80] =	vst v63  }
0x79: {  	s9 =	simm.s32 @!p0 $0xE  }
0x7a: {  	_ =	swait.ge @!p0 [sflag:s9], $0x7D0  }
0x7b: {  	[sflag:s9] =	ssyncset.done @!p0 $0x0  }
0x7c: {  	s6 =	sadd.s32 @!p0 $0x480, s6;
	[sflag:s9] =	ssyncadd.s32 @!p0 $0xFFFFF830;
	s9 =	simm.s32 @!p0 $0x2FD0  }
0x7d: {  	[tilespmem:s9], [sflag:$0x2] =	stream.indirect.gather @!p0 [hbm4b:s4+s11], $0x10, s6, s11, $0xb8;
	[tilespmem:$0x8E80] =	vst v63  }
0x7e: {  	_ =	swait.ge [sflag:s19], $0x7D0  }
0x7f: {  	[sflag:s19] =	ssyncset.done $0x0  }
.Ltmp2:
0x80: {  	s11 =	sadd.s32 $0x1700, s3;
	[sflag:s19] =	ssyncadd.s32 $0xFFFFF830;
	(pc) =	sbr.rel @p0 .LBB2_4-.Ltmp2, $4  }
0x81: {  	[spmem:s2] =	stream.indirect.scatter.add.f32 [tilespmem:s31], [sflag:$0xF], $0x10, s11, s13, $0xb8;
	[tilespmem:$0x8E80] =	vst v63  }
0x82: {  	_ =	swait.ge [sflag:s5], $0x7D0  }
0x83: {  	[sflag:s5] =	ssyncset.done $0x0  }
0x84: {  	s6 =	sadd.s32 $0x1780, s3;
	[sflag:s5] =	ssyncadd.s32 $0xFFFFF830  }
0x85: {  	s9 =	sadd.s32 $0x500, s3  }
0x86: {  	[tilespmem:s18], [sflag:$0x3] =	stream.indirect.gather [hbm4b:s4+s13], $0x10, s9, s13, $0xb8;
	[tilespmem:$0x8E80] =	vst v63  }
0x87: {  	_ =	swait.ge [sflag:s7], $0x7D0  }
0x88: {  	[sflag:s7] =	ssyncset.done $0x0  }
0x89: {  	[sflag:s7] =	ssyncadd.s32 $0xFFFFF830  }
0x8a: {  	[spmem:s2] =	stream.indirect.scatter.add.f32 [tilespmem:s12], [sflag:$0x10], $0x10, s6, s13, $0xb8;
	[tilespmem:$0x8E80] =	vst v63  }
.Ltmp3:
0x8b: {  	_ = 	snop;
	(pc) =	sbr.rel .LBB2_2-.Ltmp3, $4  }
0x8c: {  	_ =	swait.ge [sflag:s8], $0x7D0  }
0x8d: {  	[sflag:s8] =	ssyncset.done $0x0  }
0x8e: {  	s11 =	sadd.s32 $0x580, s3;
	s24 =	sadd.s32 $0x1000, s24;
	[sflag:s8] =	ssyncadd.s32 $0xFFFFF830  }
0x8f: {  	[tilespmem:s20], [sflag:$0x4] =	stream.indirect.gather [hbm4b:s4+s13], $0x10, s11, s13, $0xb8;
	[tilespmem:$0x8E80] =	vst v63  }
.LBB2_5:
0x90: {  	_ =	sfence.sel $0x180000  }
0x91: {  	[bflag:$0x0] =	sbarrier.arrive $0xFFFF  }
0x92: {  	_ =	strace $0x90000053  }
0x93: {  	s0 =	stileid.u32;
	[bflag:$0x2] =	sbarrier.arrive $0xFFFF  }
0x94: {  	p0 =	sne.s32 s0, $0x0;
	s0 =	rddreg [dreg:$0x3]  }
0x95: {  	s0 =	sadd.s32 @!p0 $0x100000, s0  }
0x96: {  	[sflag:s0] =	ssyncadd.tile.s32 @!p0 $0x1;
	_ =	shalt  }
.Lfunc_end2:
_tile_overlayer_lowered:
.L_overlay_start_2:
0x97: {  	(tag) =	ssettag $0x2  }
0x98: {  	s0 =	rddreg [dreg:$0x0];
	s2 =	stileid.u32  }
0x99: {  	s1 =	rddreg [dreg:$0x1];
	p0 =	sne.s32 s2, $0x0  }
0x9a: {  	s3 =	rddreg [dreg:$0x2];
	[bflag:$0x3] =	sbarrier.arrive $0xFFFF;
	s2 =	simm.s32 @!p0 $0x1C11  }
0x9b: {  	[timem:s3], [sflag:s2] =	dma.local @!p0 [hbm:s0], s1  }
0x9c: {  	s0 =	simm.s32 @!p0 $0x11  }
0x9d: {  	_ =	swait.ge @!p0 [sflag:s0], s1  }
0x9e: {  	s1 =	ssub.s32 @!p0 $0x0, s1;
	[sflag:s0] =	ssyncset.done @!p0 $0x0  }
0x9f: {  	[sflag:s0] =	ssyncadd.s32 @!p0 s1  }
0xa0: {  	[bflag:$0x3] =	sbarrier.arrive $0xFFFF  }
0xa1: {  	_ =	shalt  }

// kernel: kernel.25.cloned.1.call-start
scs
__scs_entry_jumppad:
0x0: {  	(pc) =	sbr.rel $0x88, $3  }
0x1: {  	(tag) =	ssettag $0x0;
	lr =	simm.s32 $0x1  }
0x2: {  	[smem:$0x3F9B] =	sst lr;
	_ =	strace $0xD0000000  }
0x3: {  	_ = 	snop  }
0x4: {  	_ = 	snop  }
0x5: {  	_ = 	snop  }
0x6: {  	_ = 	snop  }
0x7: {  	_ = 	snop  }
__scs_overlays_trampoline_lowered:
0x8: {  	[smem:$0x3FAA] =	sst s0  }
0x9: {  	[smem:$0x3FAB] =	sst s1  }
0xa: {  	[smem:$0x3FAC] =	sst s2  }
0xb: {  	[smem:$0x3FAD] =	sst s3  }
0xc: {  	[smem:$0x3FAE] =	sst s4  }
0xd: {  	[smem:$0x3FAF] =	sst s5  }
0xe: {  	[smem:$0x3FB0] =	sst s6  }
0xf: {  	[smem:$0x3FB1] =	sst s7  }
0x10: {  	[smem:$0x3FB2] =	sst s8  }
0x11: {  	[smem:$0x3FB3] =	sst s9;
	s0 =	simm.s32 @!p0 $0x0  }
0x12: {  	s1 =	sld [smem:$0x3F99];
	s0 =	simm.s32 @p0 $0x1  }
0x13: {  	[smem:$0x3FB4] =	sst s0;
	s0 =	simm.s32 @!p1 $0x0  }
0x14: {  	s2 =	sld [smem:$0x3F98];
	s0 =	simm.s32 @p1 $0x1  }
0x15: {  	[smem:$0x3FB5] =	sst s0;
	s0 =	simm.s32 @!p2 $0x0  }
0x16: {  	s3 =	sld [smem:$0x3FDB];
	s0 =	simm.s32 @p2 $0x1  }
0x17: {  	s4 =	simm.s32 $0x1BF5;
	[smem:$0x3FB7] =	sst s0  }
0x18: {  	s0 =	sld [smem:$0x3F9A];
	_ =	swait.ge [sflag:s4], $0x0  }
0x19: {  	s7 =	sld [smem:$0x3F9B]  }
0x1a: {  	s8 =	sadd.s32 $0xFFFFE003, lr  }
0x1b: {  	s9 =	sadd.s32 $0xFFFFFEF7, lr;
	s5 =	simm.s32 $0xFFFFFFFF;
	p2 =	slt.u32 s8, $0xFFFFF086  }
0x1c: {  	p1 =	slt.u32 s9, $0xF7A;
	s5 =	simm.s32 @!p2 $0x0  }
0x1d: {  	s5 =	simm.s32 @p1 $0x1;
	p0 =	seq.s32 s7, s2  }
0x1e: {  	s7 =	smul.u32 @!p0 $0xF7A, s2;
	p2 =	seq.s32 @!p0 s5, $0x0  }
0x1f: {  	s9 =	smul.u32 $0xF7A, s1;
	s8 =	simm.s32 @!p0 $0x1BF5;
	p2 =	por !p2, p0  }
0x20: {  	[sflag:s8] =	ssyncset.s32 @!p0 $0xFFFFF086;
	s6 =	sadd.s32 @!p0 s3, s7;
	s7 =	simm.s32 @!p0 $0x108  }
0x21: {  	s3 =	sadd.s32 s3, s9;
	s6 =	sadd.s32 @!p0 $0x88, s6;
	s7 =	simm.s32 @p2 $0x1082  }
0x22: {  	[simem:s7], [sflag:s8] =	dma.local @!p0 [hbm:s6], $0xF7A  }
0x23: {  	s9 =	sor.u32 $0xD0000000, s2;
	s6 =	simm.s32 $0x108;
	_ =	swait.ge @!p0 [sflag:s8], $0x0  }
0x24: {  	s3 =	sadd.s32 $0x88, s3;
	s6 =	simm.s32 @!p1 $0x1082;
	[sflag:s4] =	ssyncset.s32 $0xFFFFF086  }
0x25: {  	[simem:s6], [sflag:s4] =	dma.local [hbm:s3], $0xF7A  }
0x26: {  	[smem:$0x3F9B] =	sst s1;
	(tag) =	ssettag s2;
	_ =	strace s9  }
0x27: {  	s1 =	sld [smem:$0x3FAB]  }
0x28: {  	s2 =	sld [smem:$0x3FAC]  }
0x29: {  	s4 =	sld [smem:$0x3FAE]  }
0x2a: {  	p0 =	seq.s32 s5, $0x0;
	s5 =	sld [smem:$0x3FAF]  }
0x2b: {  	s6 =	sld [smem:$0x3FB0]  }
0x2c: {  	s7 =	sld [smem:$0x3FB1]  }
0x2d: {  	s3 =	simm.s32 $0x108;
	s8 =	sld [smem:$0x3FB2]  }
0x2e: {  	s3 =	simm.s32 @!p0 $0x1082;
	s9 =	sld [smem:$0x3FB3]  }
0x2f: {  	lr =	sadd.s32 s0, s3;
	s0 =	sld [smem:$0x3FAA]  }
0x30: {  	s3 =	sld [smem:$0x3FAD]  }
0x31: {  	[smem:$0x3FB6] =	sst s10  }
0x32: {  	s10 =	sld [smem:$0x3FB4];
	_ =	sdelay $0x3  }
0x33: {  	p0 =	seq.s32 s10, $0x1;
	s10 =	sld [smem:$0x3FB6];
	_ =	sdelay $0x3  }
0x34: {  	[smem:$0x3FB6] =	sst s10  }
0x35: {  	s10 =	sld [smem:$0x3FB5];
	_ =	sdelay $0x3  }
0x36: {  	p1 =	seq.s32 s10, $0x1;
	s10 =	sld [smem:$0x3FB6];
	_ =	sdelay $0x3  }
0x37: {  	[smem:$0x3FB6] =	sst s10  }
0x38: {  	s10 =	sld [smem:$0x3FB7]  }
0x39: {  	_ = 	snop;
	(pc) =	sbr.ind lr, $3  }
0x3a: {  	_ = 	snop  }
0x3b: {  	_ = 	snop  }
0x3c: {  	p2 =	seq.s32 s10, $0x1;
	s10 =	sld [smem:$0x3FB6]  }
0x3d: {  	_ =	shalt  }
0x3e: {  	_ =	shalt  }
0x3f: {  	_ =	shalt  }
0x40: {  	_ =	shalt  }
0x41: {  	_ =	shalt  }
0x42: {  	_ =	shalt  }
0x43: {  	_ =	shalt  }
0x44: {  	_ =	shalt  }
0x45: {  	_ =	shalt  }
0x46: {  	_ =	shalt  }
0x47: {  	_ =	shalt  }
0x48: {  	_ =	shalt  }
0x49: {  	_ =	shalt  }
0x4a: {  	_ =	shalt  }
0x4b: {  	_ =	shalt  }
0x4c: {  	_ =	shalt  }
0x4d: {  	_ =	shalt  }
0x4e: {  	_ =	shalt  }
0x4f: {  	_ =	shalt  }
0x50: {  	_ =	shalt  }
0x51: {  	_ =	shalt  }
0x52: {  	_ =	shalt  }
0x53: {  	_ =	shalt  }
0x54: {  	_ =	shalt  }
0x55: {  	_ =	shalt  }
0x56: {  	_ =	shalt  }
0x57: {  	_ =	shalt  }
0x58: {  	_ =	shalt  }
0x59: {  	_ =	shalt  }
0x5a: {  	_ =	shalt  }
0x5b: {  	_ =	shalt  }
0x5c: {  	_ =	shalt  }
0x5d: {  	_ =	shalt  }
0x5e: {  	_ =	shalt  }
0x5f: {  	_ =	shalt  }
0x60: {  	_ =	shalt  }
0x61: {  	_ =	shalt  }
0x62: {  	_ =	shalt  }
0x63: {  	_ =	shalt  }
0x64: {  	_ =	shalt  }
0x65: {  	_ =	shalt  }
0x66: {  	_ =	shalt  }
0x67: {  	_ =	shalt  }
0x68: {  	_ =	shalt  }
0x69: {  	_ =	shalt  }
0x6a: {  	_ =	shalt  }
0x6b: {  	_ =	shalt  }
0x6c: {  	_ =	shalt  }
0x6d: {  	_ =	shalt  }
0x6e: {  	_ =	shalt  }
0x6f: {  	_ =	shalt  }
0x70: {  	_ =	shalt  }
0x71: {  	_ =	shalt  }
0x72: {  	_ =	shalt  }
0x73: {  	_ =	shalt  }
0x74: {  	_ =	shalt  }
0x75: {  	_ =	shalt  }
0x76: {  	_ =	shalt  }
0x77: {  	_ =	shalt  }
0x78: {  	_ =	shalt  }
0x79: {  	_ =	shalt  }
0x7a: {  	_ =	shalt  }
0x7b: {  	_ =	shalt  }
0x7c: {  	_ =	shalt  }
0x7d: {  	_ =	shalt  }
0x7e: {  	_ =	shalt  }
0x7f: {  	_ =	shalt  }
0x80: {  	_ =	shalt  }
0x81: {  	_ =	shalt  }
0x82: {  	_ =	shalt  }
0x83: {  	_ =	shalt  }
0x84: {  	_ =	shalt  }
0x85: {  	_ =	shalt  }
0x86: {  	_ =	shalt  }
0x87: {  	_ =	shalt  }
.Lfunc_end0:
.L_simem_size_0:
called_computation.5_lowered:
.L_overlay_start_0:
0x88: {  	s2 =	sld [smem:$0x3FD9]  }
0x89: {  	s3 =	sld [smem:$0x3FFE];
	_ =	sdelay $0x1  }
0x8a: {  	s1 =	srdreg.scid  }
0x8b: {  	s0 =	sand.u32 $0x1, s1  }
0x8c: {  	s17 =	sshll.u32 s0, $0xA;
	s2 =	sadd.s32 s3, s2  }
0x8d: {  	s2 =	sadd.s32 s2, s17  }
0x8e: {  	[smem:$0x3FC2] =	sst s2  }
0x8f: {  	_ = 	snop  }
0x90: {  	s2 =	sld [smem:$0x3FD0];
	(tm) =	ssettm $0x1  }
0x91: {  	s18 =	sld [smem:$0x3FFB];
	_ =	sdelay $0x3  }
0x92: {  	_ =	strace s18  }
0x93: {  	s3 =	sld [smem:$0x3FFC];
	_ =	sdelay $0x3  }
0x94: {  	_ =	strace s3  }
0x95: {  	s3 =	sld [smem:$0x3FFD];
	_ =	sdelay $0x3  }
0x96: {  	_ =	strace s3  }
0x97: {  	_ =	strace $0x8FFFFFFF  }
0x98: {  	s19 =	sld [smem:$0x3FDB];
	_ =	sdelay $0x1  }
0x99: {  	s4 =	simm.s32 $_scs_section_size  }
0x9a: {  	s5 =	simm.s32 $_size__tile_overlayer_lowered;
	s6 =	simm.s32 $_tile_overlayer_lowered  }
0x9b: {  	s22 =	simm.s32 $0x1BFF;
	s21 =	sshll.u32 s6, $0x1;
	s3 =	sadd.s32 s4, s19  }
0x9c: {  	s7 =	simm.s32 $0x0;
	s20 =	sshll.u32 s5, $0x1;
	s5 =	sadd.s32 s21, s3  }
0x9d: {  	[timem:s7], [sflag:s22] =	dma.local [hbm:s5], s20  }
0x9e: {  	_ =	swait.ge [sflag:s22], s20  }
0x9f: {  	s4 =	ssub.s32 $0x0, s20;
	[sflag:s22] =	ssyncset.done $0x0  }
0xa0: {  	[sflag:s22] =	ssyncadd.s32 s4;
	_ =	sdelay $0x1  }
0xa1: {  	s23 =	simm.s32 $0x1B8B  }
0xa2: {  	_ =	swait.ge [sflag:s23], $0x1  }
0xa3: {  	[sflag:s23] =	ssyncset.done $0x0  }
0xa4: {  	s25 =	simm.s32 $0x1B8E;
	s24 =	sld [smem:$0x3FFE];
	[sflag:s23] =	ssyncadd.s32 $0xFFFFFFFF  }
0xa5: {  	s26 =	simm.s32 $execute0_lowered;
	[smem:$0x3FD2] =	sst s25  }
0xa6: {  	s5 =	sshll.u32 s26, $0x1;
	_ =	strace $0x80000055;
	[dreg:$0x1] =	wrdreg $0xFFFFFFFF  }
0xa7: {  	s28 =	simm.s32 $_size_execute0_lowered;
	s3 =	sadd.s32 s3, s5;
	[dreg:$0x0] =	wrdreg $0x0  }
0xa8: {  	s5 =	sshll.u32 s28, $0x1;
	[dreg:$0x2] =	wrdreg s3  }
0xa9: {  	[dreg:$0x3] =	wrdreg s5  }
0xaa: {  	[dreg:$0x4] =	wrdreg $0xC0  }
0xab: {  	_ =	task [dreg:s7], $0x5FFFF  }
0xac: {  	[dreg:$0x1] =	wrdreg $0xFFFFFFFF  }
0xad: {  	[dreg:$0x0] =	wrdreg $0x60  }
0xae: {  	[dreg:$0x2] =	wrdreg s2  }
0xaf: {  	[dreg:$0x3] =	wrdreg s24  }
0xb0: {  	[dreg:$0x4] =	wrdreg $0x9  }
0xb1: {  	_ =	task.clear_ibuf [dreg:s7], $0x5FFFF;
	_ =	strace $0x90000055  }
0xb2: {  	s29 =	simm.s32 $0x9;
	_ =	strace $0x80000057  }
0xb3: {  	_ =	swait.ge [sflag:s29], $0x1  }
0xb4: {  	[sflag:s29] =	ssyncadd.s32 $0xFFFFFFFF  }
0xb5: {  	_ =	strace $0x90000057  }
0xb6: {  	_ =	sfence  }
0xb7: {  	s30 =	sld [smem:$0x0];
	_ =	sdelay $0x2  }
0xb8: {  	s31 =	sshll.u32 s1, $0xD;
	s1 =	sshrl.u32 s1, $0x2  }
0xb9: {  	s3 =	sand.u32 $0x4000, s31;
	s1 =	sadd.s32 s1, s30  }
0xba: {  	s0 =	sor.u32 s3, s0;
	s1 =	sshll.u32 s1, $0x11  }
0xbb: {  	s0 =	sor.u32 s1, s0  }
0xbc: {  	s0 =	sadd.s32 $0x8F2B, s0  }
0xbd: {  	[sflag:s0] =	ssyncadd.remote.s32 $0x1  }
0xbe: {  	_ =	sfence.sel $0xFFFF  }
0xbf: {  	[dreg:$0x0] =	wrdreg $0xFFFFFFFF;
	(pc) =	sbr.abs _section_cstart, $3  }
0xc0: {  	[dreg:$0x1] =	wrdreg $0xFFFFFFFF  }
0xc1: {  	_ =	task.clear_ibuf [dreg:s7], $0x2FFFF;
	_ =	strace $0x9FFFFFFF  }
0xc2: {  	(tm) =	ssettm $0x7FFFFFFF  }
0xc3: {  	_ =	shalt  }
tec
execute0_lowered:
.L_overlay_start_1:
0x0: {  	(tag) =	ssettag $0x1  }
0x1: {  	s0 =	srdreg.scid;
	s4 =	rddreg [dreg:$0x0]  }
0x2: {  	s5 =	rddreg [dreg:$0x1];
	s1 =	stileid.u32;
	s2 =	simm.s32 $0x0  }
0x3: {  	s11 =	simm.s32 $0x2800;
	s12 =	simm.s32 $0x3C00;
	s3 =	sand.u32 $0x1, s0  }
0x4: {  	s13 =	simm.s32 $0x5000;
	s14 =	simm.s32 $0x0;
	s6 =	sshll.u32 s3, $0x4  }
0x5: {  	s0 =	rddreg [dreg:$0x2];
	s3 =	ssub.s32 $0x2, s3;
	s6 =	sor.u32 s1, s6  }
0x6: {  	[smem:$0x7FF] =	sst s2;
	s31 =	sshrl.u32 s3, $0x1;
	s9 =	smul.u32 $0x280, s6  }
0x7: {  	s10 =	sadd.s32 $0x5000, s4;
	_ =	strace $0x80000056;
	s8 =	ssub.s32 s3, s31  }
0x8: {  	s7 =	sadd.s32 s9, s5;
	s3 =	sadd.s32 s4, s9;
	s9 =	sadd.s32 s9, s10  }
0x9: {  	s10 =	simm.s32 $0x1400;
	s4 =	sadd.s32 $0x15E00, s7;
	s5 =	sadd.s32 $0xBE00, s7  }
0xa: {  	s6 =	sadd.s32 $0x10E00, s7;
	s7 =	smax.u32 s8, $0x1;
	s8 =	simm.s32 $0x1  }
.LBB2_1:
0xb: {  	[tilespmem:s2], [sflag:$0x1] =	stream.linear.gather [hbm4b:s3+s2], $0x1400, $0x38;
	[tilespmem:$0x6400] =	vst v63  }
0xc: {  	_ =	swait.ge [sflag:s8], $0x1400  }
0xd: {  	[sflag:s8] =	ssyncset.done $0x0  }
0xe: {  	[sflag:s8] =	ssyncadd.s32 $0xFFFFEC00  }
0xf: {  	[tilespmem:s10], [sflag:$0x1] =	stream.linear.gather [hbm4b:s9+s2], $0x1400, $0x38;
	[tilespmem:$0x6400] =	vst v63  }
0x10: {  	_ =	swait.ge [sflag:s8], $0x1400  }
0x11: {  	[sflag:s8] =	ssyncset.done $0x0  }
0x12: {  	[sflag:s8] =	ssyncadd.s32 $0xFFFFEC00  }
0x13: {  	[tilespmem:s11], [sflag:$0x1] =	stream.linear.gather [hbm4b:s4+s2], $0x1400, $0x38;
	[tilespmem:$0x6400] =	vst v63  }
0x14: {  	_ =	swait.ge [sflag:s8], $0x1400  }
0x15: {  	[sflag:s8] =	ssyncset.done $0x0  }
0x16: {  	[sflag:s8] =	ssyncadd.s32 $0xFFFFEC00  }
0x17: {  	[tilespmem:s12], [sflag:$0x1] =	stream.linear.gather [hbm4b:s5+s2], $0x1400, $0x38;
	[tilespmem:$0x6400] =	vst v63  }
0x18: {  	_ =	swait.ge [sflag:s8], $0x1400  }
0x19: {  	[sflag:s8] =	ssyncset.done $0x0  }
0x1a: {  	s15 =	simm.s32 $0x0;
	[sflag:s8] =	ssyncadd.s32 $0xFFFFEC00  }
0x1b: {  	v0 =	vld [tilespmem:s15+$0x0]  }
0x1c: {  	v1 =	vld [tilespmem:s15+$0x1400];
	_ =	sdelay $0x1  }
0x1d: {  	v2 =	vld [tilespmem:s15+$0x3C00];
	_ =	sdelay $0x2  }
0x1e: {  	s16 =	simm.s32 $0x10;
	v3 =	vld [tilespmem:s15+$0x2800];
	v1 =	vadd.f32 v1, v0  }
0x1f: {  	v0 =	vld [tilespmem:s16+$0x0]  }
0x20: {  	v4 =	vadd.f32 v2, v1;
	v2 =	vld [tilespmem:s16+$0x1400];
	_ =	sdelay $0x1  }
0x21: {  	v1 =	vld [tilespmem:s16+$0x3C00]  }
0x22: {  	s17 =	simm.s32 $0x80;
	v3 =	vmul.f32 v4, v3  }
.LBB2_2:
0x23: {  	s18 =	sshra.s32 s17, $0x2;
	v4 =	vld [tilespmem:s16+$0x2800];
	p0 =	sne.s32 s17, $0x4FC0  }
.Ltmp0:
0x24: {  	s17 =	sadd.s32 $0x40, s17;
	v5 =	vadd.f32 v2, v0;
	v0 =	vld [tilespmem:s18+$0x0];
	[tilespmem:s15+$0x5000] =	vst v3;
	(pc) =	sbr.rel @p0 .LBB2_2-.Ltmp0, $4  }
0x25: {  	s15 =	smov.u32 s16;
	s16 =	smov.u32 s18;
	v2 =	vld [tilespmem:s18+$0x1400]  }
0x26: {  	v3 =	vadd.f32 v1, v5  }
0x27: {  	v1 =	vld [tilespmem:s16+$0x3C00]  }
0x28: {  	v3 =	vmul.f32 v3, v4  }
0x29: {  	v4 =	vld [tilespmem:s16+$0x2800]  }
0x2a: {  	v0 =	vadd.f32 v2, v0;
	_ =	sdelay $0x1  }
0x2b: {  	v0 =	vadd.f32 v1, v0;
	_ =	sdelay $0x1  }
0x2c: {  	s14 =	sadd.s32 $0x1, s14;
	v0 =	vmul.f32 v0, v4  }
0x2d: {  	[tilespmem:s15+$0x5000] =	vst v3;
	p0 =	sne.s32 s14, s7  }
.Ltmp1:
0x2e: {  	[tilespmem:s16+$0x5000] =	vst v0;
	(pc) =	sbr.rel @p0 .LBB2_1-.Ltmp1, $4  }
0x2f: {  	[hbm4b:s6+s2] =	stream.linear.scatter [tilespmem:s13], [sflag:$0x1], $0x1400, $0x38;
	[tilespmem:$0x6400] =	vst v63  }
0x30: {  	_ =	swait.ge [sflag:s8], $0x1400  }
0x31: {  	[sflag:s8] =	ssyncset.done $0x0  }
0x32: {  	[sflag:s8] =	ssyncadd.s32 $0xFFFFEC00  }
0x33: {  	_ =	sfence.sel $0x180000  }
0x34: {  	[bflag:$0x0] =	sbarrier.arrive $0xFFFF  }
0x35: {  	p0 =	sne.s32 s1, $0x0;
	_ =	strace $0x90000056  }
0x36: {  	s0 =	sadd.s32 @!p0 $0x100000, s0;
	[bflag:$0x2] =	sbarrier.arrive $0xFFFF  }
0x37: {  	[sflag:s0] =	ssyncadd.tile.s32 @!p0 $0x1;
	_ =	shalt  }
.Lfunc_end2:
_tile_overlayer_lowered:
.L_overlay_start_2:
0x38: {  	(tag) =	ssettag $0x2  }
0x39: {  	s0 =	rddreg [dreg:$0x0];
	s2 =	stileid.u32  }
0x3a: {  	s1 =	rddreg [dreg:$0x1];
	p0 =	sne.s32 s2, $0x0  }
0x3b: {  	s3 =	rddreg [dreg:$0x2];
	[bflag:$0x3] =	sbarrier.arrive $0xFFFF;
	s2 =	simm.s32 @!p0 $0x1C01  }
0x3c: {  	[timem:s3], [sflag:s2] =	dma.local @!p0 [hbm:s0], s1  }
0x3d: {  	s0 =	simm.s32 @!p0 $0x1  }
0x3e: {  	_ =	swait.ge @!p0 [sflag:s0], s1  }
0x3f: {  	s1 =	ssub.s32 @!p0 $0x0, s1;
	[sflag:s0] =	ssyncset.done @!p0 $0x0  }
0x40: {  	[sflag:s0] =	ssyncadd.s32 @!p0 s1  }
0x41: {  	[bflag:$0x3] =	sbarrier.arrive $0xFFFF  }
0x42: {  	_ =	shalt  }

</sc_bundles>
